<compile_context>
chip_gen: v7x
topology: tpu7x:2x2x1
jax: 0.10.2.dev20260603
libtpu: 0.0.44.dev20260713+nightly
codegen_flags: <defaults>
</compile_context>

<pallas_src>
import functools

import jax
import jax.numpy as jnp
from jax import lax
from jax.experimental import pallas as pl
from jax.experimental.pallas import tpu as pltpu
from jax.experimental.pallas import tpu_sc as plsc

N = 10000
E = 320000
D = 128

NC = 2
NS = 16
NW = NC * NS
EPW = E // NW
CH = 128
NFULL = EPW // CH
REM = EPW - NFULL * CH

SLAB = 624
SLAB_TAIL = N - NS * SLAB

DEG_PER_TILE = 632
DEG_PAD = NS * DEG_PER_TILE

_MESH = plsc.VectorSubcoreMesh(core_axis_name="c", subcore_axis_name="s")


@functools.partial(
    pl.kernel,
    out_type=jax.ShapeDtypeStruct((NC, DEG_PAD, D), jnp.float32),
    mesh=_MESH,
    scratch_types=[
        pltpu.VMEM_SHARED((DEG_PAD, D), jnp.float32),
        pltpu.VMEM((CH,), jnp.int32),
        pltpu.VMEM((REM,), jnp.int32),
        pltpu.VMEM((CH, D), jnp.float32),
    ],
)
def _sc_deg(dst_hbm, zeros_hbm, out_hbm, acc_sh, dst_v, dst_r, ones_v):
    c = lax.axis_index("c")
    s = lax.axis_index("s")

    def fill_ones(i, _):
        r = i // 8
        k = i % 8
        ones_v[r, pl.ds(k * 16, 16)] = jnp.ones((16,), jnp.float32)
        return 0

    lax.fori_loop(0, CH * 8, fill_ones, 0)

    pltpu.sync_copy(
        zeros_hbm.at[pl.ds(s * DEG_PER_TILE, DEG_PER_TILE)],
        acc_sh.at[pl.ds(s * DEG_PER_TILE, DEG_PER_TILE)],
    )
    plsc.subcore_barrier()

    base = (c * NS + s) * EPW

    def body(j, _):
        pltpu.sync_copy(dst_hbm.at[pl.ds(base + j * CH, CH)], dst_v)
        pltpu.sync_copy(ones_v, acc_sh.at[dst_v], add=True)
        return 0

    lax.fori_loop(0, NFULL, body, 0)
    pltpu.sync_copy(dst_hbm.at[pl.ds(base + NFULL * CH, REM)], dst_r)
    pltpu.sync_copy(ones_v.at[pl.ds(0, REM)], acc_sh.at[dst_r], add=True)

    plsc.subcore_barrier()
    pltpu.sync_copy(
        acc_sh.at[pl.ds(s * DEG_PER_TILE, DEG_PER_TILE)],
        out_hbm.at[c, pl.ds(s * DEG_PER_TILE, DEG_PER_TILE)],
    )


NPAIR = NFULL // 2


@functools.partial(
    pl.kernel,
    out_type=jax.ShapeDtypeStruct((NC, N, D), jnp.float32),
    mesh=_MESH,
    scratch_types=[
        pltpu.VMEM_SHARED((N, D), jnp.float32),
    ] + [pltpu.VMEM((CH,), jnp.int32)] * 4
      + [pltpu.VMEM((CH, D), jnp.float32)] * 2 + [
        pltpu.VMEM((REM,), jnp.int32),
        pltpu.VMEM((REM,), jnp.int32),
        pltpu.VMEM((REM, D), jnp.float32),
    ] + [pltpu.SemaphoreType.DMA] * 2,
)
def _sc_agg(y_hbm, src_hbm, dst_hbm, zeros_hbm, out_hbm, acc_sh, *rest):
    src_a, dst_a, src_b, dst_b = rest[0:4]
    rows_a, rows_b = rest[4:6]
    src_r, dst_r, rows_r = rest[6:9]
    sem_a, sem_b = rest[9:11]
    c = lax.axis_index("c")
    s = lax.axis_index("s")

    pltpu.sync_copy(
        zeros_hbm.at[pl.ds(s * SLAB, SLAB)],
        acc_sh.at[pl.ds(s * SLAB, SLAB)],
    )

    @pl.when(s == 0)
    def _():
        pltpu.sync_copy(
            zeros_hbm.at[pl.ds(NS * SLAB, SLAB_TAIL)],
            acc_sh.at[pl.ds(NS * SLAB, SLAB_TAIL)],
        )

    plsc.subcore_barrier()

    base = (c * NS + s) * EPW

    pltpu.sync_copy(src_hbm.at[pl.ds(base, CH)], src_a)
    pltpu.sync_copy(dst_hbm.at[pl.ds(base, CH)], dst_a)
    pltpu.async_copy(y_hbm.at[src_a], rows_a, sem_a)
    pltpu.sync_copy(src_hbm.at[pl.ds(base + CH, CH)], src_b)
    pltpu.sync_copy(dst_hbm.at[pl.ds(base + CH, CH)], dst_b)
    pltpu.async_copy(y_hbm.at[src_b], rows_b, sem_b)

    def pair(t, _):
        pltpu.make_async_copy(y_hbm.at[pl.ds(0, CH)], rows_a, sem_a).wait()
        pltpu.sync_copy(rows_a, acc_sh.at[dst_a], add=True)

        @pl.when(t < NPAIR - 1)
        def _():
            off = base + (2 * t + 2) * CH
            pltpu.sync_copy(src_hbm.at[pl.ds(off, CH)], src_a)
            pltpu.sync_copy(dst_hbm.at[pl.ds(off, CH)], dst_a)
            pltpu.async_copy(y_hbm.at[src_a], rows_a, sem_a)

        pltpu.make_async_copy(y_hbm.at[pl.ds(0, CH)], rows_b, sem_b).wait()
        pltpu.sync_copy(rows_b, acc_sh.at[dst_b], add=True)

        @pl.when(t < NPAIR - 1)
        def _():
            off = base + (2 * t + 3) * CH
            pltpu.sync_copy(src_hbm.at[pl.ds(off, CH)], src_b)
            pltpu.sync_copy(dst_hbm.at[pl.ds(off, CH)], dst_b)
            pltpu.async_copy(y_hbm.at[src_b], rows_b, sem_b)

        return 0

    lax.fori_loop(0, NPAIR, pair, 0)

    off = base + NFULL * CH
    pltpu.sync_copy(src_hbm.at[pl.ds(off, REM)], src_r)
    pltpu.sync_copy(dst_hbm.at[pl.ds(off, REM)], dst_r)
    pltpu.async_copy(y_hbm.at[src_r], rows_r, sem_a).wait()
    pltpu.sync_copy(rows_r, acc_sh.at[dst_r], add=True)

    plsc.subcore_barrier()
    pltpu.sync_copy(
        acc_sh.at[pl.ds(s * SLAB, SLAB)],
        out_hbm.at[c, pl.ds(s * SLAB, SLAB)],
    )

    @pl.when(s == 0)
    def _():
        pltpu.sync_copy(
            acc_sh.at[pl.ds(NS * SLAB, SLAB_TAIL)],
            out_hbm.at[c, pl.ds(NS * SLAB, SLAB_TAIL)],
        )


_BLK = 2000


def _tc_pre_body(x_ref, ws_ref, wn_ref, b_ref, z_ref, y_ref):
    x = x_ref[...]
    z_ref[...] = jnp.dot(x, ws_ref[...], preferred_element_type=jnp.float32) + b_ref[...]
    y_ref[...] = jnp.dot(x, wn_ref[...], preferred_element_type=jnp.float32)


def _tc_pre(x, ws, wn, b):
    return pl.pallas_call(
        _tc_pre_body,
        grid=(N // _BLK,),
        in_specs=[
            pl.BlockSpec((_BLK, D), lambda i: (i, 0)),
            pl.BlockSpec((D, D), lambda i: (0, 0)),
            pl.BlockSpec((D, D), lambda i: (0, 0)),
            pl.BlockSpec((1, D), lambda i: (0, 0)),
        ],
        out_specs=[
            pl.BlockSpec((_BLK, D), lambda i: (i, 0)),
            pl.BlockSpec((_BLK, D), lambda i: (i, 0)),
        ],
        out_shape=[
            jax.ShapeDtypeStruct((N, D), jnp.float32),
            jax.ShapeDtypeStruct((N, D), jnp.float32),
        ],
    )(x, ws, wn, b)


def _combine(z_ref, acc_ref, deg_ref):
    d = deg_ref[0] + deg_ref[1]
    inv = 1.0 / jnp.maximum(d, 1.0)
    return z_ref[...] + (acc_ref[0] + acc_ref[1]) * inv


def _tc_postpre_body(z_ref, acc_ref, deg_ref, ws_ref, wn_ref, b_ref, z2_ref, y2_ref):
    h = jnp.maximum(_combine(z_ref, acc_ref, deg_ref), 0.0)
    z2_ref[...] = jnp.dot(h, ws_ref[...], preferred_element_type=jnp.float32) + b_ref[...]
    y2_ref[...] = jnp.dot(h, wn_ref[...], preferred_element_type=jnp.float32)


def _tc_postpre(z, acc, deg, ws, wn, b):
    return pl.pallas_call(
        _tc_postpre_body,
        grid=(N // _BLK,),
        in_specs=[
            pl.BlockSpec((_BLK, D), lambda i: (i, 0)),
            pl.BlockSpec((NC, _BLK, D), lambda i: (0, i, 0)),
            pl.BlockSpec((NC, _BLK, 1), lambda i: (0, i, 0)),
            pl.BlockSpec((D, D), lambda i: (0, 0)),
            pl.BlockSpec((D, D), lambda i: (0, 0)),
            pl.BlockSpec((1, D), lambda i: (0, 0)),
        ],
        out_specs=[
            pl.BlockSpec((_BLK, D), lambda i: (i, 0)),
            pl.BlockSpec((_BLK, D), lambda i: (i, 0)),
        ],
        out_shape=[
            jax.ShapeDtypeStruct((N, D), jnp.float32),
            jax.ShapeDtypeStruct((N, D), jnp.float32),
        ],
    )(z, acc, deg, ws, wn, b)


def _tc_post_body(z_ref, acc_ref, deg_ref, out_ref):
    out_ref[...] = _combine(z_ref, acc_ref, deg_ref)


def _tc_post(z, acc, deg):
    return pl.pallas_call(
        _tc_post_body,
        grid=(N // _BLK,),
        in_specs=[
            pl.BlockSpec((_BLK, D), lambda i: (i, 0)),
            pl.BlockSpec((NC, _BLK, D), lambda i: (0, i, 0)),
            pl.BlockSpec((NC, _BLK, 1), lambda i: (0, i, 0)),
        ],
        out_specs=pl.BlockSpec((_BLK, D), lambda i: (i, 0)),
        out_shape=jax.ShapeDtypeStruct((N, D), jnp.float32),
    )(z, acc, deg)


def kernel(inputs, Ws0, Wn0, b0, Ws1, Wn1, b1, Ws2, Wn2, b2, edge_index):
    src = edge_index[0]
    dst = edge_index[1]
    zeros = jnp.zeros((DEG_PAD, D), jnp.float32)

    deg_raw = _sc_deg(dst, zeros)
    deg = deg_raw[:, :N, 0:1]

    ws2p = jnp.zeros((D, D), jnp.float32).at[:, : Ws2.shape[1]].set(Ws2)
    wn2p = jnp.zeros((D, D), jnp.float32).at[:, : Wn2.shape[1]].set(Wn2)
    b2p = jnp.zeros((1, D), jnp.float32).at[0, : b2.shape[0]].set(b2)

    z0, y0 = _tc_pre(inputs, Ws0, Wn0, b0.reshape(1, D))
    acc0 = _sc_agg(y0, src, dst, zeros)
    z1, y1 = _tc_postpre(z0, acc0, deg, Ws1, Wn1, b1.reshape(1, D))
    acc1 = _sc_agg(y1, src, dst, zeros)
    z2, y2 = _tc_postpre(z1, acc1, deg, ws2p, wn2p, b2p)
    acc2 = _sc_agg(y2, src, dst, zeros)
    out = _tc_post(z2, acc2, deg)
    return out[:, : Ws2.shape[1]]

# --- scband reference (transcript-rebuilt; emitter-appended) ---
"""Pipeline reference for scband-graph-sage-31550829756707 (READ-ONLY COPY).

The authoritative reference and input builder live on the scoring server;
editing this copy changes nothing except your own understanding.
"""

import jax, jax.numpy as jnp
import numpy as np

N_NODES = 10000
N_EDGES = 320000
D_IN = 128
D_H = 128
N_CLASSES = 40


def setup_inputs(seed: int = 0) -> dict:
    key = jax.random.key(seed)
    ks = jax.random.split(key, 12)
    inputs = jax.random.normal(ks[0], (N_NODES, D_IN), dtype=jnp.float32)
    edge_index = jax.random.randint(ks[1], (2, N_EDGES), 0, N_NODES, dtype=jnp.int32)

    def glorot(k, shape):
        fan_in = shape[0]
        return jax.random.normal(k, shape, dtype=jnp.float32) * (1.0 / np.sqrt(fan_in))

    # Layer 0: D_IN -> D_H
    Ws0 = glorot(ks[2], (D_IN, D_H))
    Wn0 = glorot(ks[3], (D_IN, D_H))
    b0 = jnp.zeros((D_H,), dtype=jnp.float32)
    # Layer 1: D_H -> D_H
    Ws1 = glorot(ks[4], (D_H, D_H))
    Wn1 = glorot(ks[5], (D_H, D_H))
    b1 = jnp.zeros((D_H,), dtype=jnp.float32)
    # Layer 2: D_H -> N_CLASSES
    Ws2 = glorot(ks[6], (D_H, N_CLASSES))
    Wn2 = glorot(ks[7], (D_H, N_CLASSES))
    b2 = jnp.zeros((N_CLASSES,), dtype=jnp.float32)

    return {
        "inputs": inputs,
        "Ws0": Ws0, "Wn0": Wn0, "b0": b0,
        "Ws1": Ws1, "Wn1": Wn1, "b1": b1,
        "Ws2": Ws2, "Wn2": Wn2, "b2": b2,
        "edge_index": edge_index,
    }


def _sage_conv_mean(x, src, dst, Ws, Wn, b):
    # DGL SAGEConv with aggregator_type='mean':
    # h_neigh = mean_{u in N(v)} x_u ; out = x @ W_self + h_neigh @ W_neigh + b
    msg = jnp.take(x, src, axis=0)                                  # gather over edges
    agg = jax.ops.segment_sum(msg, dst, num_segments=N_NODES)        # scatter-add by dst
    deg = jax.ops.segment_sum(jnp.ones((src.shape[0],), x.dtype), dst, num_segments=N_NODES)
    h_neigh = agg / jnp.clip(deg, 1.0)[:, None]
    return x @ Ws + h_neigh @ Wn + b


def reference(inputs, Ws0, Wn0, b0, Ws1, Wn1, b1, Ws2, Wn2, b2, edge_index):
    src = edge_index[0]
    dst = edge_index[1]
    h = _sage_conv_mean(inputs, src, dst, Ws0, Wn0, b0)
    h = jax.nn.relu(h)  # dropout=0.0 -> identity
    h = _sage_conv_mean(h, src, dst, Ws1, Wn1, b1)
    h = jax.nn.relu(h)
    h = _sage_conv_mean(h, src, dst, Ws2, Wn2, b2)
    return h

if __name__ == "__main__":
    import jax
    _d = setup_inputs()
    print(jax.jit(kernel)(*tuple(_d.values())))

</pallas_src>

<mosaic_0001>
#map = affine_map<(d0, d1) -> (0, 0)>
#map1 = affine_map<(d0, d1) -> (0)>
#map2 = affine_map<(d0, d1) -> (0, 0, 0)>
module attributes {stable_mosaic.version = 14 : i64} {
  func.func @_sc_agg(%arg0: i32, %arg1: i32, %arg2: memref<10000x128xf32, #tpu.memory_space<hbm>>, %arg3: memref<320000xi32, #tpu.memory_space<hbm>>, %arg4: memref<320000xi32, #tpu.memory_space<hbm>>, %arg5: memref<10112x128xf32, #tpu.memory_space<hbm>>, %arg6: memref<2x10000x128xf32, #tpu.memory_space<hbm>>, %arg7: memref<10000x128xf32, #tpu.memory_space<vmem_shared>>, %arg8: memref<128xi32, #tpu.memory_space<vmem>>, %arg9: memref<128xi32, #tpu.memory_space<vmem>>, %arg10: memref<128xi32, #tpu.memory_space<vmem>>, %arg11: memref<128xi32, #tpu.memory_space<vmem>>, %arg12: memref<128x128xf32, #tpu.memory_space<vmem>>, %arg13: memref<128x128xf32, #tpu.memory_space<vmem>>, %arg14: memref<16xi32, #tpu.memory_space<vmem>>, %arg15: memref<16xi32, #tpu.memory_space<vmem>>, %arg16: memref<16x128xf32, #tpu.memory_space<vmem>>, %arg17: memref<!tpu.dma_semaphore, #tpu.memory_space<semaphore_mem>>, %arg18: memref<!tpu.dma_semaphore, #tpu.memory_space<semaphore_mem>>) attributes {dimension_semantics = [#tpu.dimension_semantics<core_parallel>, #tpu.dimension_semantics<subcore_parallel>], iteration_bounds = array<i64: 2, 16>, scalar_prefetch = 0 : i64, scratch_operands = 12 : i64, tpu.core_type = #tpu.core_type<sc_vector_subcore>, window_params = [{transform_indices = #map}, {transform_indices = #map1}, {transform_indices = #map1}, {transform_indices = #map}, {transform_indices = #map2}]} {
    %mul3A = arith.constant 624 : i32
    %mul3A_0 = arith.muli %arg1, %mul3A : i32
    %mul3A_1 = arith.constant 624 : i32
    %mul3A_2 = arith.muli %arg1, %mul3A_1 : i32
    "tpu.region"() ({
      %run_scoped3A = tpu.sem_alloc : memref<!tpu.dma_semaphore, #tpu.memory_space<semaphore_mem>>
      %dma_start3A_41 = arith.constant 0 : i32
      %dma_start3A_42 = tpu.memref_slice %arg7[%mul3A_2, %dma_start3A_41] : memref<10000x128xf32, #tpu.memory_space<vmem_shared>> -> memref<624x128xf32, #tpu.memory_space<vmem_shared>>
      %dma_start3A_43 = arith.constant 0 : i32
      %dma_start3A_44 = tpu.memref_slice %arg5[%mul3A_0, %dma_start3A_43] : memref<10112x128xf32, #tpu.memory_space<hbm>> -> memref<624x128xf32, #tpu.memory_space<hbm>>
      tpu.enqueue_dma source(%dma_start3A_44 : memref<624x128xf32, #tpu.memory_space<hbm>>) target(%dma_start3A_42 : memref<624x128xf32, #tpu.memory_space<vmem_shared>>) target_semaphore(%run_scoped3A : memref<!tpu.dma_semaphore, #tpu.memory_space<semaphore_mem>>)
      %dma_wait3A_45 = arith.constant 0 : i32
      %dma_wait3A_46 = tpu.memref_slice %arg7[%mul3A_2, %dma_wait3A_45] : memref<10000x128xf32, #tpu.memory_space<vmem_shared>> -> memref<624x128xf32, #tpu.memory_space<vmem_shared>>
      %dma_wait3A_47 = arith.constant 0 : i32
      %dma_wait3A_48 = tpu.memref_slice %arg5[%mul3A_0, %dma_wait3A_47] : memref<10112x128xf32, #tpu.memory_space<hbm>> -> memref<624x128xf32, #tpu.memory_space<hbm>>
      tpu.wait_dma2 semaphore(%run_scoped3A : memref<!tpu.dma_semaphore, #tpu.memory_space<semaphore_mem>>) src(%dma_wait3A_48 : memref<624x128xf32, #tpu.memory_space<hbm>>) dst(%dma_wait3A_46 : memref<624x128xf32, #tpu.memory_space<vmem_shared>>)
      tpu.yield
    }) : () -> ()
    %eq3A = arith.constant 0 : i32
    %eq3A_3 = arith.cmpi eq, %arg1, %eq3A : i32
    %convert_element_type3A = arith.extui %eq3A_3 : i1 to i32
    %cond3A = arith.constant 0 : i32
    %cond3A_4 = arith.cmpi ne, %convert_element_type3A, %cond3A : i32
    scf.if %cond3A_4 {
      "tpu.region"() ({
        %run_scoped3A = tpu.sem_alloc : memref<!tpu.dma_semaphore, #tpu.memory_space<semaphore_mem>>
        %dma_start3A_41 = arith.constant 9984 : i32
        %dma_start3A_42 = arith.constant 0 : i32
        %dma_start3A_43 = tpu.memref_slice %arg7[%dma_start3A_41, %dma_start3A_42] : memref<10000x128xf32, #tpu.memory_space<vmem_shared>> -> memref<16x128xf32, #tpu.memory_space<vmem_shared>>
        %dma_start3A_44 = arith.constant 9984 : i32
        %dma_start3A_45 = arith.constant 0 : i32
        %dma_start3A_46 = tpu.memref_slice %arg5[%dma_start3A_44, %dma_start3A_45] : memref<10112x128xf32, #tpu.memory_space<hbm>> -> memref<16x128xf32, #tpu.memory_space<hbm>>
        tpu.enqueue_dma source(%dma_start3A_46 : memref<16x128xf32, #tpu.memory_space<hbm>>) target(%dma_start3A_43 : memref<16x128xf32, #tpu.memory_space<vmem_shared>>) target_semaphore(%run_scoped3A : memref<!tpu.dma_semaphore, #tpu.memory_space<semaphore_mem>>)
        %dma_wait3A_47 = arith.constant 9984 : i32
        %dma_wait3A_48 = arith.constant 0 : i32
        %dma_wait3A_49 = tpu.memref_slice %arg7[%dma_wait3A_47, %dma_wait3A_48] : memref<10000x128xf32, #tpu.memory_space<vmem_shared>> -> memref<16x128xf32, #tpu.memory_space<vmem_shared>>
        %dma_wait3A_50 = arith.constant 9984 : i32
        %dma_wait3A_51 = arith.constant 0 : i32
        %dma_wait3A_52 = tpu.memref_slice %arg5[%dma_wait3A_50, %dma_wait3A_51] : memref<10112x128xf32, #tpu.memory_space<hbm>> -> memref<16x128xf32, #tpu.memory_space<hbm>>
        tpu.wait_dma2 semaphore(%run_scoped3A : memref<!tpu.dma_semaphore, #tpu.memory_space<semaphore_mem>>) src(%dma_wait3A_52 : memref<16x128xf32, #tpu.memory_space<hbm>>) dst(%dma_wait3A_49 : memref<16x128xf32, #tpu.memory_space<vmem_shared>>)
        tpu.yield
      }) : () -> ()
    } else {
    }
    %barrier3A = arith.constant 0 : index
    tpu.barrier barrier_id(%barrier3A)
    %mul3A_5 = arith.constant 16 : i32
    %mul3A_6 = arith.muli %arg0, %mul3A_5 : i32
    %add3A = arith.addi %mul3A_6, %arg1 : i32
    %mul3A_7 = arith.constant 10000 : i32
    %mul3A_8 = arith.muli %add3A, %mul3A_7 : i32
    "tpu.region"() ({
      %run_scoped3A = tpu.sem_alloc : memref<!tpu.dma_semaphore, #tpu.memory_space<semaphore_mem>>
      %dma_start3A_41 = tpu.memref_slice %arg3[%mul3A_8] : memref<320000xi32, #tpu.memory_space<hbm>> -> memref<128xi32, #tpu.memory_space<hbm>>
      %dma_start3A_42 = tpu.memref_slice %arg3[%mul3A_8] : memref<320000xi32, #tpu.memory_space<hbm>> -> memref<128xi32, #tpu.memory_space<hbm>>
      tpu.enqueue_dma source(%dma_start3A_42 : memref<128xi32, #tpu.memory_space<hbm>>) target(%arg8 : memref<128xi32, #tpu.memory_space<vmem>>) target_semaphore(%run_scoped3A : memref<!tpu.dma_semaphore, #tpu.memory_space<semaphore_mem>>)
      %dma_wait3A_43 = tpu.memref_slice %arg3[%mul3A_8] : memref<320000xi32, #tpu.memory_space<hbm>> -> memref<128xi32, #tpu.memory_space<hbm>>
      %dma_wait3A_44 = tpu.memref_slice %arg3[%mul3A_8] : memref<320000xi32, #tpu.memory_space<hbm>> -> memref<128xi32, #tpu.memory_space<hbm>>
      tpu.wait_dma2 semaphore(%run_scoped3A : memref<!tpu.dma_semaphore, #tpu.memory_space<semaphore_mem>>) src(%dma_wait3A_44 : memref<128xi32, #tpu.memory_space<hbm>>) dst(%arg8 : memref<128xi32, #tpu.memory_space<vmem>>)
      tpu.yield
    }) : () -> ()
    "tpu.region"() ({
      %run_scoped3A = tpu.sem_alloc : memref<!tpu.dma_semaphore, #tpu.memory_space<semaphore_mem>>
      %dma_start3A_41 = tpu.memref_slice %arg4[%mul3A_8] : memref<320000xi32, #tpu.memory_space<hbm>> -> memref<128xi32, #tpu.memory_space<hbm>>
      %dma_start3A_42 = tpu.memref_slice %arg4[%mul3A_8] : memref<320000xi32, #tpu.memory_space<hbm>> -> memref<128xi32, #tpu.memory_space<hbm>>
      tpu.enqueue_dma source(%dma_start3A_42 : memref<128xi32, #tpu.memory_space<hbm>>) target(%arg9 : memref<128xi32, #tpu.memory_space<vmem>>) target_semaphore(%run_scoped3A : memref<!tpu.dma_semaphore, #tpu.memory_space<semaphore_mem>>)
      %dma_wait3A_43 = tpu.memref_slice %arg4[%mul3A_8] : memref<320000xi32, #tpu.memory_space<hbm>> -> memref<128xi32, #tpu.memory_space<hbm>>
      %dma_wait3A_44 = tpu.memref_slice %arg4[%mul3A_8] : memref<320000xi32, #tpu.memory_space<hbm>> -> memref<128xi32, #tpu.memory_space<hbm>>
      tpu.wait_dma2 semaphore(%run_scoped3A : memref<!tpu.dma_semaphore, #tpu.memory_space<semaphore_mem>>) src(%dma_wait3A_44 : memref<128xi32, #tpu.memory_space<hbm>>) dst(%arg9 : memref<128xi32, #tpu.memory_space<vmem>>)
      tpu.yield
    }) : () -> ()
    %dma_start3A = arith.constant 0 : i32
    %dma_start3A_9 = arith.constant 0 : i32
    %dma_start3A_10 = tpu.memref_slice %arg2[%dma_start3A, %dma_start3A_9] : memref<10000x128xf32, #tpu.memory_space<hbm>> -> memref<10000x128xf32, #tpu.memory_space<hbm>>
    tpu.enqueue_indirect_dma source(%dma_start3A_10 : memref<10000x128xf32, #tpu.memory_space<hbm>>) target(%arg12 : memref<128x128xf32, #tpu.memory_space<vmem>>) offsets(%arg8 : memref<128xi32, #tpu.memory_space<vmem>>) semaphore(%arg17 : memref<!tpu.dma_semaphore, #tpu.memory_space<semaphore_mem>>)
    %add3A_11 = arith.constant 128 : i32
    %add3A_12 = arith.addi %mul3A_8, %add3A_11 : i32
    "tpu.region"() ({
      %run_scoped3A = tpu.sem_alloc : memref<!tpu.dma_semaphore, #tpu.memory_space<semaphore_mem>>
      %dma_start3A_41 = tpu.memref_slice %arg3[%add3A_12] : memref<320000xi32, #tpu.memory_space<hbm>> -> memref<128xi32, #tpu.memory_space<hbm>>
      %dma_start3A_42 = tpu.memref_slice %arg3[%add3A_12] : memref<320000xi32, #tpu.memory_space<hbm>> -> memref<128xi32, #tpu.memory_space<hbm>>
      tpu.enqueue_dma source(%dma_start3A_42 : memref<128xi32, #tpu.memory_space<hbm>>) target(%arg10 : memref<128xi32, #tpu.memory_space<vmem>>) target_semaphore(%run_scoped3A : memref<!tpu.dma_semaphore, #tpu.memory_space<semaphore_mem>>)
      %dma_wait3A_43 = tpu.memref_slice %arg3[%add3A_12] : memref<320000xi32, #tpu.memory_space<hbm>> -> memref<128xi32, #tpu.memory_space<hbm>>
      %dma_wait3A_44 = tpu.memref_slice %arg3[%add3A_12] : memref<320000xi32, #tpu.memory_space<hbm>> -> memref<128xi32, #tpu.memory_space<hbm>>
      tpu.wait_dma2 semaphore(%run_scoped3A : memref<!tpu.dma_semaphore, #tpu.memory_space<semaphore_mem>>) src(%dma_wait3A_44 : memref<128xi32, #tpu.memory_space<hbm>>) dst(%arg10 : memref<128xi32, #tpu.memory_space<vmem>>)
      tpu.yield
    }) : () -> ()
    %add3A_13 = arith.constant 128 : i32
    %add3A_14 = arith.addi %mul3A_8, %add3A_13 : i32
    "tpu.region"() ({
      %run_scoped3A = tpu.sem_alloc : memref<!tpu.dma_semaphore, #tpu.memory_space<semaphore_mem>>
      %dma_start3A_41 = tpu.memref_slice %arg4[%add3A_14] : memref<320000xi32, #tpu.memory_space<hbm>> -> memref<128xi32, #tpu.memory_space<hbm>>
      %dma_start3A_42 = tpu.memref_slice %arg4[%add3A_14] : memref<320000xi32, #tpu.memory_space<hbm>> -> memref<128xi32, #tpu.memory_space<hbm>>
      tpu.enqueue_dma source(%dma_start3A_42 : memref<128xi32, #tpu.memory_space<hbm>>) target(%arg11 : memref<128xi32, #tpu.memory_space<vmem>>) target_semaphore(%run_scoped3A : memref<!tpu.dma_semaphore, #tpu.memory_space<semaphore_mem>>)
      %dma_wait3A_43 = tpu.memref_slice %arg4[%add3A_14] : memref<320000xi32, #tpu.memory_space<hbm>> -> memref<128xi32, #tpu.memory_space<hbm>>
      %dma_wait3A_44 = tpu.memref_slice %arg4[%add3A_14] : memref<320000xi32, #tpu.memory_space<hbm>> -> memref<128xi32, #tpu.memory_space<hbm>>
      tpu.wait_dma2 semaphore(%run_scoped3A : memref<!tpu.dma_semaphore, #tpu.memory_space<semaphore_mem>>) src(%dma_wait3A_44 : memref<128xi32, #tpu.memory_space<hbm>>) dst(%arg11 : memref<128xi32, #tpu.memory_space<vmem>>)
      tpu.yield
    }) : () -> ()
    %dma_start3A_15 = arith.constant 0 : i32
    %dma_start3A_16 = arith.constant 0 : i32
    %dma_start3A_17 = tpu.memref_slice %arg2[%dma_start3A_15, %dma_start3A_16] : memref<10000x128xf32, #tpu.memory_space<hbm>> -> memref<10000x128xf32, #tpu.memory_space<hbm>>
    tpu.enqueue_indirect_dma source(%dma_start3A_17 : memref<10000x128xf32, #tpu.memory_space<hbm>>) target(%arg13 : memref<128x128xf32, #tpu.memory_space<vmem>>) offsets(%arg10 : memref<128xi32, #tpu.memory_space<vmem>>) semaphore(%arg18 : memref<!tpu.dma_semaphore, #tpu.memory_space<semaphore_mem>>)
    %scan3A = arith.constant 0 : i32
    %scan3A_18 = arith.constant 0 : i32
    %scan3A_19 = arith.constant 39 : i32
    %scan3A_20 = arith.addi %scan3A_18, %scan3A_19 : i32
    %scan3A_21 = arith.constant 1 : i32
    %scan3A_22 = scf.for %scan3A_41 = %scan3A_18 to %scan3A_20 step %scan3A_21 iter_args(%scan3A_42 = %scan3A) -> (i32)  : i32 {
      %dma_wait3A_43 = arith.constant 0 : i32
      %dma_wait3A_44 = arith.constant 0 : i32
      %dma_wait3A_45 = tpu.memref_slice %arg2[%dma_wait3A_43, %dma_wait3A_44] : memref<10000x128xf32, #tpu.memory_space<hbm>> -> memref<128x128xf32, #tpu.memory_space<hbm>>
      %dma_wait3A_46 = arith.constant 0 : i32
      %dma_wait3A_47 = arith.constant 0 : i32
      %dma_wait3A_48 = tpu.memref_slice %arg2[%dma_wait3A_46, %dma_wait3A_47] : memref<10000x128xf32, #tpu.memory_space<hbm>> -> memref<128x128xf32, #tpu.memory_space<hbm>>
      tpu.wait_dma2 semaphore(%arg17 : memref<!tpu.dma_semaphore, #tpu.memory_space<semaphore_mem>>) src(%dma_wait3A_48 : memref<128x128xf32, #tpu.memory_space<hbm>>) dst(%arg12 : memref<128x128xf32, #tpu.memory_space<vmem>>)
      "tpu.region"() ({
        %run_scoped3A = tpu.sem_alloc : memref<!tpu.dma_semaphore, #tpu.memory_space<semaphore_mem>>
        %dma_start3A_65 = arith.constant 0 : i32
        %dma_start3A_66 = arith.constant 0 : i32
        %dma_start3A_67 = tpu.memref_slice %arg7[%dma_start3A_65, %dma_start3A_66] : memref<10000x128xf32, #tpu.memory_space<vmem_shared>> -> memref<10000x128xf32, #tpu.memory_space<vmem_shared>>
        tpu.enqueue_indirect_dma source(%arg12 : memref<128x128xf32, #tpu.memory_space<vmem>>) target(%dma_start3A_67 : memref<10000x128xf32, #tpu.memory_space<vmem_shared>>) offsets(%arg9 : memref<128xi32, #tpu.memory_space<vmem>>) semaphore(%run_scoped3A : memref<!tpu.dma_semaphore, #tpu.memory_space<semaphore_mem>>) {add = true}
        %dma_wait3A_68 = arith.constant 0 : i32
        %dma_wait3A_69 = arith.constant 0 : i32
        %dma_wait3A_70 = tpu.memref_slice %arg7[%dma_wait3A_68, %dma_wait3A_69] : memref<10000x128xf32, #tpu.memory_space<vmem_shared>> -> memref<10000x128xf32, #tpu.memory_space<vmem_shared>>
        tpu.wait_indirect_dma semaphore(%run_scoped3A : memref<!tpu.dma_semaphore, #tpu.memory_space<semaphore_mem>>) src(%arg12 : memref<128x128xf32, #tpu.memory_space<vmem>>) dst(%dma_wait3A_70 : memref<10000x128xf32, #tpu.memory_space<vmem_shared>>)
        tpu.yield
      }) : () -> ()
      %lt3A = arith.constant 38 : i32
      %lt3A_49 = arith.cmpi slt, %scan3A_41, %lt3A : i32
      %convert_element_type3A_50 = arith.extui %lt3A_49 : i1 to i32
      %cond3A_51 = arith.constant 0 : i32
      %cond3A_52 = arith.cmpi ne, %convert_element_type3A_50, %cond3A_51 : i32
      scf.if %cond3A_52 {
        %mul3A_65 = arith.constant 2 : i32
        %mul3A_66 = arith.muli %mul3A_65, %scan3A_41 : i32
        %add3A_67 = arith.constant 2 : i32
        %add3A_68 = arith.addi %mul3A_66, %add3A_67 : i32
        %mul3A_69 = arith.constant 128 : i32
        %mul3A_70 = arith.muli %add3A_68, %mul3A_69 : i32
        %add3A_71 = arith.addi %mul3A_8, %mul3A_70 : i32
        "tpu.region"() ({
          %run_scoped3A = tpu.sem_alloc : memref<!tpu.dma_semaphore, #tpu.memory_space<semaphore_mem>>
          %dma_start3A_75 = tpu.memref_slice %arg3[%add3A_71] : memref<320000xi32, #tpu.memory_space<hbm>> -> memref<128xi32, #tpu.memory_space<hbm>>
          %dma_start3A_76 = tpu.memref_slice %arg3[%add3A_71] : memref<320000xi32, #tpu.memory_space<hbm>> -> memref<128xi32, #tpu.memory_space<hbm>>
          tpu.enqueue_dma source(%dma_start3A_76 : memref<128xi32, #tpu.memory_space<hbm>>) target(%arg8 : memref<128xi32, #tpu.memory_space<vmem>>) target_semaphore(%run_scoped3A : memref<!tpu.dma_semaphore, #tpu.memory_space<semaphore_mem>>)
          %dma_wait3A_77 = tpu.memref_slice %arg3[%add3A_71] : memref<320000xi32, #tpu.memory_space<hbm>> -> memref<128xi32, #tpu.memory_space<hbm>>
          %dma_wait3A_78 = tpu.memref_slice %arg3[%add3A_71] : memref<320000xi32, #tpu.memory_space<hbm>> -> memref<128xi32, #tpu.memory_space<hbm>>
          tpu.wait_dma2 semaphore(%run_scoped3A : memref<!tpu.dma_semaphore, #tpu.memory_space<semaphore_mem>>) src(%dma_wait3A_78 : memref<128xi32, #tpu.memory_space<hbm>>) dst(%arg8 : memref<128xi32, #tpu.memory_space<vmem>>)
          tpu.yield
        }) : () -> ()
        "tpu.region"() ({
          %run_scoped3A = tpu.sem_alloc : memref<!tpu.dma_semaphore, #tpu.memory_space<semaphore_mem>>
          %dma_start3A_75 = tpu.memref_slice %arg4[%add3A_71] : memref<320000xi32, #tpu.memory_space<hbm>> -> memref<128xi32, #tpu.memory_space<hbm>>
          %dma_start3A_76 = tpu.memref_slice %arg4[%add3A_71] : memref<320000xi32, #tpu.memory_space<hbm>> -> memref<128xi32, #tpu.memory_space<hbm>>
          tpu.enqueue_dma source(%dma_start3A_76 : memref<128xi32, #tpu.memory_space<hbm>>) target(%arg9 : memref<128xi32, #tpu.memory_space<vmem>>) target_semaphore(%run_scoped3A : memref<!tpu.dma_semaphore, #tpu.memory_space<semaphore_mem>>)
          %dma_wait3A_77 = tpu.memref_slice %arg4[%add3A_71] : memref<320000xi32, #tpu.memory_space<hbm>> -> memref<128xi32, #tpu.memory_space<hbm>>
          %dma_wait3A_78 = tpu.memref_slice %arg4[%add3A_71] : memref<320000xi32, #tpu.memory_space<hbm>> -> memref<128xi32, #tpu.memory_space<hbm>>
          tpu.wait_dma2 semaphore(%run_scoped3A : memref<!tpu.dma_semaphore, #tpu.memory_space<semaphore_mem>>) src(%dma_wait3A_78 : memref<128xi32, #tpu.memory_space<hbm>>) dst(%arg9 : memref<128xi32, #tpu.memory_space<vmem>>)
          tpu.yield
        }) : () -> ()
        %dma_start3A_72 = arith.constant 0 : i32
        %dma_start3A_73 = arith.constant 0 : i32
        %dma_start3A_74 = tpu.memref_slice %arg2[%dma_start3A_72, %dma_start3A_73] : memref<10000x128xf32, #tpu.memory_space<hbm>> -> memref<10000x128xf32, #tpu.memory_space<hbm>>
        tpu.enqueue_indirect_dma source(%dma_start3A_74 : memref<10000x128xf32, #tpu.memory_space<hbm>>) target(%arg12 : memref<128x128xf32, #tpu.memory_space<vmem>>) offsets(%arg8 : memref<128xi32, #tpu.memory_space<vmem>>) semaphore(%arg17 : memref<!tpu.dma_semaphore, #tpu.memory_space<semaphore_mem>>)
      } else {
      }
      %dma_wait3A_53 = arith.constant 0 : i32
      %dma_wait3A_54 = arith.constant 0 : i32
      %dma_wait3A_55 = tpu.memref_slice %arg2[%dma_wait3A_53, %dma_wait3A_54] : memref<10000x128xf32, #tpu.memory_space<hbm>> -> memref<128x128xf32, #tpu.memory_space<hbm>>
      %dma_wait3A_56 = arith.constant 0 : i32
      %dma_wait3A_57 = arith.constant 0 : i32
      %dma_wait3A_58 = tpu.memref_slice %arg2[%dma_wait3A_56, %dma_wait3A_57] : memref<10000x128xf32, #tpu.memory_space<hbm>> -> memref<128x128xf32, #tpu.memory_space<hbm>>
      tpu.wait_dma2 semaphore(%arg18 : memref<!tpu.dma_semaphore, #tpu.memory_space<semaphore_mem>>) src(%dma_wait3A_58 : memref<128x128xf32, #tpu.memory_space<hbm>>) dst(%arg13 : memref<128x128xf32, #tpu.memory_space<vmem>>)
      "tpu.region"() ({
        %run_scoped3A = tpu.sem_alloc : memref<!tpu.dma_semaphore, #tpu.memory_space<semaphore_mem>>
        %dma_start3A_65 = arith.constant 0 : i32
        %dma_start3A_66 = arith.constant 0 : i32
        %dma_start3A_67 = tpu.memref_slice %arg7[%dma_start3A_65, %dma_start3A_66] : memref<10000x128xf32, #tpu.memory_space<vmem_shared>> -> memref<10000x128xf32, #tpu.memory_space<vmem_shared>>
        tpu.enqueue_indirect_dma source(%arg13 : memref<128x128xf32, #tpu.memory_space<vmem>>) target(%dma_start3A_67 : memref<10000x128xf32, #tpu.memory_space<vmem_shared>>) offsets(%arg11 : memref<128xi32, #tpu.memory_space<vmem>>) semaphore(%run_scoped3A : memref<!tpu.dma_semaphore, #tpu.memory_space<semaphore_mem>>) {add = true}
        %dma_wait3A_68 = arith.constant 0 : i32
        %dma_wait3A_69 = arith.constant 0 : i32
        %dma_wait3A_70 = tpu.memref_slice %arg7[%dma_wait3A_68, %dma_wait3A_69] : memref<10000x128xf32, #tpu.memory_space<vmem_shared>> -> memref<10000x128xf32, #tpu.memory_space<vmem_shared>>
        tpu.wait_indirect_dma semaphore(%run_scoped3A : memref<!tpu.dma_semaphore, #tpu.memory_space<semaphore_mem>>) src(%arg13 : memref<128x128xf32, #tpu.memory_space<vmem>>) dst(%dma_wait3A_70 : memref<10000x128xf32, #tpu.memory_space<vmem_shared>>)
        tpu.yield
      }) : () -> ()
      %lt3A_59 = arith.constant 38 : i32
      %lt3A_60 = arith.cmpi slt, %scan3A_41, %lt3A_59 : i32
      %convert_element_type3A_61 = arith.extui %lt3A_60 : i1 to i32
      %cond3A_62 = arith.constant 0 : i32
      %cond3A_63 = arith.cmpi ne, %convert_element_type3A_61, %cond3A_62 : i32
      scf.if %cond3A_63 {
        %mul3A_65 = arith.constant 2 : i32
        %mul3A_66 = arith.muli %mul3A_65, %scan3A_41 : i32
        %add3A_67 = arith.constant 3 : i32
        %add3A_68 = arith.addi %mul3A_66, %add3A_67 : i32
        %mul3A_69 = arith.constant 128 : i32
        %mul3A_70 = arith.muli %add3A_68, %mul3A_69 : i32
        %add3A_71 = arith.addi %mul3A_8, %mul3A_70 : i32
        "tpu.region"() ({
          %run_scoped3A = tpu.sem_alloc : memref<!tpu.dma_semaphore, #tpu.memory_space<semaphore_mem>>
          %dma_start3A_75 = tpu.memref_slice %arg3[%add3A_71] : memref<320000xi32, #tpu.memory_space<hbm>> -> memref<128xi32, #tpu.memory_space<hbm>>
          %dma_start3A_76 = tpu.memref_slice %arg3[%add3A_71] : memref<320000xi32, #tpu.memory_space<hbm>> -> memref<128xi32, #tpu.memory_space<hbm>>
          tpu.enqueue_dma source(%dma_start3A_76 : memref<128xi32, #tpu.memory_space<hbm>>) target(%arg10 : memref<128xi32, #tpu.memory_space<vmem>>) target_semaphore(%run_scoped3A : memref<!tpu.dma_semaphore, #tpu.memory_space<semaphore_mem>>)
          %dma_wait3A_77 = tpu.memref_slice %arg3[%add3A_71] : memref<320000xi32, #tpu.memory_space<hbm>> -> memref<128xi32, #tpu.memory_space<hbm>>
          %dma_wait3A_78 = tpu.memref_slice %arg3[%add3A_71] : memref<320000xi32, #tpu.memory_space<hbm>> -> memref<128xi32, #tpu.memory_space<hbm>>
          tpu.wait_dma2 semaphore(%run_scoped3A : memref<!tpu.dma_semaphore, #tpu.memory_space<semaphore_mem>>) src(%dma_wait3A_78 : memref<128xi32, #tpu.memory_space<hbm>>) dst(%arg10 : memref<128xi32, #tpu.memory_space<vmem>>)
          tpu.yield
        }) : () -> ()
        "tpu.region"() ({
          %run_scoped3A = tpu.sem_alloc : memref<!tpu.dma_semaphore, #tpu.memory_space<semaphore_mem>>
          %dma_start3A_75 = tpu.memref_slice %arg4[%add3A_71] : memref<320000xi32, #tpu.memory_space<hbm>> -> memref<128xi32, #tpu.memory_space<hbm>>
          %dma_start3A_76 = tpu.memref_slice %arg4[%add3A_71] : memref<320000xi32, #tpu.memory_space<hbm>> -> memref<128xi32, #tpu.memory_space<hbm>>
          tpu.enqueue_dma source(%dma_start3A_76 : memref<128xi32, #tpu.memory_space<hbm>>) target(%arg11 : memref<128xi32, #tpu.memory_space<vmem>>) target_semaphore(%run_scoped3A : memref<!tpu.dma_semaphore, #tpu.memory_space<semaphore_mem>>)
          %dma_wait3A_77 = tpu.memref_slice %arg4[%add3A_71] : memref<320000xi32, #tpu.memory_space<hbm>> -> memref<128xi32, #tpu.memory_space<hbm>>
          %dma_wait3A_78 = tpu.memref_slice %arg4[%add3A_71] : memref<320000xi32, #tpu.memory_space<hbm>> -> memref<128xi32, #tpu.memory_space<hbm>>
          tpu.wait_dma2 semaphore(%run_scoped3A : memref<!tpu.dma_semaphore, #tpu.memory_space<semaphore_mem>>) src(%dma_wait3A_78 : memref<128xi32, #tpu.memory_space<hbm>>) dst(%arg11 : memref<128xi32, #tpu.memory_space<vmem>>)
          tpu.yield
        }) : () -> ()
        %dma_start3A_72 = arith.constant 0 : i32
        %dma_start3A_73 = arith.constant 0 : i32
        %dma_start3A_74 = tpu.memref_slice %arg2[%dma_start3A_72, %dma_start3A_73] : memref<10000x128xf32, #tpu.memory_space<hbm>> -> memref<10000x128xf32, #tpu.memory_space<hbm>>
        tpu.enqueue_indirect_dma source(%dma_start3A_74 : memref<10000x128xf32, #tpu.memory_space<hbm>>) target(%arg13 : memref<128x128xf32, #tpu.memory_space<vmem>>) offsets(%arg10 : memref<128xi32, #tpu.memory_space<vmem>>) semaphore(%arg18 : memref<!tpu.dma_semaphore, #tpu.memory_space<semaphore_mem>>)
      } else {
      }
      %scan3A_64 = arith.constant 0 : i32
      scf.yield %scan3A_64 : i32
    }
    %scan3A_23 = arith.constant 39 : i32
    %add3A_24 = arith.constant 9984 : i32
    %add3A_25 = arith.addi %mul3A_8, %add3A_24 : i32
    "tpu.region"() ({
      %run_scoped3A = tpu.sem_alloc : memref<!tpu.dma_semaphore, #tpu.memory_space<semaphore_mem>>
      %dma_start3A_41 = tpu.memref_slice %arg3[%add3A_25] : memref<320000xi32, #tpu.memory_space<hbm>> -> memref<16xi32, #tpu.memory_space<hbm>>
      %dma_start3A_42 = tpu.memref_slice %arg3[%add3A_25] : memref<320000xi32, #tpu.memory_space<hbm>> -> memref<16xi32, #tpu.memory_space<hbm>>
      tpu.enqueue_dma source(%dma_start3A_42 : memref<16xi32, #tpu.memory_space<hbm>>) target(%arg14 : memref<16xi32, #tpu.memory_space<vmem>>) target_semaphore(%run_scoped3A : memref<!tpu.dma_semaphore, #tpu.memory_space<semaphore_mem>>)
      %dma_wait3A_43 = tpu.memref_slice %arg3[%add3A_25] : memref<320000xi32, #tpu.memory_space<hbm>> -> memref<16xi32, #tpu.memory_space<hbm>>
      %dma_wait3A_44 = tpu.memref_slice %arg3[%add3A_25] : memref<320000xi32, #tpu.memory_space<hbm>> -> memref<16xi32, #tpu.memory_space<hbm>>
      tpu.wait_dma2 semaphore(%run_scoped3A : memref<!tpu.dma_semaphore, #tpu.memory_space<semaphore_mem>>) src(%dma_wait3A_44 : memref<16xi32, #tpu.memory_space<hbm>>) dst(%arg14 : memref<16xi32, #tpu.memory_space<vmem>>)
      tpu.yield
    }) : () -> ()
    "tpu.region"() ({
      %run_scoped3A = tpu.sem_alloc : memref<!tpu.dma_semaphore, #tpu.memory_space<semaphore_mem>>
      %dma_start3A_41 = tpu.memref_slice %arg4[%add3A_25] : memref<320000xi32, #tpu.memory_space<hbm>> -> memref<16xi32, #tpu.memory_space<hbm>>
      %dma_start3A_42 = tpu.memref_slice %arg4[%add3A_25] : memref<320000xi32, #tpu.memory_space<hbm>> -> memref<16xi32, #tpu.memory_space<hbm>>
      tpu.enqueue_dma source(%dma_start3A_42 : memref<16xi32, #tpu.memory_space<hbm>>) target(%arg15 : memref<16xi32, #tpu.memory_space<vmem>>) target_semaphore(%run_scoped3A : memref<!tpu.dma_semaphore, #tpu.memory_space<semaphore_mem>>)
      %dma_wait3A_43 = tpu.memref_slice %arg4[%add3A_25] : memref<320000xi32, #tpu.memory_space<hbm>> -> memref<16xi32, #tpu.memory_space<hbm>>
      %dma_wait3A_44 = tpu.memref_slice %arg4[%add3A_25] : memref<320000xi32, #tpu.memory_space<hbm>> -> memref<16xi32, #tpu.memory_space<hbm>>
      tpu.wait_dma2 semaphore(%run_scoped3A : memref<!tpu.dma_semaphore, #tpu.memory_space<semaphore_mem>>) src(%dma_wait3A_44 : memref<16xi32, #tpu.memory_space<hbm>>) dst(%arg15 : memref<16xi32, #tpu.memory_space<vmem>>)
      tpu.yield
    }) : () -> ()
    %dma_start3A_26 = arith.constant 0 : i32
    %dma_start3A_27 = arith.constant 0 : i32
    %dma_start3A_28 = tpu.memref_slice %arg2[%dma_start3A_26, %dma_start3A_27] : memref<10000x128xf32, #tpu.memory_space<hbm>> -> memref<10000x128xf32, #tpu.memory_space<hbm>>
    tpu.enqueue_indirect_dma source(%dma_start3A_28 : memref<10000x128xf32, #tpu.memory_space<hbm>>) target(%arg16 : memref<16x128xf32, #tpu.memory_space<vmem>>) offsets(%arg14 : memref<16xi32, #tpu.memory_space<vmem>>) semaphore(%arg17 : memref<!tpu.dma_semaphore, #tpu.memory_space<semaphore_mem>>)
    %dma_wait3A = arith.constant 0 : i32
    %dma_wait3A_29 = arith.constant 0 : i32
    %dma_wait3A_30 = tpu.memref_slice %arg2[%dma_wait3A, %dma_wait3A_29] : memref<10000x128xf32, #tpu.memory_space<hbm>> -> memref<10000x128xf32, #tpu.memory_space<hbm>>
    tpu.wait_indirect_dma semaphore(%arg17 : memref<!tpu.dma_semaphore, #tpu.memory_space<semaphore_mem>>) src(%dma_wait3A_30 : memref<10000x128xf32, #tpu.memory_space<hbm>>) dst(%arg16 : memref<16x128xf32, #tpu.memory_space<vmem>>)
    "tpu.region"() ({
      %run_scoped3A = tpu.sem_alloc : memref<!tpu.dma_semaphore, #tpu.memory_space<semaphore_mem>>
      %dma_start3A_41 = arith.constant 0 : i32
      %dma_start3A_42 = arith.constant 0 : i32
      %dma_start3A_43 = tpu.memref_slice %arg7[%dma_start3A_41, %dma_start3A_42] : memref<10000x128xf32, #tpu.memory_space<vmem_shared>> -> memref<10000x128xf32, #tpu.memory_space<vmem_shared>>
      tpu.enqueue_indirect_dma source(%arg16 : memref<16x128xf32, #tpu.memory_space<vmem>>) target(%dma_start3A_43 : memref<10000x128xf32, #tpu.memory_space<vmem_shared>>) offsets(%arg15 : memref<16xi32, #tpu.memory_space<vmem>>) semaphore(%run_scoped3A : memref<!tpu.dma_semaphore, #tpu.memory_space<semaphore_mem>>) {add = true}
      %dma_wait3A_44 = arith.constant 0 : i32
      %dma_wait3A_45 = arith.constant 0 : i32
      %dma_wait3A_46 = tpu.memref_slice %arg7[%dma_wait3A_44, %dma_wait3A_45] : memref<10000x128xf32, #tpu.memory_space<vmem_shared>> -> memref<10000x128xf32, #tpu.memory_space<vmem_shared>>
      tpu.wait_indirect_dma semaphore(%run_scoped3A : memref<!tpu.dma_semaphore, #tpu.memory_space<semaphore_mem>>) src(%arg16 : memref<16x128xf32, #tpu.memory_space<vmem>>) dst(%dma_wait3A_46 : memref<10000x128xf32, #tpu.memory_space<vmem_shared>>)
      tpu.yield
    }) : () -> ()
    %barrier3A_31 = arith.constant 0 : index
    tpu.barrier barrier_id(%barrier3A_31)
    %mul3A_32 = arith.constant 624 : i32
    %mul3A_33 = arith.muli %arg1, %mul3A_32 : i32
    %mul3A_34 = arith.constant 624 : i32
    %mul3A_35 = arith.muli %arg1, %mul3A_34 : i32
    "tpu.region"() ({
      %run_scoped3A = tpu.sem_alloc : memref<!tpu.dma_semaphore, #tpu.memory_space<semaphore_mem>>
      %dma_start3A_41 = arith.constant 0 : i32
      %dma_start3A_42 = tpu.memref_slice %arg6[%arg0, %mul3A_35, %dma_start3A_41] : memref<2x10000x128xf32, #tpu.memory_space<hbm>> -> memref<1x624x128xf32, #tpu.memory_space<hbm>>
      %dma_start3A_43 = tpu.memref_squeeze %dma_start3A_42 : memref<1x624x128xf32, #tpu.memory_space<hbm>> -> memref<624x128xf32, #tpu.memory_space<hbm>>
      %dma_start3A_44 = arith.constant 0 : i32
      %dma_start3A_45 = tpu.memref_slice %arg7[%mul3A_33, %dma_start3A_44] : memref<10000x128xf32, #tpu.memory_space<vmem_shared>> -> memref<624x128xf32, #tpu.memory_space<vmem_shared>>
      tpu.enqueue_dma source(%dma_start3A_45 : memref<624x128xf32, #tpu.memory_space<vmem_shared>>) target(%dma_start3A_43 : memref<624x128xf32, #tpu.memory_space<hbm>>) target_semaphore(%run_scoped3A : memref<!tpu.dma_semaphore, #tpu.memory_space<semaphore_mem>>)
      %dma_wait3A_46 = arith.constant 0 : i32
      %dma_wait3A_47 = tpu.memref_slice %arg6[%arg0, %mul3A_35, %dma_wait3A_46] : memref<2x10000x128xf32, #tpu.memory_space<hbm>> -> memref<1x624x128xf32, #tpu.memory_space<hbm>>
      %dma_wait3A_48 = tpu.memref_squeeze %dma_wait3A_47 : memref<1x624x128xf32, #tpu.memory_space<hbm>> -> memref<624x128xf32, #tpu.memory_space<hbm>>
      %dma_wait3A_49 = arith.constant 0 : i32
      %dma_wait3A_50 = tpu.memref_slice %arg7[%mul3A_33, %dma_wait3A_49] : memref<10000x128xf32, #tpu.memory_space<vmem_shared>> -> memref<624x128xf32, #tpu.memory_space<vmem_shared>>
      tpu.wait_dma2 semaphore(%run_scoped3A : memref<!tpu.dma_semaphore, #tpu.memory_space<semaphore_mem>>) src(%dma_wait3A_50 : memref<624x128xf32, #tpu.memory_space<vmem_shared>>) dst(%dma_wait3A_48 : memref<624x128xf32, #tpu.memory_space<hbm>>)
      tpu.yield
    }) : () -> ()
    %eq3A_36 = arith.constant 0 : i32
    %eq3A_37 = arith.cmpi eq, %arg1, %eq3A_36 : i32
    %convert_element_type3A_38 = arith.extui %eq3A_37 : i1 to i32
    %cond3A_39 = arith.constant 0 : i32
    %cond3A_40 = arith.cmpi ne, %convert_element_type3A_38, %cond3A_39 : i32
    scf.if %cond3A_40 {
      "tpu.region"() ({
        %run_scoped3A = tpu.sem_alloc : memref<!tpu.dma_semaphore, #tpu.memory_space<semaphore_mem>>
        %dma_start3A_41 = arith.constant 9984 : i32
        %dma_start3A_42 = arith.constant 0 : i32
        %dma_start3A_43 = tpu.memref_slice %arg6[%arg0, %dma_start3A_41, %dma_start3A_42] : memref<2x10000x128xf32, #tpu.memory_space<hbm>> -> memref<1x16x128xf32, #tpu.memory_space<hbm>>
        %dma_start3A_44 = tpu.memref_squeeze %dma_start3A_43 : memref<1x16x128xf32, #tpu.memory_space<hbm>> -> memref<16x128xf32, #tpu.memory_space<hbm>>
        %dma_start3A_45 = arith.constant 9984 : i32
        %dma_start3A_46 = arith.constant 0 : i32
        %dma_start3A_47 = tpu.memref_slice %arg7[%dma_start3A_45, %dma_start3A_46] : memref<10000x128xf32, #tpu.memory_space<vmem_shared>> -> memref<16x128xf32, #tpu.memory_space<vmem_shared>>
        tpu.enqueue_dma source(%dma_start3A_47 : memref<16x128xf32, #tpu.memory_space<vmem_shared>>) target(%dma_start3A_44 : memref<16x128xf32, #tpu.memory_space<hbm>>) target_semaphore(%run_scoped3A : memref<!tpu.dma_semaphore, #tpu.memory_space<semaphore_mem>>)
        %dma_wait3A_48 = arith.constant 9984 : i32
        %dma_wait3A_49 = arith.constant 0 : i32
        %dma_wait3A_50 = tpu.memref_slice %arg6[%arg0, %dma_wait3A_48, %dma_wait3A_49] : memref<2x10000x128xf32, #tpu.memory_space<hbm>> -> memref<1x16x128xf32, #tpu.memory_space<hbm>>
        %dma_wait3A_51 = tpu.memref_squeeze %dma_wait3A_50 : memref<1x16x128xf32, #tpu.memory_space<hbm>> -> memref<16x128xf32, #tpu.memory_space<hbm>>
        %dma_wait3A_52 = arith.constant 9984 : i32
        %dma_wait3A_53 = arith.constant 0 : i32
        %dma_wait3A_54 = tpu.memref_slice %arg7[%dma_wait3A_52, %dma_wait3A_53] : memref<10000x128xf32, #tpu.memory_space<vmem_shared>> -> memref<16x128xf32, #tpu.memory_space<vmem_shared>>
        tpu.wait_dma2 semaphore(%run_scoped3A : memref<!tpu.dma_semaphore, #tpu.memory_space<semaphore_mem>>) src(%dma_wait3A_54 : memref<16x128xf32, #tpu.memory_space<vmem_shared>>) dst(%dma_wait3A_51 : memref<16x128xf32, #tpu.memory_space<hbm>>)
        tpu.yield
      }) : () -> ()
    } else {
    }
    return
  }
}

#map = affine_map<(d0, d1) -> (0)>
#map1 = affine_map<(d0, d1) -> (0, 0)>
#map2 = affine_map<(d0, d1) -> (0, 0, 0)>
module attributes {stable_mosaic.version = 14 : i64} {
  func.func @_sc_deg(%arg0: i32, %arg1: i32, %arg2: memref<320000xi32, #tpu.memory_space<hbm>>, %arg3: memref<10112x128xf32, #tpu.memory_space<hbm>>, %arg4: memref<2x10112x128xf32, #tpu.memory_space<hbm>>, %arg5: memref<10112x128xf32, #tpu.memory_space<vmem_shared>>, %arg6: memref<128xi32, #tpu.memory_space<vmem>>, %arg7: memref<16xi32, #tpu.memory_space<vmem>>, %arg8: memref<128x128xf32, #tpu.memory_space<vmem>>) attributes {dimension_semantics = [#tpu.dimension_semantics<core_parallel>, #tpu.dimension_semantics<subcore_parallel>], iteration_bounds = array<i64: 2, 16>, scalar_prefetch = 0 : i64, scratch_operands = 4 : i64, tpu.core_type = #tpu.core_type<sc_vector_subcore>, window_params = [{transform_indices = #map}, {transform_indices = #map1}, {transform_indices = #map2}]} {
    %scan3A = arith.constant 0 : i32
    %scan3A_0 = arith.constant 0 : i32
    %scan3A_1 = arith.constant 1024 : i32
    %scan3A_2 = arith.addi %scan3A_0, %scan3A_1 : i32
    %scan3A_3 = arith.constant 1 : i32
    %scan3A_4 = scf.for %scan3A_27 = %scan3A_0 to %scan3A_2 step %scan3A_3 iter_args(%scan3A_28 = %scan3A) -> (i32)  : i32 {
      %jit3A = arith.constant 8 : i32
      %div3A = arith.divsi %scan3A_27, %jit3A : i32
      %sign3A = arith.constant 0 : i32
      %sign3A_29 = arith.cmpi sgt, %scan3A_27, %sign3A : i32
      %sign3A_30 = arith.extui %sign3A_29 : i1 to i32
      %sign3A_31 = arith.constant 0 : i32
      %sign3A_32 = arith.cmpi slt, %scan3A_27, %sign3A_31 : i32
      %sign3A_33 = arith.extui %sign3A_32 : i1 to i32
      %sign3A_34 = arith.subi %sign3A_30, %sign3A_33 : i32
      %sign3A_35 = arith.constant 0 : i32
      %sign3A_36 = arith.cmpi sgt, %jit3A, %sign3A_35 : i32
      %sign3A_37 = arith.extui %sign3A_36 : i1 to i32
      %sign3A_38 = arith.constant 0 : i32
      %sign3A_39 = arith.cmpi slt, %jit3A, %sign3A_38 : i32
      %sign3A_40 = arith.extui %sign3A_39 : i1 to i32
      %sign3A_41 = arith.subi %sign3A_37, %sign3A_40 : i32
      %ne3A = arith.cmpi ne, %sign3A_34, %sign3A_41 : i32
      %rem3A = arith.remsi %scan3A_27, %jit3A : i32
      %ne3A_42 = arith.constant 0 : i32
      %ne3A_43 = arith.cmpi ne, %rem3A, %ne3A_42 : i32
      %and3A = arith.andi %ne3A, %ne3A_43 : i1
      %sub3A = arith.constant 1 : i32
      %sub3A_44 = arith.subi %div3A, %sub3A : i32
      %select_n3A = arith.select %and3A, %sub3A_44, %div3A : i32
      %jit3A_45 = arith.constant 8 : i32
      %eq3A = arith.constant 0 : i32
      %eq3A_46 = arith.cmpi eq, %jit3A_45, %eq3A : i32
      %jit3A_47 = arith.constant 1 : i32
      %select_n3A_48 = arith.select %eq3A_46, %jit3A_47, %jit3A_45 : i32
      %rem3A_49 = arith.remsi %scan3A_27, %select_n3A_48 : i32
      %ne3A_50 = arith.constant 0 : i32
      %ne3A_51 = arith.cmpi ne, %rem3A_49, %ne3A_50 : i32
      %lt3A = arith.constant 0 : i32
      %lt3A_52 = arith.cmpi slt, %rem3A_49, %lt3A : i32
      %lt3A_53 = arith.constant 0 : i32
      %lt3A_54 = arith.cmpi slt, %select_n3A_48, %lt3A_53 : i32
      %ne3A_55 = arith.xori %lt3A_52, %lt3A_54 : i1
      %and3A_56 = arith.andi %ne3A_55, %ne3A_51 : i1
      %add3A_57 = arith.addi %rem3A_49, %select_n3A_48 : i32
      %select_n3A_58 = arith.select %and3A_56, %add3A_57, %rem3A_49 : i32
      %broadcast_in_dim3A = arith.constant 1.000000e+00 : f32
      %broadcast_in_dim3A_59 = vector.broadcast %broadcast_in_dim3A : f32 to vector<16xf32>
      %mul3A_60 = arith.constant 16 : i32
      %mul3A_61 = arith.muli %select_n3A_58, %mul3A_60 : i32
      %swap3A = arith.index_cast %select_n3A : i32 to index
      %swap3A_62 = arith.index_cast %mul3A_61 : i32 to index
      %swap3A_63 = tpu.vector_load %arg8[%swap3A, %swap3A_62] {strides = array<i32>} : memref<128x128xf32, #tpu.memory_space<vmem>>, vector<1x16xf32>,
      %swap3A_64 = vector.shape_cast %swap3A_63 : vector<1x16xf32> to vector<16xf32>
      %swap3A_65 = vector.shape_cast %broadcast_in_dim3A_59 : vector<16xf32> to vector<1x16xf32>
      tpu.vector_store %arg8[%swap3A, %swap3A_62], %swap3A_65 {strides = array<i32>} : memref<128x128xf32, #tpu.memory_space<vmem>>, vector<1x16xf32>,
      %scan3A_66 = arith.constant 0 : i32
      scf.yield %scan3A_66 : i32
    }
    %scan3A_5 = arith.constant 1024 : i32
    %mul3A = arith.constant 632 : i32
    %mul3A_6 = arith.muli %arg1, %mul3A : i32
    %mul3A_7 = arith.constant 632 : i32
    %mul3A_8 = arith.muli %arg1, %mul3A_7 : i32
    "tpu.region"() ({
      %run_scoped3A = tpu.sem_alloc : memref<!tpu.dma_semaphore, #tpu.memory_space<semaphore_mem>>
      %dma_start3A = arith.constant 0 : i32
      %dma_start3A_27 = tpu.memref_slice %arg5[%mul3A_8, %dma_start3A] : memref<10112x128xf32, #tpu.memory_space<vmem_shared>> -> memref<632x128xf32, #tpu.memory_space<vmem_shared>>
      %dma_start3A_28 = arith.constant 0 : i32
      %dma_start3A_29 = tpu.memref_slice %arg3[%mul3A_6, %dma_start3A_28] : memref<10112x128xf32, #tpu.memory_space<hbm>> -> memref<632x128xf32, #tpu.memory_space<hbm>>
      tpu.enqueue_dma source(%dma_start3A_29 : memref<632x128xf32, #tpu.memory_space<hbm>>) target(%dma_start3A_27 : memref<632x128xf32, #tpu.memory_space<vmem_shared>>) target_semaphore(%run_scoped3A : memref<!tpu.dma_semaphore, #tpu.memory_space<semaphore_mem>>)
      %dma_wait3A = arith.constant 0 : i32
      %dma_wait3A_30 = tpu.memref_slice %arg5[%mul3A_8, %dma_wait3A] : memref<10112x128xf32, #tpu.memory_space<vmem_shared>> -> memref<632x128xf32, #tpu.memory_space<vmem_shared>>
      %dma_wait3A_31 = arith.constant 0 : i32
      %dma_wait3A_32 = tpu.memref_slice %arg3[%mul3A_6, %dma_wait3A_31] : memref<10112x128xf32, #tpu.memory_space<hbm>> -> memref<632x128xf32, #tpu.memory_space<hbm>>
      tpu.wait_dma2 semaphore(%run_scoped3A : memref<!tpu.dma_semaphore, #tpu.memory_space<semaphore_mem>>) src(%dma_wait3A_32 : memref<632x128xf32, #tpu.memory_space<hbm>>) dst(%dma_wait3A_30 : memref<632x128xf32, #tpu.memory_space<vmem_shared>>)
      tpu.yield
    }) : () -> ()
    %barrier3A = arith.constant 0 : index
    tpu.barrier barrier_id(%barrier3A)
    %mul3A_9 = arith.constant 16 : i32
    %mul3A_10 = arith.muli %arg0, %mul3A_9 : i32
    %add3A = arith.addi %mul3A_10, %arg1 : i32
    %mul3A_11 = arith.constant 10000 : i32
    %mul3A_12 = arith.muli %add3A, %mul3A_11 : i32
    %scan3A_13 = arith.constant 0 : i32
    %scan3A_14 = arith.constant 0 : i32
    %scan3A_15 = arith.constant 78 : i32
    %scan3A_16 = arith.addi %scan3A_14, %scan3A_15 : i32
    %scan3A_17 = arith.constant 1 : i32
    %scan3A_18 = scf.for %scan3A_27 = %scan3A_14 to %scan3A_16 step %scan3A_17 iter_args(%scan3A_28 = %scan3A_13) -> (i32)  : i32 {
      %mul3A_29 = arith.constant 128 : i32
      %mul3A_30 = arith.muli %scan3A_27, %mul3A_29 : i32
      %add3A_31 = arith.addi %mul3A_12, %mul3A_30 : i32
      "tpu.region"() ({
        %run_scoped3A = tpu.sem_alloc : memref<!tpu.dma_semaphore, #tpu.memory_space<semaphore_mem>>
        %dma_start3A = tpu.memref_slice %arg2[%add3A_31] : memref<320000xi32, #tpu.memory_space<hbm>> -> memref<128xi32, #tpu.memory_space<hbm>>
        %dma_start3A_33 = tpu.memref_slice %arg2[%add3A_31] : memref<320000xi32, #tpu.memory_space<hbm>> -> memref<128xi32, #tpu.memory_space<hbm>>
        tpu.enqueue_dma source(%dma_start3A_33 : memref<128xi32, #tpu.memory_space<hbm>>) target(%arg6 : memref<128xi32, #tpu.memory_space<vmem>>) target_semaphore(%run_scoped3A : memref<!tpu.dma_semaphore, #tpu.memory_space<semaphore_mem>>)
        %dma_wait3A = tpu.memref_slice %arg2[%add3A_31] : memref<320000xi32, #tpu.memory_space<hbm>> -> memref<128xi32, #tpu.memory_space<hbm>>
        %dma_wait3A_34 = tpu.memref_slice %arg2[%add3A_31] : memref<320000xi32, #tpu.memory_space<hbm>> -> memref<128xi32, #tpu.memory_space<hbm>>
        tpu.wait_dma2 semaphore(%run_scoped3A : memref<!tpu.dma_semaphore, #tpu.memory_space<semaphore_mem>>) src(%dma_wait3A_34 : memref<128xi32, #tpu.memory_space<hbm>>) dst(%arg6 : memref<128xi32, #tpu.memory_space<vmem>>)
        tpu.yield
      }) : () -> ()
      "tpu.region"() ({
        %run_scoped3A = tpu.sem_alloc : memref<!tpu.dma_semaphore, #tpu.memory_space<semaphore_mem>>
        %dma_start3A = arith.constant 0 : i32
        %dma_start3A_33 = arith.constant 0 : i32
        %dma_start3A_34 = tpu.memref_slice %arg5[%dma_start3A, %dma_start3A_33] : memref<10112x128xf32, #tpu.memory_space<vmem_shared>> -> memref<10112x128xf32, #tpu.memory_space<vmem_shared>>
        tpu.enqueue_indirect_dma source(%arg8 : memref<128x128xf32, #tpu.memory_space<vmem>>) target(%dma_start3A_34 : memref<10112x128xf32, #tpu.memory_space<vmem_shared>>) offsets(%arg6 : memref<128xi32, #tpu.memory_space<vmem>>) semaphore(%run_scoped3A : memref<!tpu.dma_semaphore, #tpu.memory_space<semaphore_mem>>) {add = true}
        %dma_wait3A = arith.constant 0 : i32
        %dma_wait3A_35 = arith.constant 0 : i32
        %dma_wait3A_36 = tpu.memref_slice %arg5[%dma_wait3A, %dma_wait3A_35] : memref<10112x128xf32, #tpu.memory_space<vmem_shared>> -> memref<10112x128xf32, #tpu.memory_space<vmem_shared>>
        tpu.wait_indirect_dma semaphore(%run_scoped3A : memref<!tpu.dma_semaphore, #tpu.memory_space<semaphore_mem>>) src(%arg8 : memref<128x128xf32, #tpu.memory_space<vmem>>) dst(%dma_wait3A_36 : memref<10112x128xf32, #tpu.memory_space<vmem_shared>>)
        tpu.yield
      }) : () -> ()
      %scan3A_32 = arith.constant 0 : i32
      scf.yield %scan3A_32 : i32
    }
    %scan3A_19 = arith.constant 78 : i32
    %add3A_20 = arith.constant 9984 : i32
    %add3A_21 = arith.addi %mul3A_12, %add3A_20 : i32
    "tpu.region"() ({
      %run_scoped3A = tpu.sem_alloc : memref<!tpu.dma_semaphore, #tpu.memory_space<semaphore_mem>>
      %dma_start3A = tpu.memref_slice %arg2[%add3A_21] : memref<320000xi32, #tpu.memory_space<hbm>> -> memref<16xi32, #tpu.memory_space<hbm>>
      %dma_start3A_27 = tpu.memref_slice %arg2[%add3A_21] : memref<320000xi32, #tpu.memory_space<hbm>> -> memref<16xi32, #tpu.memory_space<hbm>>
      tpu.enqueue_dma source(%dma_start3A_27 : memref<16xi32, #tpu.memory_space<hbm>>) target(%arg7 : memref<16xi32, #tpu.memory_space<vmem>>) target_semaphore(%run_scoped3A : memref<!tpu.dma_semaphore, #tpu.memory_space<semaphore_mem>>)
      %dma_wait3A = tpu.memref_slice %arg2[%add3A_21] : memref<320000xi32, #tpu.memory_space<hbm>> -> memref<16xi32, #tpu.memory_space<hbm>>
      %dma_wait3A_28 = tpu.memref_slice %arg2[%add3A_21] : memref<320000xi32, #tpu.memory_space<hbm>> -> memref<16xi32, #tpu.memory_space<hbm>>
      tpu.wait_dma2 semaphore(%run_scoped3A : memref<!tpu.dma_semaphore, #tpu.memory_space<semaphore_mem>>) src(%dma_wait3A_28 : memref<16xi32, #tpu.memory_space<hbm>>) dst(%arg7 : memref<16xi32, #tpu.memory_space<vmem>>)
      tpu.yield
    }) : () -> ()
    "tpu.region"() ({
      %run_scoped3A = tpu.sem_alloc : memref<!tpu.dma_semaphore, #tpu.memory_space<semaphore_mem>>
      %dma_start3A = arith.constant 0 : i32
      %dma_start3A_27 = arith.constant 0 : i32
      %dma_start3A_28 = tpu.memref_slice %arg8[%dma_start3A, %dma_start3A_27] : memref<128x128xf32, #tpu.memory_space<vmem>> -> memref<16x128xf32, #tpu.memory_space<vmem>>
      %dma_start3A_29 = arith.constant 0 : i32
      %dma_start3A_30 = arith.constant 0 : i32
      %dma_start3A_31 = tpu.memref_slice %arg5[%dma_start3A_29, %dma_start3A_30] : memref<10112x128xf32, #tpu.memory_space<vmem_shared>> -> memref<10112x128xf32, #tpu.memory_space<vmem_shared>>
      tpu.enqueue_indirect_dma source(%dma_start3A_28 : memref<16x128xf32, #tpu.memory_space<vmem>>) target(%dma_start3A_31 : memref<10112x128xf32, #tpu.memory_space<vmem_shared>>) offsets(%arg7 : memref<16xi32, #tpu.memory_space<vmem>>) semaphore(%run_scoped3A : memref<!tpu.dma_semaphore, #tpu.memory_space<semaphore_mem>>) {add = true}
      %dma_wait3A = arith.constant 0 : i32
      %dma_wait3A_32 = arith.constant 0 : i32
      %dma_wait3A_33 = tpu.memref_slice %arg8[%dma_wait3A, %dma_wait3A_32] : memref<128x128xf32, #tpu.memory_space<vmem>> -> memref<16x128xf32, #tpu.memory_space<vmem>>
      %dma_wait3A_34 = arith.constant 0 : i32
      %dma_wait3A_35 = arith.constant 0 : i32
      %dma_wait3A_36 = tpu.memref_slice %arg5[%dma_wait3A_34, %dma_wait3A_35] : memref<10112x128xf32, #tpu.memory_space<vmem_shared>> -> memref<10112x128xf32, #tpu.memory_space<vmem_shared>>
      tpu.wait_indirect_dma semaphore(%run_scoped3A : memref<!tpu.dma_semaphore, #tpu.memory_space<semaphore_mem>>) src(%dma_wait3A_33 : memref<16x128xf32, #tpu.memory_space<vmem>>) dst(%dma_wait3A_36 : memref<10112x128xf32, #tpu.memory_space<vmem_shared>>)
      tpu.yield
    }) : () -> ()
    %barrier3A_22 = arith.constant 0 : index
    tpu.barrier barrier_id(%barrier3A_22)
    %mul3A_23 = arith.constant 632 : i32
    %mul3A_24 = arith.muli %arg1, %mul3A_23 : i32
    %mul3A_25 = arith.constant 632 : i32
    %mul3A_26 = arith.muli %arg1, %mul3A_25 : i32
    "tpu.region"() ({
      %run_scoped3A = tpu.sem_alloc : memref<!tpu.dma_semaphore, #tpu.memory_space<semaphore_mem>>
      %dma_start3A = arith.constant 0 : i32
      %dma_start3A_27 = tpu.memref_slice %arg4[%arg0, %mul3A_26, %dma_start3A] : memref<2x10112x128xf32, #tpu.memory_space<hbm>> -> memref<1x632x128xf32, #tpu.memory_space<hbm>>
      %dma_start3A_28 = tpu.memref_squeeze %dma_start3A_27 : memref<1x632x128xf32, #tpu.memory_space<hbm>> -> memref<632x128xf32, #tpu.memory_space<hbm>>
      %dma_start3A_29 = arith.constant 0 : i32
      %dma_start3A_30 = tpu.memref_slice %arg5[%mul3A_24, %dma_start3A_29] : memref<10112x128xf32, #tpu.memory_space<vmem_shared>> -> memref<632x128xf32, #tpu.memory_space<vmem_shared>>
      tpu.enqueue_dma source(%dma_start3A_30 : memref<632x128xf32, #tpu.memory_space<vmem_shared>>) target(%dma_start3A_28 : memref<632x128xf32, #tpu.memory_space<hbm>>) target_semaphore(%run_scoped3A : memref<!tpu.dma_semaphore, #tpu.memory_space<semaphore_mem>>)
      %dma_wait3A = arith.constant 0 : i32
      %dma_wait3A_31 = tpu.memref_slice %arg4[%arg0, %mul3A_26, %dma_wait3A] : memref<2x10112x128xf32, #tpu.memory_space<hbm>> -> memref<1x632x128xf32, #tpu.memory_space<hbm>>
      %dma_wait3A_32 = tpu.memref_squeeze %dma_wait3A_31 : memref<1x632x128xf32, #tpu.memory_space<hbm>> -> memref<632x128xf32, #tpu.memory_space<hbm>>
      %dma_wait3A_33 = arith.constant 0 : i32
      %dma_wait3A_34 = tpu.memref_slice %arg5[%mul3A_24, %dma_wait3A_33] : memref<10112x128xf32, #tpu.memory_space<vmem_shared>> -> memref<632x128xf32, #tpu.memory_space<vmem_shared>>
      tpu.wait_dma2 semaphore(%run_scoped3A : memref<!tpu.dma_semaphore, #tpu.memory_space<semaphore_mem>>) src(%dma_wait3A_34 : memref<632x128xf32, #tpu.memory_space<vmem_shared>>) dst(%dma_wait3A_32 : memref<632x128xf32, #tpu.memory_space<hbm>>)
      tpu.yield
    }) : () -> ()
    return
  }
}

#map = affine_map<(d0, d1) -> (0, 0)>
#map1 = affine_map<(d0, d1) -> (0)>
#map2 = affine_map<(d0, d1) -> (0, 0, 0)>
module attributes {stable_mosaic.version = 14 : i64} {
  func.func @_sc_agg(%arg0: i32, %arg1: i32, %arg2: memref<10000x128xf32, #tpu.memory_space<hbm>>, %arg3: memref<320000xi32, #tpu.memory_space<hbm>>, %arg4: memref<320000xi32, #tpu.memory_space<hbm>>, %arg5: memref<10112x128xf32, #tpu.memory_space<hbm>>, %arg6: memref<2x10000x128xf32, #tpu.memory_space<hbm>>, %arg7: memref<10000x128xf32, #tpu.memory_space<vmem_shared>>, %arg8: memref<128xi32, #tpu.memory_space<vmem>>, %arg9: memref<128xi32, #tpu.memory_space<vmem>>, %arg10: memref<128xi32, #tpu.memory_space<vmem>>, %arg11: memref<128xi32, #tpu.memory_space<vmem>>, %arg12: memref<128x128xf32, #tpu.memory_space<vmem>>, %arg13: memref<128x128xf32, #tpu.memory_space<vmem>>, %arg14: memref<16xi32, #tpu.memory_space<vmem>>, %arg15: memref<16xi32, #tpu.memory_space<vmem>>, %arg16: memref<16x128xf32, #tpu.memory_space<vmem>>, %arg17: memref<!tpu.dma_semaphore, #tpu.memory_space<semaphore_mem>>, %arg18: memref<!tpu.dma_semaphore, #tpu.memory_space<semaphore_mem>>) attributes {dimension_semantics = [#tpu.dimension_semantics<core_parallel>, #tpu.dimension_semantics<subcore_parallel>], iteration_bounds = array<i64: 2, 16>, scalar_prefetch = 0 : i64, scratch_operands = 12 : i64, tpu.core_type = #tpu.core_type<sc_vector_subcore>, window_params = [{transform_indices = #map}, {transform_indices = #map1}, {transform_indices = #map1}, {transform_indices = #map}, {transform_indices = #map2}]} {
    %mul3A = arith.constant 624 : i32
    %mul3A_0 = arith.muli %arg1, %mul3A : i32
    %mul3A_1 = arith.constant 624 : i32
    %mul3A_2 = arith.muli %arg1, %mul3A_1 : i32
    "tpu.region"() ({
      %run_scoped3A = tpu.sem_alloc : memref<!tpu.dma_semaphore, #tpu.memory_space<semaphore_mem>>
      %dma_start3A_41 = arith.constant 0 : i32
      %dma_start3A_42 = tpu.memref_slice %arg7[%mul3A_2, %dma_start3A_41] : memref<10000x128xf32, #tpu.memory_space<vmem_shared>> -> memref<624x128xf32, #tpu.memory_space<vmem_shared>>
      %dma_start3A_43 = arith.constant 0 : i32
      %dma_start3A_44 = tpu.memref_slice %arg5[%mul3A_0, %dma_start3A_43] : memref<10112x128xf32, #tpu.memory_space<hbm>> -> memref<624x128xf32, #tpu.memory_space<hbm>>
      tpu.enqueue_dma source(%dma_start3A_44 : memref<624x128xf32, #tpu.memory_space<hbm>>) target(%dma_start3A_42 : memref<624x128xf32, #tpu.memory_space<vmem_shared>>) target_semaphore(%run_scoped3A : memref<!tpu.dma_semaphore, #tpu.memory_space<semaphore_mem>>)
      %dma_wait3A_45 = arith.constant 0 : i32
      %dma_wait3A_46 = tpu.memref_slice %arg7[%mul3A_2, %dma_wait3A_45] : memref<10000x128xf32, #tpu.memory_space<vmem_shared>> -> memref<624x128xf32, #tpu.memory_space<vmem_shared>>
      %dma_wait3A_47 = arith.constant 0 : i32
      %dma_wait3A_48 = tpu.memref_slice %arg5[%mul3A_0, %dma_wait3A_47] : memref<10112x128xf32, #tpu.memory_space<hbm>> -> memref<624x128xf32, #tpu.memory_space<hbm>>
      tpu.wait_dma2 semaphore(%run_scoped3A : memref<!tpu.dma_semaphore, #tpu.memory_space<semaphore_mem>>) src(%dma_wait3A_48 : memref<624x128xf32, #tpu.memory_space<hbm>>) dst(%dma_wait3A_46 : memref<624x128xf32, #tpu.memory_space<vmem_shared>>)
      tpu.yield
    }) : () -> ()
    %eq3A = arith.constant 0 : i32
    %eq3A_3 = arith.cmpi eq, %arg1, %eq3A : i32
    %convert_element_type3A = arith.extui %eq3A_3 : i1 to i32
    %cond3A = arith.constant 0 : i32
    %cond3A_4 = arith.cmpi ne, %convert_element_type3A, %cond3A : i32
    scf.if %cond3A_4 {
      "tpu.region"() ({
        %run_scoped3A = tpu.sem_alloc : memref<!tpu.dma_semaphore, #tpu.memory_space<semaphore_mem>>
        %dma_start3A_41 = arith.constant 9984 : i32
        %dma_start3A_42 = arith.constant 0 : i32
        %dma_start3A_43 = tpu.memref_slice %arg7[%dma_start3A_41, %dma_start3A_42] : memref<10000x128xf32, #tpu.memory_space<vmem_shared>> -> memref<16x128xf32, #tpu.memory_space<vmem_shared>>
        %dma_start3A_44 = arith.constant 9984 : i32
        %dma_start3A_45 = arith.constant 0 : i32
        %dma_start3A_46 = tpu.memref_slice %arg5[%dma_start3A_44, %dma_start3A_45] : memref<10112x128xf32, #tpu.memory_space<hbm>> -> memref<16x128xf32, #tpu.memory_space<hbm>>
        tpu.enqueue_dma source(%dma_start3A_46 : memref<16x128xf32, #tpu.memory_space<hbm>>) target(%dma_start3A_43 : memref<16x128xf32, #tpu.memory_space<vmem_shared>>) target_semaphore(%run_scoped3A : memref<!tpu.dma_semaphore, #tpu.memory_space<semaphore_mem>>)
        %dma_wait3A_47 = arith.constant 9984 : i32
        %dma_wait3A_48 = arith.constant 0 : i32
        %dma_wait3A_49 = tpu.memref_slice %arg7[%dma_wait3A_47, %dma_wait3A_48] : memref<10000x128xf32, #tpu.memory_space<vmem_shared>> -> memref<16x128xf32, #tpu.memory_space<vmem_shared>>
        %dma_wait3A_50 = arith.constant 9984 : i32
        %dma_wait3A_51 = arith.constant 0 : i32
        %dma_wait3A_52 = tpu.memref_slice %arg5[%dma_wait3A_50, %dma_wait3A_51] : memref<10112x128xf32, #tpu.memory_space<hbm>> -> memref<16x128xf32, #tpu.memory_space<hbm>>
        tpu.wait_dma2 semaphore(%run_scoped3A : memref<!tpu.dma_semaphore, #tpu.memory_space<semaphore_mem>>) src(%dma_wait3A_52 : memref<16x128xf32, #tpu.memory_space<hbm>>) dst(%dma_wait3A_49 : memref<16x128xf32, #tpu.memory_space<vmem_shared>>)
        tpu.yield
      }) : () -> ()
    } else {
    }
    %barrier3A = arith.constant 0 : index
    tpu.barrier barrier_id(%barrier3A)
    %mul3A_5 = arith.constant 16 : i32
    %mul3A_6 = arith.muli %arg0, %mul3A_5 : i32
    %add3A = arith.addi %mul3A_6, %arg1 : i32
    %mul3A_7 = arith.constant 10000 : i32
    %mul3A_8 = arith.muli %add3A, %mul3A_7 : i32
    "tpu.region"() ({
      %run_scoped3A = tpu.sem_alloc : memref<!tpu.dma_semaphore, #tpu.memory_space<semaphore_mem>>
      %dma_start3A_41 = tpu.memref_slice %arg3[%mul3A_8] : memref<320000xi32, #tpu.memory_space<hbm>> -> memref<128xi32, #tpu.memory_space<hbm>>
      %dma_start3A_42 = tpu.memref_slice %arg3[%mul3A_8] : memref<320000xi32, #tpu.memory_space<hbm>> -> memref<128xi32, #tpu.memory_space<hbm>>
      tpu.enqueue_dma source(%dma_start3A_42 : memref<128xi32, #tpu.memory_space<hbm>>) target(%arg8 : memref<128xi32, #tpu.memory_space<vmem>>) target_semaphore(%run_scoped3A : memref<!tpu.dma_semaphore, #tpu.memory_space<semaphore_mem>>)
      %dma_wait3A_43 = tpu.memref_slice %arg3[%mul3A_8] : memref<320000xi32, #tpu.memory_space<hbm>> -> memref<128xi32, #tpu.memory_space<hbm>>
      %dma_wait3A_44 = tpu.memref_slice %arg3[%mul3A_8] : memref<320000xi32, #tpu.memory_space<hbm>> -> memref<128xi32, #tpu.memory_space<hbm>>
      tpu.wait_dma2 semaphore(%run_scoped3A : memref<!tpu.dma_semaphore, #tpu.memory_space<semaphore_mem>>) src(%dma_wait3A_44 : memref<128xi32, #tpu.memory_space<hbm>>) dst(%arg8 : memref<128xi32, #tpu.memory_space<vmem>>)
      tpu.yield
    }) : () -> ()
    "tpu.region"() ({
      %run_scoped3A = tpu.sem_alloc : memref<!tpu.dma_semaphore, #tpu.memory_space<semaphore_mem>>
      %dma_start3A_41 = tpu.memref_slice %arg4[%mul3A_8] : memref<320000xi32, #tpu.memory_space<hbm>> -> memref<128xi32, #tpu.memory_space<hbm>>
      %dma_start3A_42 = tpu.memref_slice %arg4[%mul3A_8] : memref<320000xi32, #tpu.memory_space<hbm>> -> memref<128xi32, #tpu.memory_space<hbm>>
      tpu.enqueue_dma source(%dma_start3A_42 : memref<128xi32, #tpu.memory_space<hbm>>) target(%arg9 : memref<128xi32, #tpu.memory_space<vmem>>) target_semaphore(%run_scoped3A : memref<!tpu.dma_semaphore, #tpu.memory_space<semaphore_mem>>)
      %dma_wait3A_43 = tpu.memref_slice %arg4[%mul3A_8] : memref<320000xi32, #tpu.memory_space<hbm>> -> memref<128xi32, #tpu.memory_space<hbm>>
      %dma_wait3A_44 = tpu.memref_slice %arg4[%mul3A_8] : memref<320000xi32, #tpu.memory_space<hbm>> -> memref<128xi32, #tpu.memory_space<hbm>>
      tpu.wait_dma2 semaphore(%run_scoped3A : memref<!tpu.dma_semaphore, #tpu.memory_space<semaphore_mem>>) src(%dma_wait3A_44 : memref<128xi32, #tpu.memory_space<hbm>>) dst(%arg9 : memref<128xi32, #tpu.memory_space<vmem>>)
      tpu.yield
    }) : () -> ()
    %dma_start3A = arith.constant 0 : i32
    %dma_start3A_9 = arith.constant 0 : i32
    %dma_start3A_10 = tpu.memref_slice %arg2[%dma_start3A, %dma_start3A_9] : memref<10000x128xf32, #tpu.memory_space<hbm>> -> memref<10000x128xf32, #tpu.memory_space<hbm>>
    tpu.enqueue_indirect_dma source(%dma_start3A_10 : memref<10000x128xf32, #tpu.memory_space<hbm>>) target(%arg12 : memref<128x128xf32, #tpu.memory_space<vmem>>) offsets(%arg8 : memref<128xi32, #tpu.memory_space<vmem>>) semaphore(%arg17 : memref<!tpu.dma_semaphore, #tpu.memory_space<semaphore_mem>>)
    %add3A_11 = arith.constant 128 : i32
    %add3A_12 = arith.addi %mul3A_8, %add3A_11 : i32
    "tpu.region"() ({
      %run_scoped3A = tpu.sem_alloc : memref<!tpu.dma_semaphore, #tpu.memory_space<semaphore_mem>>
      %dma_start3A_41 = tpu.memref_slice %arg3[%add3A_12] : memref<320000xi32, #tpu.memory_space<hbm>> -> memref<128xi32, #tpu.memory_space<hbm>>
      %dma_start3A_42 = tpu.memref_slice %arg3[%add3A_12] : memref<320000xi32, #tpu.memory_space<hbm>> -> memref<128xi32, #tpu.memory_space<hbm>>
      tpu.enqueue_dma source(%dma_start3A_42 : memref<128xi32, #tpu.memory_space<hbm>>) target(%arg10 : memref<128xi32, #tpu.memory_space<vmem>>) target_semaphore(%run_scoped3A : memref<!tpu.dma_semaphore, #tpu.memory_space<semaphore_mem>>)
      %dma_wait3A_43 = tpu.memref_slice %arg3[%add3A_12] : memref<320000xi32, #tpu.memory_space<hbm>> -> memref<128xi32, #tpu.memory_space<hbm>>
      %dma_wait3A_44 = tpu.memref_slice %arg3[%add3A_12] : memref<320000xi32, #tpu.memory_space<hbm>> -> memref<128xi32, #tpu.memory_space<hbm>>
      tpu.wait_dma2 semaphore(%run_scoped3A : memref<!tpu.dma_semaphore, #tpu.memory_space<semaphore_mem>>) src(%dma_wait3A_44 : memref<128xi32, #tpu.memory_space<hbm>>) dst(%arg10 : memref<128xi32, #tpu.memory_space<vmem>>)
      tpu.yield
    }) : () -> ()
    %add3A_13 = arith.constant 128 : i32
    %add3A_14 = arith.addi %mul3A_8, %add3A_13 : i32
    "tpu.region"() ({
      %run_scoped3A = tpu.sem_alloc : memref<!tpu.dma_semaphore, #tpu.memory_space<semaphore_mem>>
      %dma_start3A_41 = tpu.memref_slice %arg4[%add3A_14] : memref<320000xi32, #tpu.memory_space<hbm>> -> memref<128xi32, #tpu.memory_space<hbm>>
      %dma_start3A_42 = tpu.memref_slice %arg4[%add3A_14] : memref<320000xi32, #tpu.memory_space<hbm>> -> memref<128xi32, #tpu.memory_space<hbm>>
      tpu.enqueue_dma source(%dma_start3A_42 : memref<128xi32, #tpu.memory_space<hbm>>) target(%arg11 : memref<128xi32, #tpu.memory_space<vmem>>) target_semaphore(%run_scoped3A : memref<!tpu.dma_semaphore, #tpu.memory_space<semaphore_mem>>)
      %dma_wait3A_43 = tpu.memref_slice %arg4[%add3A_14] : memref<320000xi32, #tpu.memory_space<hbm>> -> memref<128xi32, #tpu.memory_space<hbm>>
      %dma_wait3A_44 = tpu.memref_slice %arg4[%add3A_14] : memref<320000xi32, #tpu.memory_space<hbm>> -> memref<128xi32, #tpu.memory_space<hbm>>
      tpu.wait_dma2 semaphore(%run_scoped3A : memref<!tpu.dma_semaphore, #tpu.memory_space<semaphore_mem>>) src(%dma_wait3A_44 : memref<128xi32, #tpu.memory_space<hbm>>) dst(%arg11 : memref<128xi32, #tpu.memory_space<vmem>>)
      tpu.yield
    }) : () -> ()
    %dma_start3A_15 = arith.constant 0 : i32
    %dma_start3A_16 = arith.constant 0 : i32
    %dma_start3A_17 = tpu.memref_slice %arg2[%dma_start3A_15, %dma_start3A_16] : memref<10000x128xf32, #tpu.memory_space<hbm>> -> memref<10000x128xf32, #tpu.memory_space<hbm>>
    tpu.enqueue_indirect_dma source(%dma_start3A_17 : memref<10000x128xf32, #tpu.memory_space<hbm>>) target(%arg13 : memref<128x128xf32, #tpu.memory_space<vmem>>) offsets(%arg10 : memref<128xi32, #tpu.memory_space<vmem>>) semaphore(%arg18 : memref<!tpu.dma_semaphore, #tpu.memory_space<semaphore_mem>>)
    %scan3A = arith.constant 0 : i32
    %scan3A_18 = arith.constant 0 : i32
    %scan3A_19 = arith.constant 39 : i32
    %scan3A_20 = arith.addi %scan3A_18, %scan3A_19 : i32
    %scan3A_21 = arith.constant 1 : i32
    %scan3A_22 = scf.for %scan3A_41 = %scan3A_18 to %scan3A_20 step %scan3A_21 iter_args(%scan3A_42 = %scan3A) -> (i32)  : i32 {
      %dma_wait3A_43 = arith.constant 0 : i32
      %dma_wait3A_44 = arith.constant 0 : i32
      %dma_wait3A_45 = tpu.memref_slice %arg2[%dma_wait3A_43, %dma_wait3A_44] : memref<10000x128xf32, #tpu.memory_space<hbm>> -> memref<128x128xf32, #tpu.memory_space<hbm>>
      %dma_wait3A_46 = arith.constant 0 : i32
      %dma_wait3A_47 = arith.constant 0 : i32
      %dma_wait3A_48 = tpu.memref_slice %arg2[%dma_wait3A_46, %dma_wait3A_47] : memref<10000x128xf32, #tpu.memory_space<hbm>> -> memref<128x128xf32, #tpu.memory_space<hbm>>
      tpu.wait_dma2 semaphore(%arg17 : memref<!tpu.dma_semaphore, #tpu.memory_space<semaphore_mem>>) src(%dma_wait3A_48 : memref<128x128xf32, #tpu.memory_space<hbm>>) dst(%arg12 : memref<128x128xf32, #tpu.memory_space<vmem>>)
      "tpu.region"() ({
        %run_scoped3A = tpu.sem_alloc : memref<!tpu.dma_semaphore, #tpu.memory_space<semaphore_mem>>
        %dma_start3A_65 = arith.constant 0 : i32
        %dma_start3A_66 = arith.constant 0 : i32
        %dma_start3A_67 = tpu.memref_slice %arg7[%dma_start3A_65, %dma_start3A_66] : memref<10000x128xf32, #tpu.memory_space<vmem_shared>> -> memref<10000x128xf32, #tpu.memory_space<vmem_shared>>
        tpu.enqueue_indirect_dma source(%arg12 : memref<128x128xf32, #tpu.memory_space<vmem>>) target(%dma_start3A_67 : memref<10000x128xf32, #tpu.memory_space<vmem_shared>>) offsets(%arg9 : memref<128xi32, #tpu.memory_space<vmem>>) semaphore(%run_scoped3A : memref<!tpu.dma_semaphore, #tpu.memory_space<semaphore_mem>>) {add = true}
        %dma_wait3A_68 = arith.constant 0 : i32
        %dma_wait3A_69 = arith.constant 0 : i32
        %dma_wait3A_70 = tpu.memref_slice %arg7[%dma_wait3A_68, %dma_wait3A_69] : memref<10000x128xf32, #tpu.memory_space<vmem_shared>> -> memref<10000x128xf32, #tpu.memory_space<vmem_shared>>
        tpu.wait_indirect_dma semaphore(%run_scoped3A : memref<!tpu.dma_semaphore, #tpu.memory_space<semaphore_mem>>) src(%arg12 : memref<128x128xf32, #tpu.memory_space<vmem>>) dst(%dma_wait3A_70 : memref<10000x128xf32, #tpu.memory_space<vmem_shared>>)
        tpu.yield
      }) : () -> ()
      %lt3A = arith.constant 38 : i32
      %lt3A_49 = arith.cmpi slt, %scan3A_41, %lt3A : i32
      %convert_element_type3A_50 = arith.extui %lt3A_49 : i1 to i32
      %cond3A_51 = arith.constant 0 : i32
      %cond3A_52 = arith.cmpi ne, %convert_element_type3A_50, %cond3A_51 : i32
      scf.if %cond3A_52 {
        %mul3A_65 = arith.constant 2 : i32
        %mul3A_66 = arith.muli %mul3A_65, %scan3A_41 : i32
        %add3A_67 = arith.constant 2 : i32
        %add3A_68 = arith.addi %mul3A_66, %add3A_67 : i32
        %mul3A_69 = arith.constant 128 : i32
        %mul3A_70 = arith.muli %add3A_68, %mul3A_69 : i32
        %add3A_71 = arith.addi %mul3A_8, %mul3A_70 : i32
        "tpu.region"() ({
          %run_scoped3A = tpu.sem_alloc : memref<!tpu.dma_semaphore, #tpu.memory_space<semaphore_mem>>
          %dma_start3A_75 = tpu.memref_slice %arg3[%add3A_71] : memref<320000xi32, #tpu.memory_space<hbm>> -> memref<128xi32, #tpu.memory_space<hbm>>
          %dma_start3A_76 = tpu.memref_slice %arg3[%add3A_71] : memref<320000xi32, #tpu.memory_space<hbm>> -> memref<128xi32, #tpu.memory_space<hbm>>
          tpu.enqueue_dma source(%dma_start3A_76 : memref<128xi32, #tpu.memory_space<hbm>>) target(%arg8 : memref<128xi32, #tpu.memory_space<vmem>>) target_semaphore(%run_scoped3A : memref<!tpu.dma_semaphore, #tpu.memory_space<semaphore_mem>>)
          %dma_wait3A_77 = tpu.memref_slice %arg3[%add3A_71] : memref<320000xi32, #tpu.memory_space<hbm>> -> memref<128xi32, #tpu.memory_space<hbm>>
          %dma_wait3A_78 = tpu.memref_slice %arg3[%add3A_71] : memref<320000xi32, #tpu.memory_space<hbm>> -> memref<128xi32, #tpu.memory_space<hbm>>
          tpu.wait_dma2 semaphore(%run_scoped3A : memref<!tpu.dma_semaphore, #tpu.memory_space<semaphore_mem>>) src(%dma_wait3A_78 : memref<128xi32, #tpu.memory_space<hbm>>) dst(%arg8 : memref<128xi32, #tpu.memory_space<vmem>>)
          tpu.yield
        }) : () -> ()
        "tpu.region"() ({
          %run_scoped3A = tpu.sem_alloc : memref<!tpu.dma_semaphore, #tpu.memory_space<semaphore_mem>>
          %dma_start3A_75 = tpu.memref_slice %arg4[%add3A_71] : memref<320000xi32, #tpu.memory_space<hbm>> -> memref<128xi32, #tpu.memory_space<hbm>>
          %dma_start3A_76 = tpu.memref_slice %arg4[%add3A_71] : memref<320000xi32, #tpu.memory_space<hbm>> -> memref<128xi32, #tpu.memory_space<hbm>>
          tpu.enqueue_dma source(%dma_start3A_76 : memref<128xi32, #tpu.memory_space<hbm>>) target(%arg9 : memref<128xi32, #tpu.memory_space<vmem>>) target_semaphore(%run_scoped3A : memref<!tpu.dma_semaphore, #tpu.memory_space<semaphore_mem>>)
          %dma_wait3A_77 = tpu.memref_slice %arg4[%add3A_71] : memref<320000xi32, #tpu.memory_space<hbm>> -> memref<128xi32, #tpu.memory_space<hbm>>
          %dma_wait3A_78 = tpu.memref_slice %arg4[%add3A_71] : memref<320000xi32, #tpu.memory_space<hbm>> -> memref<128xi32, #tpu.memory_space<hbm>>
          tpu.wait_dma2 semaphore(%run_scoped3A : memref<!tpu.dma_semaphore, #tpu.memory_space<semaphore_mem>>) src(%dma_wait3A_78 : memref<128xi32, #tpu.memory_space<hbm>>) dst(%arg9 : memref<128xi32, #tpu.memory_space<vmem>>)
          tpu.yield
        }) : () -> ()
        %dma_start3A_72 = arith.constant 0 : i32
        %dma_start3A_73 = arith.constant 0 : i32
        %dma_start3A_74 = tpu.memref_slice %arg2[%dma_start3A_72, %dma_start3A_73] : memref<10000x128xf32, #tpu.memory_space<hbm>> -> memref<10000x128xf32, #tpu.memory_space<hbm>>
        tpu.enqueue_indirect_dma source(%dma_start3A_74 : memref<10000x128xf32, #tpu.memory_space<hbm>>) target(%arg12 : memref<128x128xf32, #tpu.memory_space<vmem>>) offsets(%arg8 : memref<128xi32, #tpu.memory_space<vmem>>) semaphore(%arg17 : memref<!tpu.dma_semaphore, #tpu.memory_space<semaphore_mem>>)
      } else {
      }
      %dma_wait3A_53 = arith.constant 0 : i32
      %dma_wait3A_54 = arith.constant 0 : i32
      %dma_wait3A_55 = tpu.memref_slice %arg2[%dma_wait3A_53, %dma_wait3A_54] : memref<10000x128xf32, #tpu.memory_space<hbm>> -> memref<128x128xf32, #tpu.memory_space<hbm>>
      %dma_wait3A_56 = arith.constant 0 : i32
      %dma_wait3A_57 = arith.constant 0 : i32
      %dma_wait3A_58 = tpu.memref_slice %arg2[%dma_wait3A_56, %dma_wait3A_57] : memref<10000x128xf32, #tpu.memory_space<hbm>> -> memref<128x128xf32, #tpu.memory_space<hbm>>
      tpu.wait_dma2 semaphore(%arg18 : memref<!tpu.dma_semaphore, #tpu.memory_space<semaphore_mem>>) src(%dma_wait3A_58 : memref<128x128xf32, #tpu.memory_space<hbm>>) dst(%arg13 : memref<128x128xf32, #tpu.memory_space<vmem>>)
      "tpu.region"() ({
        %run_scoped3A = tpu.sem_alloc : memref<!tpu.dma_semaphore, #tpu.memory_space<semaphore_mem>>
        %dma_start3A_65 = arith.constant 0 : i32
        %dma_start3A_66 = arith.constant 0 : i32
        %dma_start3A_67 = tpu.memref_slice %arg7[%dma_start3A_65, %dma_start3A_66] : memref<10000x128xf32, #tpu.memory_space<vmem_shared>> -> memref<10000x128xf32, #tpu.memory_space<vmem_shared>>
        tpu.enqueue_indirect_dma source(%arg13 : memref<128x128xf32, #tpu.memory_space<vmem>>) target(%dma_start3A_67 : memref<10000x128xf32, #tpu.memory_space<vmem_shared>>) offsets(%arg11 : memref<128xi32, #tpu.memory_space<vmem>>) semaphore(%run_scoped3A : memref<!tpu.dma_semaphore, #tpu.memory_space<semaphore_mem>>) {add = true}
        %dma_wait3A_68 = arith.constant 0 : i32
        %dma_wait3A_69 = arith.constant 0 : i32
        %dma_wait3A_70 = tpu.memref_slice %arg7[%dma_wait3A_68, %dma_wait3A_69] : memref<10000x128xf32, #tpu.memory_space<vmem_shared>> -> memref<10000x128xf32, #tpu.memory_space<vmem_shared>>
        tpu.wait_indirect_dma semaphore(%run_scoped3A : memref<!tpu.dma_semaphore, #tpu.memory_space<semaphore_mem>>) src(%arg13 : memref<128x128xf32, #tpu.memory_space<vmem>>) dst(%dma_wait3A_70 : memref<10000x128xf32, #tpu.memory_space<vmem_shared>>)
        tpu.yield
      }) : () -> ()
      %lt3A_59 = arith.constant 38 : i32
      %lt3A_60 = arith.cmpi slt, %scan3A_41, %lt3A_59 : i32
      %convert_element_type3A_61 = arith.extui %lt3A_60 : i1 to i32
      %cond3A_62 = arith.constant 0 : i32
      %cond3A_63 = arith.cmpi ne, %convert_element_type3A_61, %cond3A_62 : i32
      scf.if %cond3A_63 {
        %mul3A_65 = arith.constant 2 : i32
        %mul3A_66 = arith.muli %mul3A_65, %scan3A_41 : i32
        %add3A_67 = arith.constant 3 : i32
        %add3A_68 = arith.addi %mul3A_66, %add3A_67 : i32
        %mul3A_69 = arith.constant 128 : i32
        %mul3A_70 = arith.muli %add3A_68, %mul3A_69 : i32
        %add3A_71 = arith.addi %mul3A_8, %mul3A_70 : i32
        "tpu.region"() ({
          %run_scoped3A = tpu.sem_alloc : memref<!tpu.dma_semaphore, #tpu.memory_space<semaphore_mem>>
          %dma_start3A_75 = tpu.memref_slice %arg3[%add3A_71] : memref<320000xi32, #tpu.memory_space<hbm>> -> memref<128xi32, #tpu.memory_space<hbm>>
          %dma_start3A_76 = tpu.memref_slice %arg3[%add3A_71] : memref<320000xi32, #tpu.memory_space<hbm>> -> memref<128xi32, #tpu.memory_space<hbm>>
          tpu.enqueue_dma source(%dma_start3A_76 : memref<128xi32, #tpu.memory_space<hbm>>) target(%arg10 : memref<128xi32, #tpu.memory_space<vmem>>) target_semaphore(%run_scoped3A : memref<!tpu.dma_semaphore, #tpu.memory_space<semaphore_mem>>)
          %dma_wait3A_77 = tpu.memref_slice %arg3[%add3A_71] : memref<320000xi32, #tpu.memory_space<hbm>> -> memref<128xi32, #tpu.memory_space<hbm>>
          %dma_wait3A_78 = tpu.memref_slice %arg3[%add3A_71] : memref<320000xi32, #tpu.memory_space<hbm>> -> memref<128xi32, #tpu.memory_space<hbm>>
          tpu.wait_dma2 semaphore(%run_scoped3A : memref<!tpu.dma_semaphore, #tpu.memory_space<semaphore_mem>>) src(%dma_wait3A_78 : memref<128xi32, #tpu.memory_space<hbm>>) dst(%arg10 : memref<128xi32, #tpu.memory_space<vmem>>)
          tpu.yield
        }) : () -> ()
        "tpu.region"() ({
          %run_scoped3A = tpu.sem_alloc : memref<!tpu.dma_semaphore, #tpu.memory_space<semaphore_mem>>
          %dma_start3A_75 = tpu.memref_slice %arg4[%add3A_71] : memref<320000xi32, #tpu.memory_space<hbm>> -> memref<128xi32, #tpu.memory_space<hbm>>
          %dma_start3A_76 = tpu.memref_slice %arg4[%add3A_71] : memref<320000xi32, #tpu.memory_space<hbm>> -> memref<128xi32, #tpu.memory_space<hbm>>
          tpu.enqueue_dma source(%dma_start3A_76 : memref<128xi32, #tpu.memory_space<hbm>>) target(%arg11 : memref<128xi32, #tpu.memory_space<vmem>>) target_semaphore(%run_scoped3A : memref<!tpu.dma_semaphore, #tpu.memory_space<semaphore_mem>>)
          %dma_wait3A_77 = tpu.memref_slice %arg4[%add3A_71] : memref<320000xi32, #tpu.memory_space<hbm>> -> memref<128xi32, #tpu.memory_space<hbm>>
          %dma_wait3A_78 = tpu.memref_slice %arg4[%add3A_71] : memref<320000xi32, #tpu.memory_space<hbm>> -> memref<128xi32, #tpu.memory_space<hbm>>
          tpu.wait_dma2 semaphore(%run_scoped3A : memref<!tpu.dma_semaphore, #tpu.memory_space<semaphore_mem>>) src(%dma_wait3A_78 : memref<128xi32, #tpu.memory_space<hbm>>) dst(%arg11 : memref<128xi32, #tpu.memory_space<vmem>>)
          tpu.yield
        }) : () -> ()
        %dma_start3A_72 = arith.constant 0 : i32
        %dma_start3A_73 = arith.constant 0 : i32
        %dma_start3A_74 = tpu.memref_slice %arg2[%dma_start3A_72, %dma_start3A_73] : memref<10000x128xf32, #tpu.memory_space<hbm>> -> memref<10000x128xf32, #tpu.memory_space<hbm>>
        tpu.enqueue_indirect_dma source(%dma_start3A_74 : memref<10000x128xf32, #tpu.memory_space<hbm>>) target(%arg13 : memref<128x128xf32, #tpu.memory_space<vmem>>) offsets(%arg10 : memref<128xi32, #tpu.memory_space<vmem>>) semaphore(%arg18 : memref<!tpu.dma_semaphore, #tpu.memory_space<semaphore_mem>>)
      } else {
      }
      %scan3A_64 = arith.constant 0 : i32
      scf.yield %scan3A_64 : i32
    }
    %scan3A_23 = arith.constant 39 : i32
    %add3A_24 = arith.constant 9984 : i32
    %add3A_25 = arith.addi %mul3A_8, %add3A_24 : i32
    "tpu.region"() ({
      %run_scoped3A = tpu.sem_alloc : memref<!tpu.dma_semaphore, #tpu.memory_space<semaphore_mem>>
      %dma_start3A_41 = tpu.memref_slice %arg3[%add3A_25] : memref<320000xi32, #tpu.memory_space<hbm>> -> memref<16xi32, #tpu.memory_space<hbm>>
      %dma_start3A_42 = tpu.memref_slice %arg3[%add3A_25] : memref<320000xi32, #tpu.memory_space<hbm>> -> memref<16xi32, #tpu.memory_space<hbm>>
      tpu.enqueue_dma source(%dma_start3A_42 : memref<16xi32, #tpu.memory_space<hbm>>) target(%arg14 : memref<16xi32, #tpu.memory_space<vmem>>) target_semaphore(%run_scoped3A : memref<!tpu.dma_semaphore, #tpu.memory_space<semaphore_mem>>)
      %dma_wait3A_43 = tpu.memref_slice %arg3[%add3A_25] : memref<320000xi32, #tpu.memory_space<hbm>> -> memref<16xi32, #tpu.memory_space<hbm>>
      %dma_wait3A_44 = tpu.memref_slice %arg3[%add3A_25] : memref<320000xi32, #tpu.memory_space<hbm>> -> memref<16xi32, #tpu.memory_space<hbm>>
      tpu.wait_dma2 semaphore(%run_scoped3A : memref<!tpu.dma_semaphore, #tpu.memory_space<semaphore_mem>>) src(%dma_wait3A_44 : memref<16xi32, #tpu.memory_space<hbm>>) dst(%arg14 : memref<16xi32, #tpu.memory_space<vmem>>)
      tpu.yield
    }) : () -> ()
    "tpu.region"() ({
      %run_scoped3A = tpu.sem_alloc : memref<!tpu.dma_semaphore, #tpu.memory_space<semaphore_mem>>
      %dma_start3A_41 = tpu.memref_slice %arg4[%add3A_25] : memref<320000xi32, #tpu.memory_space<hbm>> -> memref<16xi32, #tpu.memory_space<hbm>>
      %dma_start3A_42 = tpu.memref_slice %arg4[%add3A_25] : memref<320000xi32, #tpu.memory_space<hbm>> -> memref<16xi32, #tpu.memory_space<hbm>>
      tpu.enqueue_dma source(%dma_start3A_42 : memref<16xi32, #tpu.memory_space<hbm>>) target(%arg15 : memref<16xi32, #tpu.memory_space<vmem>>) target_semaphore(%run_scoped3A : memref<!tpu.dma_semaphore, #tpu.memory_space<semaphore_mem>>)
      %dma_wait3A_43 = tpu.memref_slice %arg4[%add3A_25] : memref<320000xi32, #tpu.memory_space<hbm>> -> memref<16xi32, #tpu.memory_space<hbm>>
      %dma_wait3A_44 = tpu.memref_slice %arg4[%add3A_25] : memref<320000xi32, #tpu.memory_space<hbm>> -> memref<16xi32, #tpu.memory_space<hbm>>
      tpu.wait_dma2 semaphore(%run_scoped3A : memref<!tpu.dma_semaphore, #tpu.memory_space<semaphore_mem>>) src(%dma_wait3A_44 : memref<16xi32, #tpu.memory_space<hbm>>) dst(%arg15 : memref<16xi32, #tpu.memory_space<vmem>>)
      tpu.yield
    }) : () -> ()
    %dma_start3A_26 = arith.constant 0 : i32
    %dma_start3A_27 = arith.constant 0 : i32
    %dma_start3A_28 = tpu.memref_slice %arg2[%dma_start3A_26, %dma_start3A_27] : memref<10000x128xf32, #tpu.memory_space<hbm>> -> memref<10000x128xf32, #tpu.memory_space<hbm>>
    tpu.enqueue_indirect_dma source(%dma_start3A_28 : memref<10000x128xf32, #tpu.memory_space<hbm>>) target(%arg16 : memref<16x128xf32, #tpu.memory_space<vmem>>) offsets(%arg14 : memref<16xi32, #tpu.memory_space<vmem>>) semaphore(%arg17 : memref<!tpu.dma_semaphore, #tpu.memory_space<semaphore_mem>>)
    %dma_wait3A = arith.constant 0 : i32
    %dma_wait3A_29 = arith.constant 0 : i32
    %dma_wait3A_30 = tpu.memref_slice %arg2[%dma_wait3A, %dma_wait3A_29] : memref<10000x128xf32, #tpu.memory_space<hbm>> -> memref<10000x128xf32, #tpu.memory_space<hbm>>
    tpu.wait_indirect_dma semaphore(%arg17 : memref<!tpu.dma_semaphore, #tpu.memory_space<semaphore_mem>>) src(%dma_wait3A_30 : memref<10000x128xf32, #tpu.memory_space<hbm>>) dst(%arg16 : memref<16x128xf32, #tpu.memory_space<vmem>>)
    "tpu.region"() ({
      %run_scoped3A = tpu.sem_alloc : memref<!tpu.dma_semaphore, #tpu.memory_space<semaphore_mem>>
      %dma_start3A_41 = arith.constant 0 : i32
      %dma_start3A_42 = arith.constant 0 : i32
      %dma_start3A_43 = tpu.memref_slice %arg7[%dma_start3A_41, %dma_start3A_42] : memref<10000x128xf32, #tpu.memory_space<vmem_shared>> -> memref<10000x128xf32, #tpu.memory_space<vmem_shared>>
      tpu.enqueue_indirect_dma source(%arg16 : memref<16x128xf32, #tpu.memory_space<vmem>>) target(%dma_start3A_43 : memref<10000x128xf32, #tpu.memory_space<vmem_shared>>) offsets(%arg15 : memref<16xi32, #tpu.memory_space<vmem>>) semaphore(%run_scoped3A : memref<!tpu.dma_semaphore, #tpu.memory_space<semaphore_mem>>) {add = true}
      %dma_wait3A_44 = arith.constant 0 : i32
      %dma_wait3A_45 = arith.constant 0 : i32
      %dma_wait3A_46 = tpu.memref_slice %arg7[%dma_wait3A_44, %dma_wait3A_45] : memref<10000x128xf32, #tpu.memory_space<vmem_shared>> -> memref<10000x128xf32, #tpu.memory_space<vmem_shared>>
      tpu.wait_indirect_dma semaphore(%run_scoped3A : memref<!tpu.dma_semaphore, #tpu.memory_space<semaphore_mem>>) src(%arg16 : memref<16x128xf32, #tpu.memory_space<vmem>>) dst(%dma_wait3A_46 : memref<10000x128xf32, #tpu.memory_space<vmem_shared>>)
      tpu.yield
    }) : () -> ()
    %barrier3A_31 = arith.constant 0 : index
    tpu.barrier barrier_id(%barrier3A_31)
    %mul3A_32 = arith.constant 624 : i32
    %mul3A_33 = arith.muli %arg1, %mul3A_32 : i32
    %mul3A_34 = arith.constant 624 : i32
    %mul3A_35 = arith.muli %arg1, %mul3A_34 : i32
    "tpu.region"() ({
      %run_scoped3A = tpu.sem_alloc : memref<!tpu.dma_semaphore, #tpu.memory_space<semaphore_mem>>
      %dma_start3A_41 = arith.constant 0 : i32
      %dma_start3A_42 = tpu.memref_slice %arg6[%arg0, %mul3A_35, %dma_start3A_41] : memref<2x10000x128xf32, #tpu.memory_space<hbm>> -> memref<1x624x128xf32, #tpu.memory_space<hbm>>
      %dma_start3A_43 = tpu.memref_squeeze %dma_start3A_42 : memref<1x624x128xf32, #tpu.memory_space<hbm>> -> memref<624x128xf32, #tpu.memory_space<hbm>>
      %dma_start3A_44 = arith.constant 0 : i32
      %dma_start3A_45 = tpu.memref_slice %arg7[%mul3A_33, %dma_start3A_44] : memref<10000x128xf32, #tpu.memory_space<vmem_shared>> -> memref<624x128xf32, #tpu.memory_space<vmem_shared>>
      tpu.enqueue_dma source(%dma_start3A_45 : memref<624x128xf32, #tpu.memory_space<vmem_shared>>) target(%dma_start3A_43 : memref<624x128xf32, #tpu.memory_space<hbm>>) target_semaphore(%run_scoped3A : memref<!tpu.dma_semaphore, #tpu.memory_space<semaphore_mem>>)
      %dma_wait3A_46 = arith.constant 0 : i32
      %dma_wait3A_47 = tpu.memref_slice %arg6[%arg0, %mul3A_35, %dma_wait3A_46] : memref<2x10000x128xf32, #tpu.memory_space<hbm>> -> memref<1x624x128xf32, #tpu.memory_space<hbm>>
      %dma_wait3A_48 = tpu.memref_squeeze %dma_wait3A_47 : memref<1x624x128xf32, #tpu.memory_space<hbm>> -> memref<624x128xf32, #tpu.memory_space<hbm>>
      %dma_wait3A_49 = arith.constant 0 : i32
      %dma_wait3A_50 = tpu.memref_slice %arg7[%mul3A_33, %dma_wait3A_49] : memref<10000x128xf32, #tpu.memory_space<vmem_shared>> -> memref<624x128xf32, #tpu.memory_space<vmem_shared>>
      tpu.wait_dma2 semaphore(%run_scoped3A : memref<!tpu.dma_semaphore, #tpu.memory_space<semaphore_mem>>) src(%dma_wait3A_50 : memref<624x128xf32, #tpu.memory_space<vmem_shared>>) dst(%dma_wait3A_48 : memref<624x128xf32, #tpu.memory_space<hbm>>)
      tpu.yield
    }) : () -> ()
    %eq3A_36 = arith.constant 0 : i32
    %eq3A_37 = arith.cmpi eq, %arg1, %eq3A_36 : i32
    %convert_element_type3A_38 = arith.extui %eq3A_37 : i1 to i32
    %cond3A_39 = arith.constant 0 : i32
    %cond3A_40 = arith.cmpi ne, %convert_element_type3A_38, %cond3A_39 : i32
    scf.if %cond3A_40 {
      "tpu.region"() ({
        %run_scoped3A = tpu.sem_alloc : memref<!tpu.dma_semaphore, #tpu.memory_space<semaphore_mem>>
        %dma_start3A_41 = arith.constant 9984 : i32
        %dma_start3A_42 = arith.constant 0 : i32
        %dma_start3A_43 = tpu.memref_slice %arg6[%arg0, %dma_start3A_41, %dma_start3A_42] : memref<2x10000x128xf32, #tpu.memory_space<hbm>> -> memref<1x16x128xf32, #tpu.memory_space<hbm>>
        %dma_start3A_44 = tpu.memref_squeeze %dma_start3A_43 : memref<1x16x128xf32, #tpu.memory_space<hbm>> -> memref<16x128xf32, #tpu.memory_space<hbm>>
        %dma_start3A_45 = arith.constant 9984 : i32
        %dma_start3A_46 = arith.constant 0 : i32
        %dma_start3A_47 = tpu.memref_slice %arg7[%dma_start3A_45, %dma_start3A_46] : memref<10000x128xf32, #tpu.memory_space<vmem_shared>> -> memref<16x128xf32, #tpu.memory_space<vmem_shared>>
        tpu.enqueue_dma source(%dma_start3A_47 : memref<16x128xf32, #tpu.memory_space<vmem_shared>>) target(%dma_start3A_44 : memref<16x128xf32, #tpu.memory_space<hbm>>) target_semaphore(%run_scoped3A : memref<!tpu.dma_semaphore, #tpu.memory_space<semaphore_mem>>)
        %dma_wait3A_48 = arith.constant 9984 : i32
        %dma_wait3A_49 = arith.constant 0 : i32
        %dma_wait3A_50 = tpu.memref_slice %arg6[%arg0, %dma_wait3A_48, %dma_wait3A_49] : memref<2x10000x128xf32, #tpu.memory_space<hbm>> -> memref<1x16x128xf32, #tpu.memory_space<hbm>>
        %dma_wait3A_51 = tpu.memref_squeeze %dma_wait3A_50 : memref<1x16x128xf32, #tpu.memory_space<hbm>> -> memref<16x128xf32, #tpu.memory_space<hbm>>
        %dma_wait3A_52 = arith.constant 9984 : i32
        %dma_wait3A_53 = arith.constant 0 : i32
        %dma_wait3A_54 = tpu.memref_slice %arg7[%dma_wait3A_52, %dma_wait3A_53] : memref<10000x128xf32, #tpu.memory_space<vmem_shared>> -> memref<16x128xf32, #tpu.memory_space<vmem_shared>>
        tpu.wait_dma2 semaphore(%run_scoped3A : memref<!tpu.dma_semaphore, #tpu.memory_space<semaphore_mem>>) src(%dma_wait3A_54 : memref<16x128xf32, #tpu.memory_space<vmem_shared>>) dst(%dma_wait3A_51 : memref<16x128xf32, #tpu.memory_space<hbm>>)
        tpu.yield
      }) : () -> ()
    } else {
    }
    return
  }
}

#map = affine_map<(d0, d1) -> (0, 0)>
#map1 = affine_map<(d0, d1) -> (0)>
#map2 = affine_map<(d0, d1) -> (0, 0, 0)>
module attributes {stable_mosaic.version = 14 : i64} {
  func.func @_sc_agg(%arg0: i32, %arg1: i32, %arg2: memref<10000x128xf32, #tpu.memory_space<hbm>>, %arg3: memref<320000xi32, #tpu.memory_space<hbm>>, %arg4: memref<320000xi32, #tpu.memory_space<hbm>>, %arg5: memref<10112x128xf32, #tpu.memory_space<hbm>>, %arg6: memref<2x10000x128xf32, #tpu.memory_space<hbm>>, %arg7: memref<10000x128xf32, #tpu.memory_space<vmem_shared>>, %arg8: memref<128xi32, #tpu.memory_space<vmem>>, %arg9: memref<128xi32, #tpu.memory_space<vmem>>, %arg10: memref<128xi32, #tpu.memory_space<vmem>>, %arg11: memref<128xi32, #tpu.memory_space<vmem>>, %arg12: memref<128x128xf32, #tpu.memory_space<vmem>>, %arg13: memref<128x128xf32, #tpu.memory_space<vmem>>, %arg14: memref<16xi32, #tpu.memory_space<vmem>>, %arg15: memref<16xi32, #tpu.memory_space<vmem>>, %arg16: memref<16x128xf32, #tpu.memory_space<vmem>>, %arg17: memref<!tpu.dma_semaphore, #tpu.memory_space<semaphore_mem>>, %arg18: memref<!tpu.dma_semaphore, #tpu.memory_space<semaphore_mem>>) attributes {dimension_semantics = [#tpu.dimension_semantics<core_parallel>, #tpu.dimension_semantics<subcore_parallel>], iteration_bounds = array<i64: 2, 16>, scalar_prefetch = 0 : i64, scratch_operands = 12 : i64, tpu.core_type = #tpu.core_type<sc_vector_subcore>, window_params = [{transform_indices = #map}, {transform_indices = #map1}, {transform_indices = #map1}, {transform_indices = #map}, {transform_indices = #map2}]} {
    %mul3A = arith.constant 624 : i32
    %mul3A_0 = arith.muli %arg1, %mul3A : i32
    %mul3A_1 = arith.constant 624 : i32
    %mul3A_2 = arith.muli %arg1, %mul3A_1 : i32
    "tpu.region"() ({
      %run_scoped3A = tpu.sem_alloc : memref<!tpu.dma_semaphore, #tpu.memory_space<semaphore_mem>>
      %dma_start3A_41 = arith.constant 0 : i32
      %dma_start3A_42 = tpu.memref_slice %arg7[%mul3A_2, %dma_start3A_41] : memref<10000x128xf32, #tpu.memory_space<vmem_shared>> -> memref<624x128xf32, #tpu.memory_space<vmem_shared>>
      %dma_start3A_43 = arith.constant 0 : i32
      %dma_start3A_44 = tpu.memref_slice %arg5[%mul3A_0, %dma_start3A_43] : memref<10112x128xf32, #tpu.memory_space<hbm>> -> memref<624x128xf32, #tpu.memory_space<hbm>>
      tpu.enqueue_dma source(%dma_start3A_44 : memref<624x128xf32, #tpu.memory_space<hbm>>) target(%dma_start3A_42 : memref<624x128xf32, #tpu.memory_space<vmem_shared>>) target_semaphore(%run_scoped3A : memref<!tpu.dma_semaphore, #tpu.memory_space<semaphore_mem>>)
      %dma_wait3A_45 = arith.constant 0 : i32
      %dma_wait3A_46 = tpu.memref_slice %arg7[%mul3A_2, %dma_wait3A_45] : memref<10000x128xf32, #tpu.memory_space<vmem_shared>> -> memref<624x128xf32, #tpu.memory_space<vmem_shared>>
      %dma_wait3A_47 = arith.constant 0 : i32
      %dma_wait3A_48 = tpu.memref_slice %arg5[%mul3A_0, %dma_wait3A_47] : memref<10112x128xf32, #tpu.memory_space<hbm>> -> memref<624x128xf32, #tpu.memory_space<hbm>>
      tpu.wait_dma2 semaphore(%run_scoped3A : memref<!tpu.dma_semaphore, #tpu.memory_space<semaphore_mem>>) src(%dma_wait3A_48 : memref<624x128xf32, #tpu.memory_space<hbm>>) dst(%dma_wait3A_46 : memref<624x128xf32, #tpu.memory_space<vmem_shared>>)
      tpu.yield
    }) : () -> ()
    %eq3A = arith.constant 0 : i32
    %eq3A_3 = arith.cmpi eq, %arg1, %eq3A : i32
    %convert_element_type3A = arith.extui %eq3A_3 : i1 to i32
    %cond3A = arith.constant 0 : i32
    %cond3A_4 = arith.cmpi ne, %convert_element_type3A, %cond3A : i32
    scf.if %cond3A_4 {
      "tpu.region"() ({
        %run_scoped3A = tpu.sem_alloc : memref<!tpu.dma_semaphore, #tpu.memory_space<semaphore_mem>>
        %dma_start3A_41 = arith.constant 9984 : i32
        %dma_start3A_42 = arith.constant 0 : i32
        %dma_start3A_43 = tpu.memref_slice %arg7[%dma_start3A_41, %dma_start3A_42] : memref<10000x128xf32, #tpu.memory_space<vmem_shared>> -> memref<16x128xf32, #tpu.memory_space<vmem_shared>>
        %dma_start3A_44 = arith.constant 9984 : i32
        %dma_start3A_45 = arith.constant 0 : i32
        %dma_start3A_46 = tpu.memref_slice %arg5[%dma_start3A_44, %dma_start3A_45] : memref<10112x128xf32, #tpu.memory_space<hbm>> -> memref<16x128xf32, #tpu.memory_space<hbm>>
        tpu.enqueue_dma source(%dma_start3A_46 : memref<16x128xf32, #tpu.memory_space<hbm>>) target(%dma_start3A_43 : memref<16x128xf32, #tpu.memory_space<vmem_shared>>) target_semaphore(%run_scoped3A : memref<!tpu.dma_semaphore, #tpu.memory_space<semaphore_mem>>)
        %dma_wait3A_47 = arith.constant 9984 : i32
        %dma_wait3A_48 = arith.constant 0 : i32
        %dma_wait3A_49 = tpu.memref_slice %arg7[%dma_wait3A_47, %dma_wait3A_48] : memref<10000x128xf32, #tpu.memory_space<vmem_shared>> -> memref<16x128xf32, #tpu.memory_space<vmem_shared>>
        %dma_wait3A_50 = arith.constant 9984 : i32
        %dma_wait3A_51 = arith.constant 0 : i32
        %dma_wait3A_52 = tpu.memref_slice %arg5[%dma_wait3A_50, %dma_wait3A_51] : memref<10112x128xf32, #tpu.memory_space<hbm>> -> memref<16x128xf32, #tpu.memory_space<hbm>>
        tpu.wait_dma2 semaphore(%run_scoped3A : memref<!tpu.dma_semaphore, #tpu.memory_space<semaphore_mem>>) src(%dma_wait3A_52 : memref<16x128xf32, #tpu.memory_space<hbm>>) dst(%dma_wait3A_49 : memref<16x128xf32, #tpu.memory_space<vmem_shared>>)
        tpu.yield
      }) : () -> ()
    } else {
    }
    %barrier3A = arith.constant 0 : index
    tpu.barrier barrier_id(%barrier3A)
    %mul3A_5 = arith.constant 16 : i32
    %mul3A_6 = arith.muli %arg0, %mul3A_5 : i32
    %add3A = arith.addi %mul3A_6, %arg1 : i32
    %mul3A_7 = arith.constant 10000 : i32
    %mul3A_8 = arith.muli %add3A, %mul3A_7 : i32
    "tpu.region"() ({
      %run_scoped3A = tpu.sem_alloc : memref<!tpu.dma_semaphore, #tpu.memory_space<semaphore_mem>>
      %dma_start3A_41 = tpu.memref_slice %arg3[%mul3A_8] : memref<320000xi32, #tpu.memory_space<hbm>> -> memref<128xi32, #tpu.memory_space<hbm>>
      %dma_start3A_42 = tpu.memref_slice %arg3[%mul3A_8] : memref<320000xi32, #tpu.memory_space<hbm>> -> memref<128xi32, #tpu.memory_space<hbm>>
      tpu.enqueue_dma source(%dma_start3A_42 : memref<128xi32, #tpu.memory_space<hbm>>) target(%arg8 : memref<128xi32, #tpu.memory_space<vmem>>) target_semaphore(%run_scoped3A : memref<!tpu.dma_semaphore, #tpu.memory_space<semaphore_mem>>)
      %dma_wait3A_43 = tpu.memref_slice %arg3[%mul3A_8] : memref<320000xi32, #tpu.memory_space<hbm>> -> memref<128xi32, #tpu.memory_space<hbm>>
      %dma_wait3A_44 = tpu.memref_slice %arg3[%mul3A_8] : memref<320000xi32, #tpu.memory_space<hbm>> -> memref<128xi32, #tpu.memory_space<hbm>>
      tpu.wait_dma2 semaphore(%run_scoped3A : memref<!tpu.dma_semaphore, #tpu.memory_space<semaphore_mem>>) src(%dma_wait3A_44 : memref<128xi32, #tpu.memory_space<hbm>>) dst(%arg8 : memref<128xi32, #tpu.memory_space<vmem>>)
      tpu.yield
    }) : () -> ()
    "tpu.region"() ({
      %run_scoped3A = tpu.sem_alloc : memref<!tpu.dma_semaphore, #tpu.memory_space<semaphore_mem>>
      %dma_start3A_41 = tpu.memref_slice %arg4[%mul3A_8] : memref<320000xi32, #tpu.memory_space<hbm>> -> memref<128xi32, #tpu.memory_space<hbm>>
      %dma_start3A_42 = tpu.memref_slice %arg4[%mul3A_8] : memref<320000xi32, #tpu.memory_space<hbm>> -> memref<128xi32, #tpu.memory_space<hbm>>
      tpu.enqueue_dma source(%dma_start3A_42 : memref<128xi32, #tpu.memory_space<hbm>>) target(%arg9 : memref<128xi32, #tpu.memory_space<vmem>>) target_semaphore(%run_scoped3A : memref<!tpu.dma_semaphore, #tpu.memory_space<semaphore_mem>>)
      %dma_wait3A_43 = tpu.memref_slice %arg4[%mul3A_8] : memref<320000xi32, #tpu.memory_space<hbm>> -> memref<128xi32, #tpu.memory_space<hbm>>
      %dma_wait3A_44 = tpu.memref_slice %arg4[%mul3A_8] : memref<320000xi32, #tpu.memory_space<hbm>> -> memref<128xi32, #tpu.memory_space<hbm>>
      tpu.wait_dma2 semaphore(%run_scoped3A : memref<!tpu.dma_semaphore, #tpu.memory_space<semaphore_mem>>) src(%dma_wait3A_44 : memref<128xi32, #tpu.memory_space<hbm>>) dst(%arg9 : memref<128xi32, #tpu.memory_space<vmem>>)
      tpu.yield
    }) : () -> ()
    %dma_start3A = arith.constant 0 : i32
    %dma_start3A_9 = arith.constant 0 : i32
    %dma_start3A_10 = tpu.memref_slice %arg2[%dma_start3A, %dma_start3A_9] : memref<10000x128xf32, #tpu.memory_space<hbm>> -> memref<10000x128xf32, #tpu.memory_space<hbm>>
    tpu.enqueue_indirect_dma source(%dma_start3A_10 : memref<10000x128xf32, #tpu.memory_space<hbm>>) target(%arg12 : memref<128x128xf32, #tpu.memory_space<vmem>>) offsets(%arg8 : memref<128xi32, #tpu.memory_space<vmem>>) semaphore(%arg17 : memref<!tpu.dma_semaphore, #tpu.memory_space<semaphore_mem>>)
    %add3A_11 = arith.constant 128 : i32
    %add3A_12 = arith.addi %mul3A_8, %add3A_11 : i32
    "tpu.region"() ({
      %run_scoped3A = tpu.sem_alloc : memref<!tpu.dma_semaphore, #tpu.memory_space<semaphore_mem>>
      %dma_start3A_41 = tpu.memref_slice %arg3[%add3A_12] : memref<320000xi32, #tpu.memory_space<hbm>> -> memref<128xi32, #tpu.memory_space<hbm>>
      %dma_start3A_42 = tpu.memref_slice %arg3[%add3A_12] : memref<320000xi32, #tpu.memory_space<hbm>> -> memref<128xi32, #tpu.memory_space<hbm>>
      tpu.enqueue_dma source(%dma_start3A_42 : memref<128xi32, #tpu.memory_space<hbm>>) target(%arg10 : memref<128xi32, #tpu.memory_space<vmem>>) target_semaphore(%run_scoped3A : memref<!tpu.dma_semaphore, #tpu.memory_space<semaphore_mem>>)
      %dma_wait3A_43 = tpu.memref_slice %arg3[%add3A_12] : memref<320000xi32, #tpu.memory_space<hbm>> -> memref<128xi32, #tpu.memory_space<hbm>>
      %dma_wait3A_44 = tpu.memref_slice %arg3[%add3A_12] : memref<320000xi32, #tpu.memory_space<hbm>> -> memref<128xi32, #tpu.memory_space<hbm>>
      tpu.wait_dma2 semaphore(%run_scoped3A : memref<!tpu.dma_semaphore, #tpu.memory_space<semaphore_mem>>) src(%dma_wait3A_44 : memref<128xi32, #tpu.memory_space<hbm>>) dst(%arg10 : memref<128xi32, #tpu.memory_space<vmem>>)
      tpu.yield
    }) : () -> ()
    %add3A_13 = arith.constant 128 : i32
    %add3A_14 = arith.addi %mul3A_8, %add3A_13 : i32
    "tpu.region"() ({
      %run_scoped3A = tpu.sem_alloc : memref<!tpu.dma_semaphore, #tpu.memory_space<semaphore_mem>>
      %dma_start3A_41 = tpu.memref_slice %arg4[%add3A_14] : memref<320000xi32, #tpu.memory_space<hbm>> -> memref<128xi32, #tpu.memory_space<hbm>>
      %dma_start3A_42 = tpu.memref_slice %arg4[%add3A_14] : memref<320000xi32, #tpu.memory_space<hbm>> -> memref<128xi32, #tpu.memory_space<hbm>>
      tpu.enqueue_dma source(%dma_start3A_42 : memref<128xi32, #tpu.memory_space<hbm>>) target(%arg11 : memref<128xi32, #tpu.memory_space<vmem>>) target_semaphore(%run_scoped3A : memref<!tpu.dma_semaphore, #tpu.memory_space<semaphore_mem>>)
      %dma_wait3A_43 = tpu.memref_slice %arg4[%add3A_14] : memref<320000xi32, #tpu.memory_space<hbm>> -> memref<128xi32, #tpu.memory_space<hbm>>
      %dma_wait3A_44 = tpu.memref_slice %arg4[%add3A_14] : memref<320000xi32, #tpu.memory_space<hbm>> -> memref<128xi32, #tpu.memory_space<hbm>>
      tpu.wait_dma2 semaphore(%run_scoped3A : memref<!tpu.dma_semaphore, #tpu.memory_space<semaphore_mem>>) src(%dma_wait3A_44 : memref<128xi32, #tpu.memory_space<hbm>>) dst(%arg11 : memref<128xi32, #tpu.memory_space<vmem>>)
      tpu.yield
    }) : () -> ()
    %dma_start3A_15 = arith.constant 0 : i32
    %dma_start3A_16 = arith.constant 0 : i32
    %dma_start3A_17 = tpu.memref_slice %arg2[%dma_start3A_15, %dma_start3A_16] : memref<10000x128xf32, #tpu.memory_space<hbm>> -> memref<10000x128xf32, #tpu.memory_space<hbm>>
    tpu.enqueue_indirect_dma source(%dma_start3A_17 : memref<10000x128xf32, #tpu.memory_space<hbm>>) target(%arg13 : memref<128x128xf32, #tpu.memory_space<vmem>>) offsets(%arg10 : memref<128xi32, #tpu.memory_space<vmem>>) semaphore(%arg18 : memref<!tpu.dma_semaphore, #tpu.memory_space<semaphore_mem>>)
    %scan3A = arith.constant 0 : i32
    %scan3A_18 = arith.constant 0 : i32
    %scan3A_19 = arith.constant 39 : i32
    %scan3A_20 = arith.addi %scan3A_18, %scan3A_19 : i32
    %scan3A_21 = arith.constant 1 : i32
    %scan3A_22 = scf.for %scan3A_41 = %scan3A_18 to %scan3A_20 step %scan3A_21 iter_args(%scan3A_42 = %scan3A) -> (i32)  : i32 {
      %dma_wait3A_43 = arith.constant 0 : i32
      %dma_wait3A_44 = arith.constant 0 : i32
      %dma_wait3A_45 = tpu.memref_slice %arg2[%dma_wait3A_43, %dma_wait3A_44] : memref<10000x128xf32, #tpu.memory_space<hbm>> -> memref<128x128xf32, #tpu.memory_space<hbm>>
      %dma_wait3A_46 = arith.constant 0 : i32
      %dma_wait3A_47 = arith.constant 0 : i32
      %dma_wait3A_48 = tpu.memref_slice %arg2[%dma_wait3A_46, %dma_wait3A_47] : memref<10000x128xf32, #tpu.memory_space<hbm>> -> memref<128x128xf32, #tpu.memory_space<hbm>>
      tpu.wait_dma2 semaphore(%arg17 : memref<!tpu.dma_semaphore, #tpu.memory_space<semaphore_mem>>) src(%dma_wait3A_48 : memref<128x128xf32, #tpu.memory_space<hbm>>) dst(%arg12 : memref<128x128xf32, #tpu.memory_space<vmem>>)
      "tpu.region"() ({
        %run_scoped3A = tpu.sem_alloc : memref<!tpu.dma_semaphore, #tpu.memory_space<semaphore_mem>>
        %dma_start3A_65 = arith.constant 0 : i32
        %dma_start3A_66 = arith.constant 0 : i32
        %dma_start3A_67 = tpu.memref_slice %arg7[%dma_start3A_65, %dma_start3A_66] : memref<10000x128xf32, #tpu.memory_space<vmem_shared>> -> memref<10000x128xf32, #tpu.memory_space<vmem_shared>>
        tpu.enqueue_indirect_dma source(%arg12 : memref<128x128xf32, #tpu.memory_space<vmem>>) target(%dma_start3A_67 : memref<10000x128xf32, #tpu.memory_space<vmem_shared>>) offsets(%arg9 : memref<128xi32, #tpu.memory_space<vmem>>) semaphore(%run_scoped3A : memref<!tpu.dma_semaphore, #tpu.memory_space<semaphore_mem>>) {add = true}
        %dma_wait3A_68 = arith.constant 0 : i32
        %dma_wait3A_69 = arith.constant 0 : i32
        %dma_wait3A_70 = tpu.memref_slice %arg7[%dma_wait3A_68, %dma_wait3A_69] : memref<10000x128xf32, #tpu.memory_space<vmem_shared>> -> memref<10000x128xf32, #tpu.memory_space<vmem_shared>>
        tpu.wait_indirect_dma semaphore(%run_scoped3A : memref<!tpu.dma_semaphore, #tpu.memory_space<semaphore_mem>>) src(%arg12 : memref<128x128xf32, #tpu.memory_space<vmem>>) dst(%dma_wait3A_70 : memref<10000x128xf32, #tpu.memory_space<vmem_shared>>)
        tpu.yield
      }) : () -> ()
      %lt3A = arith.constant 38 : i32
      %lt3A_49 = arith.cmpi slt, %scan3A_41, %lt3A : i32
      %convert_element_type3A_50 = arith.extui %lt3A_49 : i1 to i32
      %cond3A_51 = arith.constant 0 : i32
      %cond3A_52 = arith.cmpi ne, %convert_element_type3A_50, %cond3A_51 : i32
      scf.if %cond3A_52 {
        %mul3A_65 = arith.constant 2 : i32
        %mul3A_66 = arith.muli %mul3A_65, %scan3A_41 : i32
        %add3A_67 = arith.constant 2 : i32
        %add3A_68 = arith.addi %mul3A_66, %add3A_67 : i32
        %mul3A_69 = arith.constant 128 : i32
        %mul3A_70 = arith.muli %add3A_68, %mul3A_69 : i32
        %add3A_71 = arith.addi %mul3A_8, %mul3A_70 : i32
        "tpu.region"() ({
          %run_scoped3A = tpu.sem_alloc : memref<!tpu.dma_semaphore, #tpu.memory_space<semaphore_mem>>
          %dma_start3A_75 = tpu.memref_slice %arg3[%add3A_71] : memref<320000xi32, #tpu.memory_space<hbm>> -> memref<128xi32, #tpu.memory_space<hbm>>
          %dma_start3A_76 = tpu.memref_slice %arg3[%add3A_71] : memref<320000xi32, #tpu.memory_space<hbm>> -> memref<128xi32, #tpu.memory_space<hbm>>
          tpu.enqueue_dma source(%dma_start3A_76 : memref<128xi32, #tpu.memory_space<hbm>>) target(%arg8 : memref<128xi32, #tpu.memory_space<vmem>>) target_semaphore(%run_scoped3A : memref<!tpu.dma_semaphore, #tpu.memory_space<semaphore_mem>>)
          %dma_wait3A_77 = tpu.memref_slice %arg3[%add3A_71] : memref<320000xi32, #tpu.memory_space<hbm>> -> memref<128xi32, #tpu.memory_space<hbm>>
          %dma_wait3A_78 = tpu.memref_slice %arg3[%add3A_71] : memref<320000xi32, #tpu.memory_space<hbm>> -> memref<128xi32, #tpu.memory_space<hbm>>
          tpu.wait_dma2 semaphore(%run_scoped3A : memref<!tpu.dma_semaphore, #tpu.memory_space<semaphore_mem>>) src(%dma_wait3A_78 : memref<128xi32, #tpu.memory_space<hbm>>) dst(%arg8 : memref<128xi32, #tpu.memory_space<vmem>>)
          tpu.yield
        }) : () -> ()
        "tpu.region"() ({
          %run_scoped3A = tpu.sem_alloc : memref<!tpu.dma_semaphore, #tpu.memory_space<semaphore_mem>>
          %dma_start3A_75 = tpu.memref_slice %arg4[%add3A_71] : memref<320000xi32, #tpu.memory_space<hbm>> -> memref<128xi32, #tpu.memory_space<hbm>>
          %dma_start3A_76 = tpu.memref_slice %arg4[%add3A_71] : memref<320000xi32, #tpu.memory_space<hbm>> -> memref<128xi32, #tpu.memory_space<hbm>>
          tpu.enqueue_dma source(%dma_start3A_76 : memref<128xi32, #tpu.memory_space<hbm>>) target(%arg9 : memref<128xi32, #tpu.memory_space<vmem>>) target_semaphore(%run_scoped3A : memref<!tpu.dma_semaphore, #tpu.memory_space<semaphore_mem>>)
          %dma_wait3A_77 = tpu.memref_slice %arg4[%add3A_71] : memref<320000xi32, #tpu.memory_space<hbm>> -> memref<128xi32, #tpu.memory_space<hbm>>
          %dma_wait3A_78 = tpu.memref_slice %arg4[%add3A_71] : memref<320000xi32, #tpu.memory_space<hbm>> -> memref<128xi32, #tpu.memory_space<hbm>>
          tpu.wait_dma2 semaphore(%run_scoped3A : memref<!tpu.dma_semaphore, #tpu.memory_space<semaphore_mem>>) src(%dma_wait3A_78 : memref<128xi32, #tpu.memory_space<hbm>>) dst(%arg9 : memref<128xi32, #tpu.memory_space<vmem>>)
          tpu.yield
        }) : () -> ()
        %dma_start3A_72 = arith.constant 0 : i32
        %dma_start3A_73 = arith.constant 0 : i32
        %dma_start3A_74 = tpu.memref_slice %arg2[%dma_start3A_72, %dma_start3A_73] : memref<10000x128xf32, #tpu.memory_space<hbm>> -> memref<10000x128xf32, #tpu.memory_space<hbm>>
        tpu.enqueue_indirect_dma source(%dma_start3A_74 : memref<10000x128xf32, #tpu.memory_space<hbm>>) target(%arg12 : memref<128x128xf32, #tpu.memory_space<vmem>>) offsets(%arg8 : memref<128xi32, #tpu.memory_space<vmem>>) semaphore(%arg17 : memref<!tpu.dma_semaphore, #tpu.memory_space<semaphore_mem>>)
      } else {
      }
      %dma_wait3A_53 = arith.constant 0 : i32
      %dma_wait3A_54 = arith.constant 0 : i32
      %dma_wait3A_55 = tpu.memref_slice %arg2[%dma_wait3A_53, %dma_wait3A_54] : memref<10000x128xf32, #tpu.memory_space<hbm>> -> memref<128x128xf32, #tpu.memory_space<hbm>>
      %dma_wait3A_56 = arith.constant 0 : i32
      %dma_wait3A_57 = arith.constant 0 : i32
      %dma_wait3A_58 = tpu.memref_slice %arg2[%dma_wait3A_56, %dma_wait3A_57] : memref<10000x128xf32, #tpu.memory_space<hbm>> -> memref<128x128xf32, #tpu.memory_space<hbm>>
      tpu.wait_dma2 semaphore(%arg18 : memref<!tpu.dma_semaphore, #tpu.memory_space<semaphore_mem>>) src(%dma_wait3A_58 : memref<128x128xf32, #tpu.memory_space<hbm>>) dst(%arg13 : memref<128x128xf32, #tpu.memory_space<vmem>>)
      "tpu.region"() ({
        %run_scoped3A = tpu.sem_alloc : memref<!tpu.dma_semaphore, #tpu.memory_space<semaphore_mem>>
        %dma_start3A_65 = arith.constant 0 : i32
        %dma_start3A_66 = arith.constant 0 : i32
        %dma_start3A_67 = tpu.memref_slice %arg7[%dma_start3A_65, %dma_start3A_66] : memref<10000x128xf32, #tpu.memory_space<vmem_shared>> -> memref<10000x128xf32, #tpu.memory_space<vmem_shared>>
        tpu.enqueue_indirect_dma source(%arg13 : memref<128x128xf32, #tpu.memory_space<vmem>>) target(%dma_start3A_67 : memref<10000x128xf32, #tpu.memory_space<vmem_shared>>) offsets(%arg11 : memref<128xi32, #tpu.memory_space<vmem>>) semaphore(%run_scoped3A : memref<!tpu.dma_semaphore, #tpu.memory_space<semaphore_mem>>) {add = true}
        %dma_wait3A_68 = arith.constant 0 : i32
        %dma_wait3A_69 = arith.constant 0 : i32
        %dma_wait3A_70 = tpu.memref_slice %arg7[%dma_wait3A_68, %dma_wait3A_69] : memref<10000x128xf32, #tpu.memory_space<vmem_shared>> -> memref<10000x128xf32, #tpu.memory_space<vmem_shared>>
        tpu.wait_indirect_dma semaphore(%run_scoped3A : memref<!tpu.dma_semaphore, #tpu.memory_space<semaphore_mem>>) src(%arg13 : memref<128x128xf32, #tpu.memory_space<vmem>>) dst(%dma_wait3A_70 : memref<10000x128xf32, #tpu.memory_space<vmem_shared>>)
        tpu.yield
      }) : () -> ()
      %lt3A_59 = arith.constant 38 : i32
      %lt3A_60 = arith.cmpi slt, %scan3A_41, %lt3A_59 : i32
      %convert_element_type3A_61 = arith.extui %lt3A_60 : i1 to i32
      %cond3A_62 = arith.constant 0 : i32
      %cond3A_63 = arith.cmpi ne, %convert_element_type3A_61, %cond3A_62 : i32
      scf.if %cond3A_63 {
        %mul3A_65 = arith.constant 2 : i32
        %mul3A_66 = arith.muli %mul3A_65, %scan3A_41 : i32
        %add3A_67 = arith.constant 3 : i32
        %add3A_68 = arith.addi %mul3A_66, %add3A_67 : i32
        %mul3A_69 = arith.constant 128 : i32
        %mul3A_70 = arith.muli %add3A_68, %mul3A_69 : i32
        %add3A_71 = arith.addi %mul3A_8, %mul3A_70 : i32
        "tpu.region"() ({
          %run_scoped3A = tpu.sem_alloc : memref<!tpu.dma_semaphore, #tpu.memory_space<semaphore_mem>>
          %dma_start3A_75 = tpu.memref_slice %arg3[%add3A_71] : memref<320000xi32, #tpu.memory_space<hbm>> -> memref<128xi32, #tpu.memory_space<hbm>>
          %dma_start3A_76 = tpu.memref_slice %arg3[%add3A_71] : memref<320000xi32, #tpu.memory_space<hbm>> -> memref<128xi32, #tpu.memory_space<hbm>>
          tpu.enqueue_dma source(%dma_start3A_76 : memref<128xi32, #tpu.memory_space<hbm>>) target(%arg10 : memref<128xi32, #tpu.memory_space<vmem>>) target_semaphore(%run_scoped3A : memref<!tpu.dma_semaphore, #tpu.memory_space<semaphore_mem>>)
          %dma_wait3A_77 = tpu.memref_slice %arg3[%add3A_71] : memref<320000xi32, #tpu.memory_space<hbm>> -> memref<128xi32, #tpu.memory_space<hbm>>
          %dma_wait3A_78 = tpu.memref_slice %arg3[%add3A_71] : memref<320000xi32, #tpu.memory_space<hbm>> -> memref<128xi32, #tpu.memory_space<hbm>>
          tpu.wait_dma2 semaphore(%run_scoped3A : memref<!tpu.dma_semaphore, #tpu.memory_space<semaphore_mem>>) src(%dma_wait3A_78 : memref<128xi32, #tpu.memory_space<hbm>>) dst(%arg10 : memref<128xi32, #tpu.memory_space<vmem>>)
          tpu.yield
        }) : () -> ()
        "tpu.region"() ({
          %run_scoped3A = tpu.sem_alloc : memref<!tpu.dma_semaphore, #tpu.memory_space<semaphore_mem>>
          %dma_start3A_75 = tpu.memref_slice %arg4[%add3A_71] : memref<320000xi32, #tpu.memory_space<hbm>> -> memref<128xi32, #tpu.memory_space<hbm>>
          %dma_start3A_76 = tpu.memref_slice %arg4[%add3A_71] : memref<320000xi32, #tpu.memory_space<hbm>> -> memref<128xi32, #tpu.memory_space<hbm>>
          tpu.enqueue_dma source(%dma_start3A_76 : memref<128xi32, #tpu.memory_space<hbm>>) target(%arg11 : memref<128xi32, #tpu.memory_space<vmem>>) target_semaphore(%run_scoped3A : memref<!tpu.dma_semaphore, #tpu.memory_space<semaphore_mem>>)
          %dma_wait3A_77 = tpu.memref_slice %arg4[%add3A_71] : memref<320000xi32, #tpu.memory_space<hbm>> -> memref<128xi32, #tpu.memory_space<hbm>>
          %dma_wait3A_78 = tpu.memref_slice %arg4[%add3A_71] : memref<320000xi32, #tpu.memory_space<hbm>> -> memref<128xi32, #tpu.memory_space<hbm>>
          tpu.wait_dma2 semaphore(%run_scoped3A : memref<!tpu.dma_semaphore, #tpu.memory_space<semaphore_mem>>) src(%dma_wait3A_78 : memref<128xi32, #tpu.memory_space<hbm>>) dst(%arg11 : memref<128xi32, #tpu.memory_space<vmem>>)
          tpu.yield
        }) : () -> ()
        %dma_start3A_72 = arith.constant 0 : i32
        %dma_start3A_73 = arith.constant 0 : i32
        %dma_start3A_74 = tpu.memref_slice %arg2[%dma_start3A_72, %dma_start3A_73] : memref<10000x128xf32, #tpu.memory_space<hbm>> -> memref<10000x128xf32, #tpu.memory_space<hbm>>
        tpu.enqueue_indirect_dma source(%dma_start3A_74 : memref<10000x128xf32, #tpu.memory_space<hbm>>) target(%arg13 : memref<128x128xf32, #tpu.memory_space<vmem>>) offsets(%arg10 : memref<128xi32, #tpu.memory_space<vmem>>) semaphore(%arg18 : memref<!tpu.dma_semaphore, #tpu.memory_space<semaphore_mem>>)
      } else {
      }
      %scan3A_64 = arith.constant 0 : i32
      scf.yield %scan3A_64 : i32
    }
    %scan3A_23 = arith.constant 39 : i32
    %add3A_24 = arith.constant 9984 : i32
    %add3A_25 = arith.addi %mul3A_8, %add3A_24 : i32
    "tpu.region"() ({
      %run_scoped3A = tpu.sem_alloc : memref<!tpu.dma_semaphore, #tpu.memory_space<semaphore_mem>>
      %dma_start3A_41 = tpu.memref_slice %arg3[%add3A_25] : memref<320000xi32, #tpu.memory_space<hbm>> -> memref<16xi32, #tpu.memory_space<hbm>>
      %dma_start3A_42 = tpu.memref_slice %arg3[%add3A_25] : memref<320000xi32, #tpu.memory_space<hbm>> -> memref<16xi32, #tpu.memory_space<hbm>>
      tpu.enqueue_dma source(%dma_start3A_42 : memref<16xi32, #tpu.memory_space<hbm>>) target(%arg14 : memref<16xi32, #tpu.memory_space<vmem>>) target_semaphore(%run_scoped3A : memref<!tpu.dma_semaphore, #tpu.memory_space<semaphore_mem>>)
      %dma_wait3A_43 = tpu.memref_slice %arg3[%add3A_25] : memref<320000xi32, #tpu.memory_space<hbm>> -> memref<16xi32, #tpu.memory_space<hbm>>
      %dma_wait3A_44 = tpu.memref_slice %arg3[%add3A_25] : memref<320000xi32, #tpu.memory_space<hbm>> -> memref<16xi32, #tpu.memory_space<hbm>>
      tpu.wait_dma2 semaphore(%run_scoped3A : memref<!tpu.dma_semaphore, #tpu.memory_space<semaphore_mem>>) src(%dma_wait3A_44 : memref<16xi32, #tpu.memory_space<hbm>>) dst(%arg14 : memref<16xi32, #tpu.memory_space<vmem>>)
      tpu.yield
    }) : () -> ()
    "tpu.region"() ({
      %run_scoped3A = tpu.sem_alloc : memref<!tpu.dma_semaphore, #tpu.memory_space<semaphore_mem>>
      %dma_start3A_41 = tpu.memref_slice %arg4[%add3A_25] : memref<320000xi32, #tpu.memory_space<hbm>> -> memref<16xi32, #tpu.memory_space<hbm>>
      %dma_start3A_42 = tpu.memref_slice %arg4[%add3A_25] : memref<320000xi32, #tpu.memory_space<hbm>> -> memref<16xi32, #tpu.memory_space<hbm>>
      tpu.enqueue_dma source(%dma_start3A_42 : memref<16xi32, #tpu.memory_space<hbm>>) target(%arg15 : memref<16xi32, #tpu.memory_space<vmem>>) target_semaphore(%run_scoped3A : memref<!tpu.dma_semaphore, #tpu.memory_space<semaphore_mem>>)
      %dma_wait3A_43 = tpu.memref_slice %arg4[%add3A_25] : memref<320000xi32, #tpu.memory_space<hbm>> -> memref<16xi32, #tpu.memory_space<hbm>>
      %dma_wait3A_44 = tpu.memref_slice %arg4[%add3A_25] : memref<320000xi32, #tpu.memory_space<hbm>> -> memref<16xi32, #tpu.memory_space<hbm>>
      tpu.wait_dma2 semaphore(%run_scoped3A : memref<!tpu.dma_semaphore, #tpu.memory_space<semaphore_mem>>) src(%dma_wait3A_44 : memref<16xi32, #tpu.memory_space<hbm>>) dst(%arg15 : memref<16xi32, #tpu.memory_space<vmem>>)
      tpu.yield
    }) : () -> ()
    %dma_start3A_26 = arith.constant 0 : i32
    %dma_start3A_27 = arith.constant 0 : i32
    %dma_start3A_28 = tpu.memref_slice %arg2[%dma_start3A_26, %dma_start3A_27] : memref<10000x128xf32, #tpu.memory_space<hbm>> -> memref<10000x128xf32, #tpu.memory_space<hbm>>
    tpu.enqueue_indirect_dma source(%dma_start3A_28 : memref<10000x128xf32, #tpu.memory_space<hbm>>) target(%arg16 : memref<16x128xf32, #tpu.memory_space<vmem>>) offsets(%arg14 : memref<16xi32, #tpu.memory_space<vmem>>) semaphore(%arg17 : memref<!tpu.dma_semaphore, #tpu.memory_space<semaphore_mem>>)
    %dma_wait3A = arith.constant 0 : i32
    %dma_wait3A_29 = arith.constant 0 : i32
    %dma_wait3A_30 = tpu.memref_slice %arg2[%dma_wait3A, %dma_wait3A_29] : memref<10000x128xf32, #tpu.memory_space<hbm>> -> memref<10000x128xf32, #tpu.memory_space<hbm>>
    tpu.wait_indirect_dma semaphore(%arg17 : memref<!tpu.dma_semaphore, #tpu.memory_space<semaphore_mem>>) src(%dma_wait3A_30 : memref<10000x128xf32, #tpu.memory_space<hbm>>) dst(%arg16 : memref<16x128xf32, #tpu.memory_space<vmem>>)
    "tpu.region"() ({
      %run_scoped3A = tpu.sem_alloc : memref<!tpu.dma_semaphore, #tpu.memory_space<semaphore_mem>>
      %dma_start3A_41 = arith.constant 0 : i32
      %dma_start3A_42 = arith.constant 0 : i32
      %dma_start3A_43 = tpu.memref_slice %arg7[%dma_start3A_41, %dma_start3A_42] : memref<10000x128xf32, #tpu.memory_space<vmem_shared>> -> memref<10000x128xf32, #tpu.memory_space<vmem_shared>>
      tpu.enqueue_indirect_dma source(%arg16 : memref<16x128xf32, #tpu.memory_space<vmem>>) target(%dma_start3A_43 : memref<10000x128xf32, #tpu.memory_space<vmem_shared>>) offsets(%arg15 : memref<16xi32, #tpu.memory_space<vmem>>) semaphore(%run_scoped3A : memref<!tpu.dma_semaphore, #tpu.memory_space<semaphore_mem>>) {add = true}
      %dma_wait3A_44 = arith.constant 0 : i32
      %dma_wait3A_45 = arith.constant 0 : i32
      %dma_wait3A_46 = tpu.memref_slice %arg7[%dma_wait3A_44, %dma_wait3A_45] : memref<10000x128xf32, #tpu.memory_space<vmem_shared>> -> memref<10000x128xf32, #tpu.memory_space<vmem_shared>>
      tpu.wait_indirect_dma semaphore(%run_scoped3A : memref<!tpu.dma_semaphore, #tpu.memory_space<semaphore_mem>>) src(%arg16 : memref<16x128xf32, #tpu.memory_space<vmem>>) dst(%dma_wait3A_46 : memref<10000x128xf32, #tpu.memory_space<vmem_shared>>)
      tpu.yield
    }) : () -> ()
    %barrier3A_31 = arith.constant 0 : index
    tpu.barrier barrier_id(%barrier3A_31)
    %mul3A_32 = arith.constant 624 : i32
    %mul3A_33 = arith.muli %arg1, %mul3A_32 : i32
    %mul3A_34 = arith.constant 624 : i32
    %mul3A_35 = arith.muli %arg1, %mul3A_34 : i32
    "tpu.region"() ({
      %run_scoped3A = tpu.sem_alloc : memref<!tpu.dma_semaphore, #tpu.memory_space<semaphore_mem>>
      %dma_start3A_41 = arith.constant 0 : i32
      %dma_start3A_42 = tpu.memref_slice %arg6[%arg0, %mul3A_35, %dma_start3A_41] : memref<2x10000x128xf32, #tpu.memory_space<hbm>> -> memref<1x624x128xf32, #tpu.memory_space<hbm>>
      %dma_start3A_43 = tpu.memref_squeeze %dma_start3A_42 : memref<1x624x128xf32, #tpu.memory_space<hbm>> -> memref<624x128xf32, #tpu.memory_space<hbm>>
      %dma_start3A_44 = arith.constant 0 : i32
      %dma_start3A_45 = tpu.memref_slice %arg7[%mul3A_33, %dma_start3A_44] : memref<10000x128xf32, #tpu.memory_space<vmem_shared>> -> memref<624x128xf32, #tpu.memory_space<vmem_shared>>
      tpu.enqueue_dma source(%dma_start3A_45 : memref<624x128xf32, #tpu.memory_space<vmem_shared>>) target(%dma_start3A_43 : memref<624x128xf32, #tpu.memory_space<hbm>>) target_semaphore(%run_scoped3A : memref<!tpu.dma_semaphore, #tpu.memory_space<semaphore_mem>>)
      %dma_wait3A_46 = arith.constant 0 : i32
      %dma_wait3A_47 = tpu.memref_slice %arg6[%arg0, %mul3A_35, %dma_wait3A_46] : memref<2x10000x128xf32, #tpu.memory_space<hbm>> -> memref<1x624x128xf32, #tpu.memory_space<hbm>>
      %dma_wait3A_48 = tpu.memref_squeeze %dma_wait3A_47 : memref<1x624x128xf32, #tpu.memory_space<hbm>> -> memref<624x128xf32, #tpu.memory_space<hbm>>
      %dma_wait3A_49 = arith.constant 0 : i32
      %dma_wait3A_50 = tpu.memref_slice %arg7[%mul3A_33, %dma_wait3A_49] : memref<10000x128xf32, #tpu.memory_space<vmem_shared>> -> memref<624x128xf32, #tpu.memory_space<vmem_shared>>
      tpu.wait_dma2 semaphore(%run_scoped3A : memref<!tpu.dma_semaphore, #tpu.memory_space<semaphore_mem>>) src(%dma_wait3A_50 : memref<624x128xf32, #tpu.memory_space<vmem_shared>>) dst(%dma_wait3A_48 : memref<624x128xf32, #tpu.memory_space<hbm>>)
      tpu.yield
    }) : () -> ()
    %eq3A_36 = arith.constant 0 : i32
    %eq3A_37 = arith.cmpi eq, %arg1, %eq3A_36 : i32
    %convert_element_type3A_38 = arith.extui %eq3A_37 : i1 to i32
    %cond3A_39 = arith.constant 0 : i32
    %cond3A_40 = arith.cmpi ne, %convert_element_type3A_38, %cond3A_39 : i32
    scf.if %cond3A_40 {
      "tpu.region"() ({
        %run_scoped3A = tpu.sem_alloc : memref<!tpu.dma_semaphore, #tpu.memory_space<semaphore_mem>>
        %dma_start3A_41 = arith.constant 9984 : i32
        %dma_start3A_42 = arith.constant 0 : i32
        %dma_start3A_43 = tpu.memref_slice %arg6[%arg0, %dma_start3A_41, %dma_start3A_42] : memref<2x10000x128xf32, #tpu.memory_space<hbm>> -> memref<1x16x128xf32, #tpu.memory_space<hbm>>
        %dma_start3A_44 = tpu.memref_squeeze %dma_start3A_43 : memref<1x16x128xf32, #tpu.memory_space<hbm>> -> memref<16x128xf32, #tpu.memory_space<hbm>>
        %dma_start3A_45 = arith.constant 9984 : i32
        %dma_start3A_46 = arith.constant 0 : i32
        %dma_start3A_47 = tpu.memref_slice %arg7[%dma_start3A_45, %dma_start3A_46] : memref<10000x128xf32, #tpu.memory_space<vmem_shared>> -> memref<16x128xf32, #tpu.memory_space<vmem_shared>>
        tpu.enqueue_dma source(%dma_start3A_47 : memref<16x128xf32, #tpu.memory_space<vmem_shared>>) target(%dma_start3A_44 : memref<16x128xf32, #tpu.memory_space<hbm>>) target_semaphore(%run_scoped3A : memref<!tpu.dma_semaphore, #tpu.memory_space<semaphore_mem>>)
        %dma_wait3A_48 = arith.constant 9984 : i32
        %dma_wait3A_49 = arith.constant 0 : i32
        %dma_wait3A_50 = tpu.memref_slice %arg6[%arg0, %dma_wait3A_48, %dma_wait3A_49] : memref<2x10000x128xf32, #tpu.memory_space<hbm>> -> memref<1x16x128xf32, #tpu.memory_space<hbm>>
        %dma_wait3A_51 = tpu.memref_squeeze %dma_wait3A_50 : memref<1x16x128xf32, #tpu.memory_space<hbm>> -> memref<16x128xf32, #tpu.memory_space<hbm>>
        %dma_wait3A_52 = arith.constant 9984 : i32
        %dma_wait3A_53 = arith.constant 0 : i32
        %dma_wait3A_54 = tpu.memref_slice %arg7[%dma_wait3A_52, %dma_wait3A_53] : memref<10000x128xf32, #tpu.memory_space<vmem_shared>> -> memref<16x128xf32, #tpu.memory_space<vmem_shared>>
        tpu.wait_dma2 semaphore(%run_scoped3A : memref<!tpu.dma_semaphore, #tpu.memory_space<semaphore_mem>>) src(%dma_wait3A_54 : memref<16x128xf32, #tpu.memory_space<vmem_shared>>) dst(%dma_wait3A_51 : memref<16x128xf32, #tpu.memory_space<hbm>>)
        tpu.yield
      }) : () -> ()
    } else {
    }
    return
  }
}

module attributes {stable_mosaic.version = 14 : i64} {
  func.func @_tc_pre_body(%arg0: i32, %arg1: memref<2000x128xf32, #tpu.memory_space<vmem>>, %arg2: memref<128x128xf32, #tpu.memory_space<vmem>>, %arg3: memref<128x128xf32, #tpu.memory_space<vmem>>, %arg4: memref<1x128xf32, #tpu.memory_space<vmem>>, %arg5: memref<2000x128xf32, #tpu.memory_space<vmem>>, %arg6: memref<2000x128xf32, #tpu.memory_space<vmem>>) attributes {dimension_semantics = [#tpu.dimension_semantics<arbitrary>], iteration_bounds = array<i64: 5>, scalar_prefetch = 0 : i64, scratch_operands = 0 : i64, tpu.core_type = #tpu.core_type<tc>, window_params = [{transform_indices = @transform_0, window_bounds = array<i64: 2000, 128>}, {pipeline_mode = #tpu.pipeline_mode<synchronous>, transform_indices = @transform_1, window_bounds = array<i64: 128, 128>}, {pipeline_mode = #tpu.pipeline_mode<synchronous>, transform_indices = @transform_2, window_bounds = array<i64: 128, 128>}, {pipeline_mode = #tpu.pipeline_mode<synchronous>, transform_indices = @transform_3, window_bounds = array<i64: 1, 128>}, {transform_indices = @transform_4, window_bounds = array<i64: 2000, 128>}, {transform_indices = @transform_5, window_bounds = array<i64: 2000, 128>}]} {
    %get3A = arith.constant 0 : index
    %get3A_0 = arith.constant 0 : index
    %get3A_1 = vector.load %arg1[%get3A, %get3A_0] : memref<2000x128xf32, #tpu.memory_space<vmem>>, vector<2000x128xf32>
    %get3A_2 = arith.constant 0 : index
    %get3A_3 = arith.constant 0 : index
    %get3A_4 = vector.load %arg2[%get3A_2, %get3A_3] : memref<128x128xf32, #tpu.memory_space<vmem>>, vector<128x128xf32>
    %dot_general3A = arith.constant dense<0.000000e+00> : vector<2000x128xf32>
    %dot_general3A_5 = tpu.matmul %get3A_1, %get3A_4, %dot_general3A {dimension_numbers = #tpu.dot_dimension_numbers<[1], [0], [0], [1], [0, 0, 1, 1], [], []>, transpose_lhs_hint = false} : vector<2000x128xf32>, vector<128x128xf32>, vector<2000x128xf32> -> vector<2000x128xf32>
    %get3A_6 = arith.constant 0 : index
    %get3A_7 = arith.constant 0 : index
    %get3A_8 = vector.load %arg4[%get3A_6, %get3A_7] : memref<1x128xf32, #tpu.memory_space<vmem>>, vector<1x128xf32>
    %add3A = vector.broadcast %get3A_8 : vector<1x128xf32> to vector<2000x128xf32>
    %add3A_9 = arith.addf %dot_general3A_5, %add3A : vector<2000x128xf32>
    %swap3A = arith.constant 0 : index
    %swap3A_10 = arith.constant 0 : index
    %swap3A_11 = vector.load %arg5[%swap3A, %swap3A_10] : memref<2000x128xf32, #tpu.memory_space<vmem>>, vector<2000x128xf32>
    tpu.vector_store %arg5[%swap3A, %swap3A_10], %add3A_9 {strides = array<i32>} : memref<2000x128xf32, #tpu.memory_space<vmem>>, vector<2000x128xf32>,
    %get3A_12 = arith.constant 0 : index
    %get3A_13 = arith.constant 0 : index
    %get3A_14 = vector.load %arg3[%get3A_12, %get3A_13] : memref<128x128xf32, #tpu.memory_space<vmem>>, vector<128x128xf32>
    %dot_general3A_15 = arith.constant dense<0.000000e+00> : vector<2000x128xf32>
    %dot_general3A_16 = tpu.matmul %get3A_1, %get3A_14, %dot_general3A_15 {dimension_numbers = #tpu.dot_dimension_numbers<[1], [0], [0], [1], [0, 0, 1, 1], [], []>, transpose_lhs_hint = false} : vector<2000x128xf32>, vector<128x128xf32>, vector<2000x128xf32> -> vector<2000x128xf32>
    %swap3A_17 = arith.constant 0 : index
    %swap3A_18 = arith.constant 0 : index
    %swap3A_19 = vector.load %arg6[%swap3A_17, %swap3A_18] : memref<2000x128xf32, #tpu.memory_space<vmem>>, vector<2000x128xf32>
    tpu.vector_store %arg6[%swap3A_17, %swap3A_18], %dot_general3A_16 {strides = array<i32>} : memref<2000x128xf32, #tpu.memory_space<vmem>>, vector<2000x128xf32>,
    return
  }
  func.func @transform_0(%arg0: i32) -> (i32, i32) {
    %c0_i32 = arith.constant 0 : i32
    %c0_i32_0 = arith.constant 0 : i32
    return %arg0, %c0_i32 : i32, i32
  }
  func.func @transform_1(%arg0: i32) -> (i32, i32) {
    %c0_i32 = arith.constant 0 : i32
    %c0_i32_0 = arith.constant 0 : i32
    %c0_i32_1 = arith.constant 0 : i32
    return %c0_i32, %c0_i32_0 : i32, i32
  }
  func.func @transform_2(%arg0: i32) -> (i32, i32) {
    %c0_i32 = arith.constant 0 : i32
    %c0_i32_0 = arith.constant 0 : i32
    %c0_i32_1 = arith.constant 0 : i32
    return %c0_i32, %c0_i32_0 : i32, i32
  }
  func.func @transform_3(%arg0: i32) -> (i32, i32) {
    %c0_i32 = arith.constant 0 : i32
    %c0_i32_0 = arith.constant 0 : i32
    %c0_i32_1 = arith.constant 0 : i32
    return %c0_i32, %c0_i32_0 : i32, i32
  }
  func.func @transform_4(%arg0: i32) -> (i32, i32) {
    %c0_i32 = arith.constant 0 : i32
    %c0_i32_0 = arith.constant 0 : i32
    return %arg0, %c0_i32 : i32, i32
  }
  func.func @transform_5(%arg0: i32) -> (i32, i32) {
    %c0_i32 = arith.constant 0 : i32
    %c0_i32_0 = arith.constant 0 : i32
    return %arg0, %c0_i32 : i32, i32
  }
}

module attributes {stable_mosaic.version = 14 : i64} {
  func.func @_tc_postpre_body(%arg0: i32, %arg1: memref<2000x128xf32, #tpu.memory_space<vmem>>, %arg2: memref<2x2000x128xf32, #tpu.memory_space<vmem>>, %arg3: memref<2x2000x1xf32, #tpu.memory_space<vmem>>, %arg4: memref<128x128xf32, #tpu.memory_space<vmem>>, %arg5: memref<128x128xf32, #tpu.memory_space<vmem>>, %arg6: memref<1x128xf32, #tpu.memory_space<vmem>>, %arg7: memref<2000x128xf32, #tpu.memory_space<vmem>>, %arg8: memref<2000x128xf32, #tpu.memory_space<vmem>>) attributes {dimension_semantics = [#tpu.dimension_semantics<arbitrary>], iteration_bounds = array<i64: 5>, scalar_prefetch = 0 : i64, scratch_operands = 0 : i64, tpu.core_type = #tpu.core_type<tc>, window_params = [{transform_indices = @transform_0, window_bounds = array<i64: 2000, 128>}, {transform_indices = @transform_1, window_bounds = array<i64: 2, 2000, 128>}, {transform_indices = @transform_2, window_bounds = array<i64: 2, 2000, 1>}, {pipeline_mode = #tpu.pipeline_mode<synchronous>, transform_indices = @transform_3, window_bounds = array<i64: 128, 128>}, {pipeline_mode = #tpu.pipeline_mode<synchronous>, transform_indices = @transform_4, window_bounds = array<i64: 128, 128>}, {pipeline_mode = #tpu.pipeline_mode<synchronous>, transform_indices = @transform_5, window_bounds = array<i64: 1, 128>}, {transform_indices = @transform_6, window_bounds = array<i64: 2000, 128>}, {transform_indices = @transform_7, window_bounds = array<i64: 2000, 128>}]} {
    %get3A = arith.constant 0 : index
    %get3A_0 = arith.constant 0 : index
    %get3A_1 = arith.constant 0 : index
    %get3A_2 = vector.load %arg3[%get3A, %get3A_0, %get3A_1] : memref<2x2000x1xf32, #tpu.memory_space<vmem>>, vector<1x2000x1xf32>
    %get3A_3 = vector.shape_cast %get3A_2 : vector<1x2000x1xf32> to vector<2000x1xf32>
    %get3A_4 = arith.constant 1 : index
    %get3A_5 = arith.constant 0 : index
    %get3A_6 = arith.constant 0 : index
    %get3A_7 = vector.load %arg3[%get3A_4, %get3A_5, %get3A_6] : memref<2x2000x1xf32, #tpu.memory_space<vmem>>, vector<1x2000x1xf32>
    %get3A_8 = vector.shape_cast %get3A_7 : vector<1x2000x1xf32> to vector<2000x1xf32>
    %add3A = arith.addf %get3A_3, %get3A_8 : vector<2000x1xf32>
    %max3A = arith.constant 1.000000e+00 : f32
    %max3A_9 = vector.broadcast %max3A : f32 to vector<2000x1xf32>
    %max3A_10 = arith.maximumf %add3A, %max3A_9 : vector<2000x1xf32>
    %div3A = arith.constant 1.000000e+00 : f32
    %div3A_11 = vector.broadcast %div3A : f32 to vector<2000x1xf32>
    %div3A_12 = arith.divf %div3A_11, %max3A_10 : vector<2000x1xf32>
    %get3A_13 = arith.constant 0 : index
    %get3A_14 = arith.constant 0 : index
    %get3A_15 = vector.load %arg1[%get3A_13, %get3A_14] : memref<2000x128xf32, #tpu.memory_space<vmem>>, vector<2000x128xf32>
    %get3A_16 = arith.constant 0 : index
    %get3A_17 = arith.constant 0 : index
    %get3A_18 = arith.constant 0 : index
    %get3A_19 = vector.load %arg2[%get3A_16, %get3A_17, %get3A_18] : memref<2x2000x128xf32, #tpu.memory_space<vmem>>, vector<1x2000x128xf32>
    %get3A_20 = vector.shape_cast %get3A_19 : vector<1x2000x128xf32> to vector<2000x128xf32>
    %get3A_21 = arith.constant 1 : index
    %get3A_22 = arith.constant 0 : index
    %get3A_23 = arith.constant 0 : index
    %get3A_24 = vector.load %arg2[%get3A_21, %get3A_22, %get3A_23] : memref<2x2000x128xf32, #tpu.memory_space<vmem>>, vector<1x2000x128xf32>
    %get3A_25 = vector.shape_cast %get3A_24 : vector<1x2000x128xf32> to vector<2000x128xf32>
    %add3A_26 = arith.addf %get3A_20, %get3A_25 : vector<2000x128xf32>
    %mul3A = vector.broadcast %div3A_12 : vector<2000x1xf32> to vector<2000x128xf32>
    %mul3A_27 = arith.mulf %add3A_26, %mul3A : vector<2000x128xf32>
    %add3A_28 = arith.addf %get3A_15, %mul3A_27 : vector<2000x128xf32>
    %max3A_29 = arith.constant 0.000000e+00 : f32
    %max3A_30 = vector.broadcast %max3A_29 : f32 to vector<2000x128xf32>
    %max3A_31 = arith.maximumf %add3A_28, %max3A_30 : vector<2000x128xf32>
    %get3A_32 = arith.constant 0 : index
    %get3A_33 = arith.constant 0 : index
    %get3A_34 = vector.load %arg4[%get3A_32, %get3A_33] : memref<128x128xf32, #tpu.memory_space<vmem>>, vector<128x128xf32>
    %dot_general3A = arith.constant dense<0.000000e+00> : vector<2000x128xf32>
    %dot_general3A_35 = tpu.matmul %max3A_31, %get3A_34, %dot_general3A {dimension_numbers = #tpu.dot_dimension_numbers<[1], [0], [0], [1], [0, 0, 1, 1], [], []>, transpose_lhs_hint = false} : vector<2000x128xf32>, vector<128x128xf32>, vector<2000x128xf32> -> vector<2000x128xf32>
    %get3A_36 = arith.constant 0 : index
    %get3A_37 = arith.constant 0 : index
    %get3A_38 = vector.load %arg6[%get3A_36, %get3A_37] : memref<1x128xf32, #tpu.memory_space<vmem>>, vector<1x128xf32>
    %add3A_39 = vector.broadcast %get3A_38 : vector<1x128xf32> to vector<2000x128xf32>
    %add3A_40 = arith.addf %dot_general3A_35, %add3A_39 : vector<2000x128xf32>
    %swap3A = arith.constant 0 : index
    %swap3A_41 = arith.constant 0 : index
    %swap3A_42 = vector.load %arg7[%swap3A, %swap3A_41] : memref<2000x128xf32, #tpu.memory_space<vmem>>, vector<2000x128xf32>
    tpu.vector_store %arg7[%swap3A, %swap3A_41], %add3A_40 {strides = array<i32>} : memref<2000x128xf32, #tpu.memory_space<vmem>>, vector<2000x128xf32>,
    %get3A_43 = arith.constant 0 : index
    %get3A_44 = arith.constant 0 : index
    %get3A_45 = vector.load %arg5[%get3A_43, %get3A_44] : memref<128x128xf32, #tpu.memory_space<vmem>>, vector<128x128xf32>
    %dot_general3A_46 = arith.constant dense<0.000000e+00> : vector<2000x128xf32>
    %dot_general3A_47 = tpu.matmul %max3A_31, %get3A_45, %dot_general3A_46 {dimension_numbers = #tpu.dot_dimension_numbers<[1], [0], [0], [1], [0, 0, 1, 1], [], []>, transpose_lhs_hint = false} : vector<2000x128xf32>, vector<128x128xf32>, vector<2000x128xf32> -> vector<2000x128xf32>
    %swap3A_48 = arith.constant 0 : index
    %swap3A_49 = arith.constant 0 : index
    %swap3A_50 = vector.load %arg8[%swap3A_48, %swap3A_49] : memref<2000x128xf32, #tpu.memory_space<vmem>>, vector<2000x128xf32>
    tpu.vector_store %arg8[%swap3A_48, %swap3A_49], %dot_general3A_47 {strides = array<i32>} : memref<2000x128xf32, #tpu.memory_space<vmem>>, vector<2000x128xf32>,
    return
  }
  func.func @transform_0(%arg0: i32) -> (i32, i32) {
    %c0_i32 = arith.constant 0 : i32
    %c0_i32_0 = arith.constant 0 : i32
    return %arg0, %c0_i32 : i32, i32
  }
  func.func @transform_1(%arg0: i32) -> (i32, i32, i32) {
    %c0_i32 = arith.constant 0 : i32
    %c0_i32_0 = arith.constant 0 : i32
    %c0_i32_1 = arith.constant 0 : i32
    return %c0_i32, %arg0, %c0_i32_0 : i32, i32, i32
  }
  func.func @transform_2(%arg0: i32) -> (i32, i32, i32) {
    %c0_i32 = arith.constant 0 : i32
    %c0_i32_0 = arith.constant 0 : i32
    %c0_i32_1 = arith.constant 0 : i32
    return %c0_i32, %arg0, %c0_i32_0 : i32, i32, i32
  }
  func.func @transform_3(%arg0: i32) -> (i32, i32) {
    %c0_i32 = arith.constant 0 : i32
    %c0_i32_0 = arith.constant 0 : i32
    %c0_i32_1 = arith.constant 0 : i32
    return %c0_i32, %c0_i32_0 : i32, i32
  }
  func.func @transform_4(%arg0: i32) -> (i32, i32) {
    %c0_i32 = arith.constant 0 : i32
    %c0_i32_0 = arith.constant 0 : i32
    %c0_i32_1 = arith.constant 0 : i32
    return %c0_i32, %c0_i32_0 : i32, i32
  }
  func.func @transform_5(%arg0: i32) -> (i32, i32) {
    %c0_i32 = arith.constant 0 : i32
    %c0_i32_0 = arith.constant 0 : i32
    %c0_i32_1 = arith.constant 0 : i32
    return %c0_i32, %c0_i32_0 : i32, i32
  }
  func.func @transform_6(%arg0: i32) -> (i32, i32) {
    %c0_i32 = arith.constant 0 : i32
    %c0_i32_0 = arith.constant 0 : i32
    return %arg0, %c0_i32 : i32, i32
  }
  func.func @transform_7(%arg0: i32) -> (i32, i32) {
    %c0_i32 = arith.constant 0 : i32
    %c0_i32_0 = arith.constant 0 : i32
    return %arg0, %c0_i32 : i32, i32
  }
}

module attributes {stable_mosaic.version = 14 : i64} {
  func.func @_tc_post_body(%arg0: i32, %arg1: memref<2000x128xf32, #tpu.memory_space<vmem>>, %arg2: memref<2x2000x128xf32, #tpu.memory_space<vmem>>, %arg3: memref<2x2000x1xf32, #tpu.memory_space<vmem>>, %arg4: memref<2000x128xf32, #tpu.memory_space<vmem>>) attributes {dimension_semantics = [#tpu.dimension_semantics<arbitrary>], iteration_bounds = array<i64: 5>, scalar_prefetch = 0 : i64, scratch_operands = 0 : i64, tpu.core_type = #tpu.core_type<tc>, window_params = [{transform_indices = @transform_0, window_bounds = array<i64: 2000, 128>}, {transform_indices = @transform_1, window_bounds = array<i64: 2, 2000, 128>}, {transform_indices = @transform_2, window_bounds = array<i64: 2, 2000, 1>}, {transform_indices = @transform_3, window_bounds = array<i64: 2000, 128>}]} {
    %get3A = arith.constant 0 : index
    %get3A_0 = arith.constant 0 : index
    %get3A_1 = arith.constant 0 : index
    %get3A_2 = vector.load %arg3[%get3A, %get3A_0, %get3A_1] : memref<2x2000x1xf32, #tpu.memory_space<vmem>>, vector<1x2000x1xf32>
    %get3A_3 = vector.shape_cast %get3A_2 : vector<1x2000x1xf32> to vector<2000x1xf32>
    %get3A_4 = arith.constant 1 : index
    %get3A_5 = arith.constant 0 : index
    %get3A_6 = arith.constant 0 : index
    %get3A_7 = vector.load %arg3[%get3A_4, %get3A_5, %get3A_6] : memref<2x2000x1xf32, #tpu.memory_space<vmem>>, vector<1x2000x1xf32>
    %get3A_8 = vector.shape_cast %get3A_7 : vector<1x2000x1xf32> to vector<2000x1xf32>
    %add3A = arith.addf %get3A_3, %get3A_8 : vector<2000x1xf32>
    %max3A = arith.constant 1.000000e+00 : f32
    %max3A_9 = vector.broadcast %max3A : f32 to vector<2000x1xf32>
    %max3A_10 = arith.maximumf %add3A, %max3A_9 : vector<2000x1xf32>
    %div3A = arith.constant 1.000000e+00 : f32
    %div3A_11 = vector.broadcast %div3A : f32 to vector<2000x1xf32>
    %div3A_12 = arith.divf %div3A_11, %max3A_10 : vector<2000x1xf32>
    %get3A_13 = arith.constant 0 : index
    %get3A_14 = arith.constant 0 : index
    %get3A_15 = vector.load %arg1[%get3A_13, %get3A_14] : memref<2000x128xf32, #tpu.memory_space<vmem>>, vector<2000x128xf32>
    %get3A_16 = arith.constant 0 : index
    %get3A_17 = arith.constant 0 : index
    %get3A_18 = arith.constant 0 : index
    %get3A_19 = vector.load %arg2[%get3A_16, %get3A_17, %get3A_18] : memref<2x2000x128xf32, #tpu.memory_space<vmem>>, vector<1x2000x128xf32>
    %get3A_20 = vector.shape_cast %get3A_19 : vector<1x2000x128xf32> to vector<2000x128xf32>
    %get3A_21 = arith.constant 1 : index
    %get3A_22 = arith.constant 0 : index
    %get3A_23 = arith.constant 0 : index
    %get3A_24 = vector.load %arg2[%get3A_21, %get3A_22, %get3A_23] : memref<2x2000x128xf32, #tpu.memory_space<vmem>>, vector<1x2000x128xf32>
    %get3A_25 = vector.shape_cast %get3A_24 : vector<1x2000x128xf32> to vector<2000x128xf32>
    %add3A_26 = arith.addf %get3A_20, %get3A_25 : vector<2000x128xf32>
    %mul3A = vector.broadcast %div3A_12 : vector<2000x1xf32> to vector<2000x128xf32>
    %mul3A_27 = arith.mulf %add3A_26, %mul3A : vector<2000x128xf32>
    %add3A_28 = arith.addf %get3A_15, %mul3A_27 : vector<2000x128xf32>
    %swap3A = arith.constant 0 : index
    %swap3A_29 = arith.constant 0 : index
    %swap3A_30 = vector.load %arg4[%swap3A, %swap3A_29] : memref<2000x128xf32, #tpu.memory_space<vmem>>, vector<2000x128xf32>
    tpu.vector_store %arg4[%swap3A, %swap3A_29], %add3A_28 {strides = array<i32>} : memref<2000x128xf32, #tpu.memory_space<vmem>>, vector<2000x128xf32>,
    return
  }
  func.func @transform_0(%arg0: i32) -> (i32, i32) {
    %c0_i32 = arith.constant 0 : i32
    %c0_i32_0 = arith.constant 0 : i32
    return %arg0, %c0_i32 : i32, i32
  }
  func.func @transform_1(%arg0: i32) -> (i32, i32, i32) {
    %c0_i32 = arith.constant 0 : i32
    %c0_i32_0 = arith.constant 0 : i32
    %c0_i32_1 = arith.constant 0 : i32
    return %c0_i32, %arg0, %c0_i32_0 : i32, i32, i32
  }
  func.func @transform_2(%arg0: i32) -> (i32, i32, i32) {
    %c0_i32 = arith.constant 0 : i32
    %c0_i32_0 = arith.constant 0 : i32
    %c0_i32_1 = arith.constant 0 : i32
    return %c0_i32, %arg0, %c0_i32_0 : i32, i32, i32
  }
  func.func @transform_3(%arg0: i32) -> (i32, i32) {
    %c0_i32 = arith.constant 0 : i32
    %c0_i32_0 = arith.constant 0 : i32
    return %arg0, %c0_i32 : i32, i32
  }
}

</mosaic_0001>

<sc_bundles>
// kernel: kernel.10.cloned.1.call-start
scs
__scs_entry_jumppad:
0x0: {  	(pc) =	sbr.rel $0x88, $3  }
0x1: {  	(tag) =	ssettag $0x0;
	lr =	simm.s32 $0x1  }
0x2: {  	[smem:$0x3F96] =	sst lr;
	_ =	strace $0xD0000000  }
0x3: {  	_ = 	snop  }
0x4: {  	_ = 	snop  }
0x5: {  	_ = 	snop  }
0x6: {  	_ = 	snop  }
0x7: {  	_ = 	snop  }
__scs_overlays_trampoline_lowered:
0x8: {  	[smem:$0x3FA5] =	sst s0  }
0x9: {  	[smem:$0x3FA6] =	sst s1  }
0xa: {  	[smem:$0x3FA7] =	sst s2  }
0xb: {  	[smem:$0x3FA8] =	sst s3  }
0xc: {  	[smem:$0x3FA9] =	sst s4  }
0xd: {  	[smem:$0x3FAA] =	sst s5  }
0xe: {  	[smem:$0x3FAB] =	sst s6  }
0xf: {  	[smem:$0x3FAC] =	sst s7  }
0x10: {  	[smem:$0x3FAD] =	sst s8  }
0x11: {  	[smem:$0x3FAE] =	sst s9;
	s0 =	simm.s32 @!p0 $0x0  }
0x12: {  	s1 =	sld [smem:$0x3F94];
	s0 =	simm.s32 @p0 $0x1  }
0x13: {  	[smem:$0x3FAF] =	sst s0;
	s0 =	simm.s32 @!p1 $0x0  }
0x14: {  	s2 =	sld [smem:$0x3F93];
	s0 =	simm.s32 @p1 $0x1  }
0x15: {  	[smem:$0x3FB0] =	sst s0;
	s0 =	simm.s32 @!p2 $0x0  }
0x16: {  	s3 =	sld [smem:$0x3FDB];
	s0 =	simm.s32 @p2 $0x1  }
0x17: {  	s4 =	simm.s32 $0x1BF5;
	[smem:$0x3FB2] =	sst s0  }
0x18: {  	s0 =	sld [smem:$0x3F95];
	_ =	swait.ge [sflag:s4], $0x0  }
0x19: {  	s7 =	sld [smem:$0x3F96]  }
0x1a: {  	s8 =	sadd.s32 $0xFFFFE003, lr  }
0x1b: {  	s9 =	sadd.s32 $0xFFFFFEF7, lr;
	s5 =	simm.s32 $0xFFFFFFFF;
	p2 =	slt.u32 s8, $0xFFFFF086  }
0x1c: {  	p1 =	slt.u32 s9, $0xF7A;
	s5 =	simm.s32 @!p2 $0x0  }
0x1d: {  	s5 =	simm.s32 @p1 $0x1;
	p0 =	seq.s32 s7, s2  }
0x1e: {  	s7 =	smul.u32 @!p0 $0xF7A, s2;
	p2 =	seq.s32 @!p0 s5, $0x0  }
0x1f: {  	s9 =	smul.u32 $0xF7A, s1;
	s8 =	simm.s32 @!p0 $0x1BF5;
	p2 =	por !p2, p0  }
0x20: {  	[sflag:s8] =	ssyncset.s32 @!p0 $0xFFFFF086;
	s6 =	sadd.s32 @!p0 s3, s7;
	s7 =	simm.s32 @!p0 $0x108  }
0x21: {  	s3 =	sadd.s32 s3, s9;
	s6 =	sadd.s32 @!p0 $0x88, s6;
	s7 =	simm.s32 @p2 $0x1082  }
0x22: {  	[simem:s7], [sflag:s8] =	dma.local @!p0 [hbm:s6], $0xF7A  }
0x23: {  	s9 =	sor.u32 $0xD0000000, s2;
	s6 =	simm.s32 $0x108;
	_ =	swait.ge @!p0 [sflag:s8], $0x0  }
0x24: {  	s3 =	sadd.s32 $0x88, s3;
	s6 =	simm.s32 @!p1 $0x1082;
	[sflag:s4] =	ssyncset.s32 $0xFFFFF086  }
0x25: {  	[simem:s6], [sflag:s4] =	dma.local [hbm:s3], $0xF7A  }
0x26: {  	[smem:$0x3F96] =	sst s1;
	(tag) =	ssettag s2;
	_ =	strace s9  }
0x27: {  	s1 =	sld [smem:$0x3FA6]  }
0x28: {  	s2 =	sld [smem:$0x3FA7]  }
0x29: {  	s4 =	sld [smem:$0x3FA9]  }
0x2a: {  	p0 =	seq.s32 s5, $0x0;
	s5 =	sld [smem:$0x3FAA]  }
0x2b: {  	s6 =	sld [smem:$0x3FAB]  }
0x2c: {  	s7 =	sld [smem:$0x3FAC]  }
0x2d: {  	s3 =	simm.s32 $0x108;
	s8 =	sld [smem:$0x3FAD]  }
0x2e: {  	s3 =	simm.s32 @!p0 $0x1082;
	s9 =	sld [smem:$0x3FAE]  }
0x2f: {  	lr =	sadd.s32 s0, s3;
	s0 =	sld [smem:$0x3FA5]  }
0x30: {  	s3 =	sld [smem:$0x3FA8]  }
0x31: {  	[smem:$0x3FB1] =	sst s10  }
0x32: {  	s10 =	sld [smem:$0x3FAF];
	_ =	sdelay $0x3  }
0x33: {  	p0 =	seq.s32 s10, $0x1;
	s10 =	sld [smem:$0x3FB1];
	_ =	sdelay $0x3  }
0x34: {  	[smem:$0x3FB1] =	sst s10  }
0x35: {  	s10 =	sld [smem:$0x3FB0];
	_ =	sdelay $0x3  }
0x36: {  	p1 =	seq.s32 s10, $0x1;
	s10 =	sld [smem:$0x3FB1];
	_ =	sdelay $0x3  }
0x37: {  	[smem:$0x3FB1] =	sst s10  }
0x38: {  	s10 =	sld [smem:$0x3FB2]  }
0x39: {  	_ = 	snop;
	(pc) =	sbr.ind lr, $3  }
0x3a: {  	_ = 	snop  }
0x3b: {  	_ = 	snop  }
0x3c: {  	p2 =	seq.s32 s10, $0x1;
	s10 =	sld [smem:$0x3FB1]  }
0x3d: {  	_ =	shalt  }
0x3e: {  	_ =	shalt  }
0x3f: {  	_ =	shalt  }
0x40: {  	_ =	shalt  }
0x41: {  	_ =	shalt  }
0x42: {  	_ =	shalt  }
0x43: {  	_ =	shalt  }
0x44: {  	_ =	shalt  }
0x45: {  	_ =	shalt  }
0x46: {  	_ =	shalt  }
0x47: {  	_ =	shalt  }
0x48: {  	_ =	shalt  }
0x49: {  	_ =	shalt  }
0x4a: {  	_ =	shalt  }
0x4b: {  	_ =	shalt  }
0x4c: {  	_ =	shalt  }
0x4d: {  	_ =	shalt  }
0x4e: {  	_ =	shalt  }
0x4f: {  	_ =	shalt  }
0x50: {  	_ =	shalt  }
0x51: {  	_ =	shalt  }
0x52: {  	_ =	shalt  }
0x53: {  	_ =	shalt  }
0x54: {  	_ =	shalt  }
0x55: {  	_ =	shalt  }
0x56: {  	_ =	shalt  }
0x57: {  	_ =	shalt  }
0x58: {  	_ =	shalt  }
0x59: {  	_ =	shalt  }
0x5a: {  	_ =	shalt  }
0x5b: {  	_ =	shalt  }
0x5c: {  	_ =	shalt  }
0x5d: {  	_ =	shalt  }
0x5e: {  	_ =	shalt  }
0x5f: {  	_ =	shalt  }
0x60: {  	_ =	shalt  }
0x61: {  	_ =	shalt  }
0x62: {  	_ =	shalt  }
0x63: {  	_ =	shalt  }
0x64: {  	_ =	shalt  }
0x65: {  	_ =	shalt  }
0x66: {  	_ =	shalt  }
0x67: {  	_ =	shalt  }
0x68: {  	_ =	shalt  }
0x69: {  	_ =	shalt  }
0x6a: {  	_ =	shalt  }
0x6b: {  	_ =	shalt  }
0x6c: {  	_ =	shalt  }
0x6d: {  	_ =	shalt  }
0x6e: {  	_ =	shalt  }
0x6f: {  	_ =	shalt  }
0x70: {  	_ =	shalt  }
0x71: {  	_ =	shalt  }
0x72: {  	_ =	shalt  }
0x73: {  	_ =	shalt  }
0x74: {  	_ =	shalt  }
0x75: {  	_ =	shalt  }
0x76: {  	_ =	shalt  }
0x77: {  	_ =	shalt  }
0x78: {  	_ =	shalt  }
0x79: {  	_ =	shalt  }
0x7a: {  	_ =	shalt  }
0x7b: {  	_ =	shalt  }
0x7c: {  	_ =	shalt  }
0x7d: {  	_ =	shalt  }
0x7e: {  	_ =	shalt  }
0x7f: {  	_ =	shalt  }
0x80: {  	_ =	shalt  }
0x81: {  	_ =	shalt  }
0x82: {  	_ =	shalt  }
0x83: {  	_ =	shalt  }
0x84: {  	_ =	shalt  }
0x85: {  	_ =	shalt  }
0x86: {  	_ =	shalt  }
0x87: {  	_ =	shalt  }
.Lfunc_end0:
.L_simem_size_0:
called_computation_lowered:
.L_overlay_start_0:
0x88: {  	s2 =	sld [smem:$0x3FD9]  }
0x89: {  	s3 =	sld [smem:$0x3FFE];
	_ =	sdelay $0x1  }
0x8a: {  	s1 =	srdreg.scid  }
0x8b: {  	s0 =	sand.u32 $0x1, s1  }
0x8c: {  	s17 =	sshll.u32 s0, $0xA;
	s2 =	sadd.s32 s3, s2  }
0x8d: {  	s2 =	sadd.s32 s2, s17  }
0x8e: {  	[smem:$0x3FBD] =	sst s2  }
0x8f: {  	_ = 	snop  }
0x90: {  	s2 =	sld [smem:$0x3FD0];
	(tm) =	ssettm $0x1  }
0x91: {  	s18 =	sld [smem:$0x3FFB];
	_ =	sdelay $0x3  }
0x92: {  	_ =	strace s18  }
0x93: {  	s3 =	sld [smem:$0x3FFC];
	_ =	sdelay $0x3  }
0x94: {  	_ =	strace s3  }
0x95: {  	s3 =	sld [smem:$0x3FFD];
	_ =	sdelay $0x3  }
0x96: {  	_ =	strace s3  }
0x97: {  	_ =	strace $0x8FFFFFFF  }
0x98: {  	s19 =	sld [smem:$0x3FDB];
	_ =	sdelay $0x1  }
0x99: {  	s4 =	simm.s32 $_scs_section_size  }
0x9a: {  	s5 =	simm.s32 $_size__tile_overlayer_lowered;
	s6 =	simm.s32 $_tile_overlayer_lowered  }
0x9b: {  	s22 =	simm.s32 $0x1BFF;
	s21 =	sshll.u32 s6, $0x1;
	s3 =	sadd.s32 s4, s19  }
0x9c: {  	s7 =	simm.s32 $0x0;
	s20 =	sshll.u32 s5, $0x1;
	s5 =	sadd.s32 s21, s3  }
0x9d: {  	[timem:s7], [sflag:s22] =	dma.local [hbm:s5], s20  }
0x9e: {  	_ =	swait.ge [sflag:s22], s20  }
0x9f: {  	s4 =	ssub.s32 $0x0, s20;
	[sflag:s22] =	ssyncset.done $0x0  }
0xa0: {  	[sflag:s22] =	ssyncadd.s32 s4;
	_ =	sdelay $0x1  }
0xa1: {  	s23 =	simm.s32 $0x1B8B  }
0xa2: {  	_ =	swait.ge [sflag:s23], $0x1  }
0xa3: {  	[sflag:s23] =	ssyncset.done $0x0  }
0xa4: {  	s25 =	simm.s32 $0x1B8E;
	s24 =	sld [smem:$0x3FFE];
	[sflag:s23] =	ssyncadd.s32 $0xFFFFFFFF  }
0xa5: {  	s26 =	simm.s32 $execute0_lowered;
	[smem:$0x3FD2] =	sst s25  }
0xa6: {  	s5 =	sshll.u32 s26, $0x1;
	_ =	strace $0x80000046;
	[dreg:$0x1] =	wrdreg $0xFFFFFFFF  }
0xa7: {  	s28 =	simm.s32 $_size_execute0_lowered;
	s3 =	sadd.s32 s3, s5;
	[dreg:$0x0] =	wrdreg $0x0  }
0xa8: {  	s5 =	sshll.u32 s28, $0x1;
	[dreg:$0x2] =	wrdreg s3  }
0xa9: {  	[dreg:$0x3] =	wrdreg s5  }
0xaa: {  	[dreg:$0x4] =	wrdreg $0xC0  }
0xab: {  	_ =	task [dreg:s7], $0x5FFFF  }
0xac: {  	[dreg:$0x1] =	wrdreg $0xFFFFFFFF  }
0xad: {  	[dreg:$0x0] =	wrdreg $0x60  }
0xae: {  	[dreg:$0x2] =	wrdreg s2  }
0xaf: {  	[dreg:$0x3] =	wrdreg s24  }
0xb0: {  	[dreg:$0x4] =	wrdreg $0x0  }
0xb1: {  	[dreg:$0x5] =	wrdreg $0x9  }
0xb2: {  	_ =	task.clear_ibuf [dreg:s7], $0x6FFFF;
	_ =	strace $0x90000046  }
0xb3: {  	s29 =	simm.s32 $0x9;
	_ =	strace $0x80000048  }
0xb4: {  	_ =	swait.ge [sflag:s29], $0x1  }
0xb5: {  	[sflag:s29] =	ssyncadd.s32 $0xFFFFFFFF  }
0xb6: {  	_ =	strace $0x90000048  }
0xb7: {  	_ =	sfence  }
0xb8: {  	s30 =	sld [smem:$0x0];
	_ =	sdelay $0x2  }
0xb9: {  	s31 =	sshll.u32 s1, $0xD;
	s1 =	sshrl.u32 s1, $0x2  }
0xba: {  	s3 =	sand.u32 $0x4000, s31;
	s1 =	sadd.s32 s1, s30  }
0xbb: {  	s0 =	sor.u32 s3, s0;
	s1 =	sshll.u32 s1, $0x11  }
0xbc: {  	s0 =	sor.u32 s1, s0  }
0xbd: {  	s0 =	sadd.s32 $0x8F2B, s0  }
0xbe: {  	[sflag:s0] =	ssyncadd.remote.s32 $0x1  }
0xbf: {  	_ =	sfence.sel $0xFFFF  }
0xc0: {  	[dreg:$0x0] =	wrdreg $0xFFFFFFFF;
	(pc) =	sbr.abs _section_cstart, $3  }
0xc1: {  	[dreg:$0x1] =	wrdreg $0xFFFFFFFF  }
0xc2: {  	_ =	task.clear_ibuf [dreg:s7], $0x2FFFF;
	_ =	strace $0x9FFFFFFF  }
0xc3: {  	(tm) =	ssettm $0x7FFFFFFF  }
tec
execute0_lowered:
.L_overlay_start_1:
0x0: {  	(tag) =	ssettag $0x1  }
0x1: {  	s9 =	rddreg [dreg:$0x0]  }
0x2: {  	s4 =	rddreg [dreg:$0x1];
	s0 =	stileid.u32  }
0x3: {  	s1 =	srdreg.scid;
	s2 =	rddreg [dreg:$0x2]  }
0x4: {  	s3 =	simm.s32 $0x0;
	s14 =	simm.s32 $0x13D00;
	s15 =	simm.s32 $0x13C80  }
0x5: {  	s16 =	simm.s32 $0x10;
	s17 =	simm.s32 $0x0;
	s5 =	smul.u32 $0x13C00, s0  }
0x6: {  	s6 =	sand.u32 $0x1, s1;
	s1 =	rddreg [dreg:$0x3];
	s11 =	smul.u32 $0x4F000, s0  }
0x7: {  	[smem:$0x7FF] =	sst s3;
	s13 =	smul.u32 $0x2710, s0;
	s30 =	sshll.u32 s0, $0x6  }
0x8: {  	s7 =	smul.u32 $0x13C000, s6;
	_ =	strace $0x80000047;
	s23 =	sshll.u32 s6, $0x4  }
0x9: {  	s10 =	ssub.s32 $0x2, s6;
	s29 =	smul.u32 $0x27100, s6;
	s8 =	sshrl.u32 s5, $0x3  }
0xa: {  	s24 =	sshrl.u32 s10, $0x1;
	s28 =	sshrl.u32 s11, $0x2;
	s5 =	sadd.s32 s5, s7  }
0xb: {  	s22 =	sadd.s32 s8, s4;
	s8 =	sor.u32 s0, s23;
	s26 =	ssub.s32 s10, s24  }
0xc: {  	s11 =	sadd.s32 s28, s2;
	s10 =	sadd.s32 s13, s29;
	s13 =	simm.s32 $0x80  }
0xd: {  	s5 =	sshrl.u32 s5, $0x3;
	s25 =	smul.u32 $0x2710, s8;
	s8 =	smax.u32 s26, $0x1  }
0xe: {  	s10 =	sshrl.u32 s10, $0x3;
	s12 =	sadd.s32 s5, s4;
	s4 =	sadd.s32 $0xCA00, s22  }
0xf: {  	s5 =	sshrl.u32 s25, $0x3;
	s7 =	sadd.s32 $0x34200, s12;
	s12 =	simm.s32 $0x13C00  }
0x10: {  	s31 =	sadd.s32 s9, s5;
	s5 =	sor.u32 $0x1C01, s30;
	s9 =	sadd.s32 s10, s9  }
0x11: {  	v0 =	vimm.f32 $1.000000000e+00;
	s10 =	sshrl.u32 s11, $0x3;
	s11 =	simm.s32 $0x1;
	s6 =	sadd.s32 $0x4E0, s31  }
.LBB2_1:
0x12: {  	s18 =	sand.u32 $0xFE00, s3  }
0x13: {  	s19 =	sand.u32 $0x70, s3;
	s20 =	sshrl.u32 s18, $0x2  }
0x14: {  	s18 =	simm.s32 $0x40;
	s20 =	sor.u32 s19, s20;
	s19 =	simm.s32 $0x0  }
.LBB2_2:
0x15: {  	p0 =	sne.s32 s18, $0xFFC0  }
0x16: {  	[tilespmem:s20+$0x13D00] =	vst v0;
	s19 =	sadd.s32 $0x10, s19;
	s20 =	smov.u32 s18;
	s18 =	sadd.s32 $0x40, s18  }
.Ltmp0:
0x17: {  	(pc) =	sbr.rel @p0 .LBB2_2-.Ltmp0, $4  }
0x18: {  	_ = 	snop  }
0x19: {  	s20 =	sand.u32 $0xFE00, s20  }
0x1a: {  	s21 =	sand.u32 $0x70, s19;
	s20 =	sshrl.u32 s20, $0x2  }
0x1b: {  	s20 =	sor.u32 s21, s20  }
0x1c: {  	[tilespmem:s20+$0x13D00] =	vst v0  }
0x1d: {  	[spmem:s10], [sflag:s5] =	dma.local [hbm:s4], $0x2780  }
0x1e: {  	_ =	swait.ge [sflag:s11], $0x2780  }
0x1f: {  	[sflag:s11] =	ssyncset.done $0x0  }
0x20: {  	[sflag:s11] =	ssyncadd.s32 $0xFFFFD880  }
0x21: {  	s18 =	sadd.s32 $0x0, s9;
	[bflag:$0x0] =	sbarrier.arrive $0xFFFF  }
0x22: {  	[tilespmem:s12], [sflag:$0x1] =	stream.linear.gather [hbm4b:s18+s3], $0x80, $0x38;
	[tilespmem:$0x17D00] =	vst v63  }
0x23: {  	_ =	swait.ge [sflag:s11], $0x80  }
0x24: {  	[sflag:s11] =	ssyncset.done $0x0  }
0x25: {  	[sflag:s11] =	ssyncadd.s32 $0xFFFFFF80  }
0x26: {  	[spmem:s2] =	stream.indirect.scatter.add.f32 [tilespmem:s14], [sflag:$0x1], $0x80, s12, s13, $0xb8;
	[tilespmem:$0x17D00] =	vst v63  }
0x27: {  	_ =	swait.ge [sflag:s11], $0x4000  }
0x28: {  	s19 =	simm.s32 $0x20;
	s18 =	simm.s32 $0x10;
	[sflag:s11] =	ssyncset.done $0x0  }
.LBB2_4:
0x29: {  	s20 =	sadd.s32 s18, s9  }
0x2a: {  	[sflag:s11] =	ssyncadd.s32 $0xFFFFC000;
	s18 =	smov.u32 s19;
	s21 =	sadd.s32 $0x10, s19  }
0x2b: {  	[tilespmem:s12], [sflag:$0x1] =	stream.linear.gather [hbm4b:s20+s3], $0x80, $0x38;
	[tilespmem:$0x17D00] =	vst v63  }
0x2c: {  	p0 =	sne.s32 s19, $0x4D0;
	_ =	swait.ge [sflag:s11], $0x80  }
.Ltmp1:
0x2d: {  	[sflag:s11] =	ssyncset.done $0x0;
	(pc) =	sbr.rel @p0 .LBB2_4-.Ltmp1, $4  }
0x2e: {  	[sflag:s11] =	ssyncadd.s32 $0xFFFFFF80  }
0x2f: {  	[spmem:s2] =	stream.indirect.scatter.add.f32 [tilespmem:s14], [sflag:$0x1], $0x80, s12, s13, $0xb8;
	[tilespmem:$0x17D00] =	vst v63  }
0x30: {  	_ =	swait.ge [sflag:s11], $0x4000  }
0x31: {  	s19 =	smov.u32 s21;
	[sflag:s11] =	ssyncset.done $0x0  }
0x32: {  	s18 =	sadd.s32 s18, s9;
	[sflag:s11] =	ssyncadd.s32 $0xFFFFC000  }
0x33: {  	[tilespmem:s12], [sflag:$0x1] =	stream.linear.gather [hbm4b:s18+s3], $0x80, $0x38;
	[tilespmem:$0x17D00] =	vst v63  }
0x34: {  	_ =	swait.ge [sflag:s11], $0x80  }
0x35: {  	[sflag:s11] =	ssyncset.done $0x0  }
0x36: {  	[sflag:s11] =	ssyncadd.s32 $0xFFFFFF80  }
0x37: {  	[spmem:s2] =	stream.indirect.scatter.add.f32 [tilespmem:s14], [sflag:$0x1], $0x80, s12, s13, $0xb8;
	[tilespmem:$0x17D00] =	vst v63  }
0x38: {  	_ =	swait.ge [sflag:s11], $0x4000  }
0x39: {  	[sflag:s11] =	ssyncset.done $0x0  }
0x3a: {  	[sflag:s11] =	ssyncadd.s32 $0xFFFFC000  }
0x3b: {  	[tilespmem:s15], [sflag:$0x1] =	stream.linear.gather [hbm4b:s6+s3], $0x10, $0x38;
	[tilespmem:$0x17D00] =	vst v63  }
0x3c: {  	_ =	swait.ge [sflag:s11], $0x10  }
0x3d: {  	[sflag:s11] =	ssyncset.done $0x0  }
0x3e: {  	[sflag:s11] =	ssyncadd.s32 $0xFFFFFFF0  }
0x3f: {  	[spmem:s2] =	stream.indirect.scatter.add.f32 [tilespmem:s14], [sflag:$0x1], $0x80, s15, s16, $0xb8;
	[tilespmem:$0x17D00] =	vst v63  }
0x40: {  	_ =	swait.ge [sflag:s11], $0x800  }
0x41: {  	s17 =	sadd.s32 $0x1, s17;
	[sflag:s11] =	ssyncset.done $0x0  }
0x42: {  	p0 =	sne.s32 s17, s8;
	[sflag:s11] =	ssyncadd.s32 $0xFFFFF800  }
.Ltmp2:
0x43: {  	[bflag:$0x0] =	sbarrier.arrive $0xFFFF;
	(pc) =	sbr.rel @p0 .LBB2_1-.Ltmp2, $4  }
0x44: {  	[hbm:s7], [sflag:s5] =	dma.local [spmem:s10], $0x2780  }
0x45: {  	_ =	swait.ge [sflag:s11], $0x2780  }
0x46: {  	[sflag:s11] =	ssyncset.done $0x0  }
0x47: {  	[sflag:s11] =	ssyncadd.s32 $0xFFFFD880  }
0x48: {  	_ =	sfence.sel $0x180000  }
0x49: {  	[bflag:$0x0] =	sbarrier.arrive $0xFFFF  }
0x4a: {  	p0 =	sne.s32 s0, $0x0;
	_ =	strace $0x90000047  }
0x4b: {  	s0 =	sadd.s32 @!p0 $0x100000, s1;
	[bflag:$0x2] =	sbarrier.arrive $0xFFFF  }
0x4c: {  	[sflag:s0] =	ssyncadd.tile.s32 @!p0 $0x1;
	_ =	shalt  }
.Lfunc_end2:
_tile_overlayer_lowered:
.L_overlay_start_2:
0x4d: {  	(tag) =	ssettag $0x2  }
0x4e: {  	s0 =	rddreg [dreg:$0x0];
	s2 =	stileid.u32  }
0x4f: {  	s1 =	rddreg [dreg:$0x1];
	p0 =	sne.s32 s2, $0x0  }
0x50: {  	s3 =	rddreg [dreg:$0x2];
	[bflag:$0x3] =	sbarrier.arrive $0xFFFF;
	s2 =	simm.s32 @!p0 $0x1C01  }
0x51: {  	[timem:s3], [sflag:s2] =	dma.local @!p0 [hbm:s0], s1  }
0x52: {  	s0 =	simm.s32 @!p0 $0x1  }
0x53: {  	_ =	swait.ge @!p0 [sflag:s0], s1  }
0x54: {  	s1 =	ssub.s32 @!p0 $0x0, s1;
	[sflag:s0] =	ssyncset.done @!p0 $0x0  }
0x55: {  	[sflag:s0] =	ssyncadd.s32 @!p0 s1  }
0x56: {  	[bflag:$0x3] =	sbarrier.arrive $0xFFFF  }
0x57: {  	_ =	shalt  }

// kernel: kernel.13.cloned.1.call-start
scs
__scs_entry_jumppad:
0x0: {  	(pc) =	sbr.rel $0x88, $3  }
0x1: {  	(tag) =	ssettag $0x0;
	lr =	simm.s32 $0x1  }
0x2: {  	[smem:$0x3F96] =	sst lr;
	_ =	strace $0xD0000000  }
0x3: {  	_ = 	snop  }
0x4: {  	_ = 	snop  }
0x5: {  	_ = 	snop  }
0x6: {  	_ = 	snop  }
0x7: {  	_ = 	snop  }
__scs_overlays_trampoline_lowered:
0x8: {  	[smem:$0x3FA5] =	sst s0  }
0x9: {  	[smem:$0x3FA6] =	sst s1  }
0xa: {  	[smem:$0x3FA7] =	sst s2  }
0xb: {  	[smem:$0x3FA8] =	sst s3  }
0xc: {  	[smem:$0x3FA9] =	sst s4  }
0xd: {  	[smem:$0x3FAA] =	sst s5  }
0xe: {  	[smem:$0x3FAB] =	sst s6  }
0xf: {  	[smem:$0x3FAC] =	sst s7  }
0x10: {  	[smem:$0x3FAD] =	sst s8  }
0x11: {  	[smem:$0x3FAE] =	sst s9;
	s0 =	simm.s32 @!p0 $0x0  }
0x12: {  	s1 =	sld [smem:$0x3F94];
	s0 =	simm.s32 @p0 $0x1  }
0x13: {  	[smem:$0x3FAF] =	sst s0;
	s0 =	simm.s32 @!p1 $0x0  }
0x14: {  	s2 =	sld [smem:$0x3F93];
	s0 =	simm.s32 @p1 $0x1  }
0x15: {  	[smem:$0x3FB0] =	sst s0;
	s0 =	simm.s32 @!p2 $0x0  }
0x16: {  	s3 =	sld [smem:$0x3FDB];
	s0 =	simm.s32 @p2 $0x1  }
0x17: {  	s4 =	simm.s32 $0x1BF5;
	[smem:$0x3FB2] =	sst s0  }
0x18: {  	s0 =	sld [smem:$0x3F95];
	_ =	swait.ge [sflag:s4], $0x0  }
0x19: {  	s7 =	sld [smem:$0x3F96]  }
0x1a: {  	s8 =	sadd.s32 $0xFFFFE003, lr  }
0x1b: {  	s9 =	sadd.s32 $0xFFFFFEF7, lr;
	s5 =	simm.s32 $0xFFFFFFFF;
	p2 =	slt.u32 s8, $0xFFFFF086  }
0x1c: {  	p1 =	slt.u32 s9, $0xF7A;
	s5 =	simm.s32 @!p2 $0x0  }
0x1d: {  	s5 =	simm.s32 @p1 $0x1;
	p0 =	seq.s32 s7, s2  }
0x1e: {  	s7 =	smul.u32 @!p0 $0xF7A, s2;
	p2 =	seq.s32 @!p0 s5, $0x0  }
0x1f: {  	s9 =	smul.u32 $0xF7A, s1;
	s8 =	simm.s32 @!p0 $0x1BF5;
	p2 =	por !p2, p0  }
0x20: {  	[sflag:s8] =	ssyncset.s32 @!p0 $0xFFFFF086;
	s6 =	sadd.s32 @!p0 s3, s7;
	s7 =	simm.s32 @!p0 $0x108  }
0x21: {  	s3 =	sadd.s32 s3, s9;
	s6 =	sadd.s32 @!p0 $0x88, s6;
	s7 =	simm.s32 @p2 $0x1082  }
0x22: {  	[simem:s7], [sflag:s8] =	dma.local @!p0 [hbm:s6], $0xF7A  }
0x23: {  	s9 =	sor.u32 $0xD0000000, s2;
	s6 =	simm.s32 $0x108;
	_ =	swait.ge @!p0 [sflag:s8], $0x0  }
0x24: {  	s3 =	sadd.s32 $0x88, s3;
	s6 =	simm.s32 @!p1 $0x1082;
	[sflag:s4] =	ssyncset.s32 $0xFFFFF086  }
0x25: {  	[simem:s6], [sflag:s4] =	dma.local [hbm:s3], $0xF7A  }
0x26: {  	[smem:$0x3F96] =	sst s1;
	(tag) =	ssettag s2;
	_ =	strace s9  }
0x27: {  	s1 =	sld [smem:$0x3FA6]  }
0x28: {  	s2 =	sld [smem:$0x3FA7]  }
0x29: {  	s4 =	sld [smem:$0x3FA9]  }
0x2a: {  	p0 =	seq.s32 s5, $0x0;
	s5 =	sld [smem:$0x3FAA]  }
0x2b: {  	s6 =	sld [smem:$0x3FAB]  }
0x2c: {  	s7 =	sld [smem:$0x3FAC]  }
0x2d: {  	s3 =	simm.s32 $0x108;
	s8 =	sld [smem:$0x3FAD]  }
0x2e: {  	s3 =	simm.s32 @!p0 $0x1082;
	s9 =	sld [smem:$0x3FAE]  }
0x2f: {  	lr =	sadd.s32 s0, s3;
	s0 =	sld [smem:$0x3FA5]  }
0x30: {  	s3 =	sld [smem:$0x3FA8]  }
0x31: {  	[smem:$0x3FB1] =	sst s10  }
0x32: {  	s10 =	sld [smem:$0x3FAF];
	_ =	sdelay $0x3  }
0x33: {  	p0 =	seq.s32 s10, $0x1;
	s10 =	sld [smem:$0x3FB1];
	_ =	sdelay $0x3  }
0x34: {  	[smem:$0x3FB1] =	sst s10  }
0x35: {  	s10 =	sld [smem:$0x3FB0];
	_ =	sdelay $0x3  }
0x36: {  	p1 =	seq.s32 s10, $0x1;
	s10 =	sld [smem:$0x3FB1];
	_ =	sdelay $0x3  }
0x37: {  	[smem:$0x3FB1] =	sst s10  }
0x38: {  	s10 =	sld [smem:$0x3FB2]  }
0x39: {  	_ = 	snop;
	(pc) =	sbr.ind lr, $3  }
0x3a: {  	_ = 	snop  }
0x3b: {  	_ = 	snop  }
0x3c: {  	p2 =	seq.s32 s10, $0x1;
	s10 =	sld [smem:$0x3FB1]  }
0x3d: {  	_ =	shalt  }
0x3e: {  	_ =	shalt  }
0x3f: {  	_ =	shalt  }
0x40: {  	_ =	shalt  }
0x41: {  	_ =	shalt  }
0x42: {  	_ =	shalt  }
0x43: {  	_ =	shalt  }
0x44: {  	_ =	shalt  }
0x45: {  	_ =	shalt  }
0x46: {  	_ =	shalt  }
0x47: {  	_ =	shalt  }
0x48: {  	_ =	shalt  }
0x49: {  	_ =	shalt  }
0x4a: {  	_ =	shalt  }
0x4b: {  	_ =	shalt  }
0x4c: {  	_ =	shalt  }
0x4d: {  	_ =	shalt  }
0x4e: {  	_ =	shalt  }
0x4f: {  	_ =	shalt  }
0x50: {  	_ =	shalt  }
0x51: {  	_ =	shalt  }
0x52: {  	_ =	shalt  }
0x53: {  	_ =	shalt  }
0x54: {  	_ =	shalt  }
0x55: {  	_ =	shalt  }
0x56: {  	_ =	shalt  }
0x57: {  	_ =	shalt  }
0x58: {  	_ =	shalt  }
0x59: {  	_ =	shalt  }
0x5a: {  	_ =	shalt  }
0x5b: {  	_ =	shalt  }
0x5c: {  	_ =	shalt  }
0x5d: {  	_ =	shalt  }
0x5e: {  	_ =	shalt  }
0x5f: {  	_ =	shalt  }
0x60: {  	_ =	shalt  }
0x61: {  	_ =	shalt  }
0x62: {  	_ =	shalt  }
0x63: {  	_ =	shalt  }
0x64: {  	_ =	shalt  }
0x65: {  	_ =	shalt  }
0x66: {  	_ =	shalt  }
0x67: {  	_ =	shalt  }
0x68: {  	_ =	shalt  }
0x69: {  	_ =	shalt  }
0x6a: {  	_ =	shalt  }
0x6b: {  	_ =	shalt  }
0x6c: {  	_ =	shalt  }
0x6d: {  	_ =	shalt  }
0x6e: {  	_ =	shalt  }
0x6f: {  	_ =	shalt  }
0x70: {  	_ =	shalt  }
0x71: {  	_ =	shalt  }
0x72: {  	_ =	shalt  }
0x73: {  	_ =	shalt  }
0x74: {  	_ =	shalt  }
0x75: {  	_ =	shalt  }
0x76: {  	_ =	shalt  }
0x77: {  	_ =	shalt  }
0x78: {  	_ =	shalt  }
0x79: {  	_ =	shalt  }
0x7a: {  	_ =	shalt  }
0x7b: {  	_ =	shalt  }
0x7c: {  	_ =	shalt  }
0x7d: {  	_ =	shalt  }
0x7e: {  	_ =	shalt  }
0x7f: {  	_ =	shalt  }
0x80: {  	_ =	shalt  }
0x81: {  	_ =	shalt  }
0x82: {  	_ =	shalt  }
0x83: {  	_ =	shalt  }
0x84: {  	_ =	shalt  }
0x85: {  	_ =	shalt  }
0x86: {  	_ =	shalt  }
0x87: {  	_ =	shalt  }
.Lfunc_end0:
.L_simem_size_0:
called_computation.1_lowered:
.L_overlay_start_0:
0x88: {  	s2 =	sld [smem:$0x3FD9]  }
0x89: {  	s3 =	sld [smem:$0x3FFE];
	_ =	sdelay $0x1  }
0x8a: {  	s1 =	srdreg.scid  }
0x8b: {  	s0 =	sand.u32 $0x1, s1  }
0x8c: {  	s17 =	sshll.u32 s0, $0xA;
	s2 =	sadd.s32 s3, s2  }
0x8d: {  	s2 =	sadd.s32 s2, s17  }
0x8e: {  	[smem:$0x3FBD] =	sst s2  }
0x8f: {  	_ = 	snop  }
0x90: {  	s18 =	sld [smem:$0x3FD0];
	(tm) =	ssettm $0x1  }
0x91: {  	s19 =	sld [smem:$0x3FFB];
	_ =	sdelay $0x3  }
0x92: {  	_ =	strace s19  }
0x93: {  	s2 =	sld [smem:$0x3FFC];
	_ =	sdelay $0x3  }
0x94: {  	_ =	strace s2  }
0x95: {  	s2 =	sld [smem:$0x3FFD];
	_ =	sdelay $0x3  }
0x96: {  	_ =	strace s2  }
0x97: {  	_ =	strace $0x8FFFFFFF  }
0x98: {  	s20 =	sld [smem:$0x3FDB];
	_ =	sdelay $0x1  }
0x99: {  	s4 =	simm.s32 $_scs_section_size  }
0x9a: {  	s5 =	simm.s32 $_size__tile_overlayer_lowered;
	s6 =	simm.s32 $_tile_overlayer_lowered  }
0x9b: {  	s7 =	simm.s32 $0x1BFF;
	s21 =	sshll.u32 s6, $0x1;
	s4 =	sadd.s32 s4, s20  }
0x9c: {  	s22 =	simm.s32 $0x0;
	s5 =	sshll.u32 s5, $0x1;
	s6 =	sadd.s32 s21, s4  }
0x9d: {  	[timem:s22], [sflag:s7] =	dma.local [hbm:s6], s5  }
0x9e: {  	_ =	swait.ge [sflag:s7], s5  }
0x9f: {  	s5 =	ssub.s32 $0x0, s5;
	[sflag:s7] =	ssyncset.done $0x0  }
0xa0: {  	[sflag:s7] =	ssyncadd.s32 s5;
	_ =	sdelay $0x1  }
0xa1: {  	s23 =	simm.s32 $0x1B8B  }
0xa2: {  	_ =	swait.ge [sflag:s23], $0x1  }
0xa3: {  	[sflag:s23] =	ssyncset.done $0x0  }
0xa4: {  	[sflag:s23] =	ssyncadd.s32 $0xFFFFFFFF  }
0xa5: {  	s5 =	sld [smem:$0x0]  }
0xa6: {  	s6 =	sand.u32 $0xFFFFFFFE, s1  }
0xa7: {  	p0 =	sne.s32 s1, s6  }
0xa8: {  	s6 =	sshll.u32 @p0 s6, $0xE  }
0xa9: {  	s6 =	sadd.s32 @p0 $0x11B8D, s6;
	s7 =	sshll.u32 @p0 s5, $0x11  }
0xaa: {  	s6 =	sor.u32 @p0 s7, s6  }
0xab: {  	[sflag:s6] =	ssyncadd.remote.s32 @p0 $0x1;
	_ =	sdelay $0x1  }
0xac: {  	s6 =	simm.s32 @p0 $0x1B8D  }
0xad: {  	_ =	swait.eq @p0 [sflag:s6], $0x1  }
0xae: {  	[sflag:s6] =	ssyncadd.s32 @p0 $0xFFFFFFFF  }
0xaf: {  	s7 =	sshll.u32 @!p0 s1, $0xE  }
0xb0: {  	s7 =	sor.u32 @!p0 $0x4000, s7;
	s6 =	simm.s32 @!p0 $0x1B8D  }
0xb1: {  	s5 =	sshll.u32 @!p0 s5, $0x11;
	s7 =	sadd.s32 @!p0 $0x11B8D, s7;
	_ =	swait.eq @!p0 [sflag:s6], $0x1  }
0xb2: {  	s5 =	sor.u32 @!p0 s5, s7;
	[sflag:s6] =	ssyncadd.s32 @!p0 $0xFFFFFFFF  }
0xb3: {  	s25 =	simm.s32 $0x1B8E;
	s24 =	sld [smem:$0x3FFE];
	[sflag:s5] =	ssyncadd.remote.s32 @!p0 $0x1  }
0xb4: {  	s26 =	simm.s32 $execute0_lowered;
	[smem:$0x3FD2] =	sst s25  }
0xb5: {  	s6 =	sshll.u32 s26, $0x1;
	_ =	strace $0x80000049;
	[dreg:$0x1] =	wrdreg $0xFFFFFFFF  }
0xb6: {  	s28 =	simm.s32 $_size_execute0_lowered;
	s4 =	sadd.s32 s4, s6;
	[dreg:$0x0] =	wrdreg $0x0  }
0xb7: {  	s6 =	sshll.u32 s28, $0x1;
	[dreg:$0x2] =	wrdreg s4  }
0xb8: {  	[dreg:$0x3] =	wrdreg s6  }
0xb9: {  	[dreg:$0x4] =	wrdreg $0xC0  }
0xba: {  	_ =	task [dreg:s22], $0x5FFFF  }
0xbb: {  	[dreg:$0x1] =	wrdreg $0xFFFFFFFF  }
0xbc: {  	[dreg:$0x0] =	wrdreg $0x60  }
0xbd: {  	[dreg:$0x2] =	wrdreg s24  }
0xbe: {  	[dreg:$0x3] =	wrdreg s18  }
0xbf: {  	[dreg:$0x4] =	wrdreg $0x0  }
0xc0: {  	[dreg:$0x5] =	wrdreg $0xA  }
0xc1: {  	_ =	task.clear_ibuf [dreg:s22], $0x6FFFF;
	_ =	strace $0x90000049  }
0xc2: {  	s29 =	simm.s32 $0xA;
	_ =	strace $0x8000004B  }
0xc3: {  	_ =	swait.ge [sflag:s29], $0x1  }
0xc4: {  	[sflag:s29] =	ssyncadd.s32 $0xFFFFFFFF  }
0xc5: {  	_ =	strace $0x9000004B  }
0xc6: {  	_ =	sfence  }
0xc7: {  	s30 =	sld [smem:$0x0];
	_ =	sdelay $0x2  }
0xc8: {  	s31 =	sshll.u32 s1, $0xD;
	s1 =	sshrl.u32 s1, $0x2  }
0xc9: {  	s4 =	sand.u32 $0x4000, s31;
	s1 =	sadd.s32 s1, s30  }
0xca: {  	s0 =	sor.u32 s4, s0;
	s1 =	sshll.u32 s1, $0x11  }
0xcb: {  	s0 =	sor.u32 s1, s0  }
0xcc: {  	s0 =	sadd.s32 $0x8F2B, s0  }
0xcd: {  	[sflag:s0] =	ssyncadd.remote.s32 $0x1  }
0xce: {  	_ =	sfence.sel $0xFFFF  }
0xcf: {  	[dreg:$0x0] =	wrdreg $0xFFFFFFFF;
	(pc) =	sbr.abs _section_cstart, $3  }
0xd0: {  	[dreg:$0x1] =	wrdreg $0xFFFFFFFF  }
0xd1: {  	_ =	task.clear_ibuf [dreg:s22], $0x2FFFF;
	_ =	strace $0x9FFFFFFF  }
0xd2: {  	(tm) =	ssettm $0x7FFFFFFF  }
0xd3: {  	_ =	shalt  }
tec
execute0_lowered:
.L_overlay_start_1:
0x0: {  	(tag) =	ssettag $0x1  }
0x1: {  	s0 =	rddreg [dreg:$0x0]  }
0x2: {  	s1 =	rddreg [dreg:$0x1]  }
0x3: {  	s2 =	rddreg [dreg:$0x2];
	s3 =	simm.s32 $0x0;
	s6 =	stileid.u32  }
0x4: {  	s8 =	srdreg.scid;
	s28 =	simm.s32 $0x13A80;
	s29 =	simm.s32 $0x13980  }
0x5: {  	s30 =	simm.s32 $0x13A00;
	s31 =	simm.s32 $0x17A80;
	[smem:$0x7FF] =	sst s3  }
0x6: {  	s7 =	smul.u32 $0x13800, s6;
	s4 =	sadd.s32 $0x83200, s0;
	s5 =	sadd.s32 $0x2C00, s0  }
0x7: {  	s10 =	sand.u32 $0x1, s8;
	s11 =	smul.u32 $0x4E000, s6;
	s12 =	sadd.s32 $0xAA400, s0  }
0x8: {  	s22 =	sshll.u32 s6, $0x6;
	s23 =	sadd.s32 $0x138000, s2;
	s16 =	smul.u32 $0x2710, s6  }
0x9: {  	p0 =	sne.s32 s6, $0x0;
	_ =	strace $0x8000004A;
	s20 =	ssub.s32 $0x2, s10  }
0xa: {  	s14 =	sshll.u32 s10, $0x4;
	[dreg:$0x6] =	wrdreg s23;
	s25 =	smul.u32 $0x138800, s10  }
0xb: {  	s10 =	smul.u32 $0x27100, s10;
	s9 =	sshrl.u32 s7, $0x3;
	s13 =	sshrl.u32 s20, $0x1  }
0xc: {  	s11 =	sshrl.u32 s11, $0x2;
	s21 =	sor.u32 s6, s14;
	s6 =	simm.s32 $0x2  }
0xd: {  	s19 =	sadd.s32 s9, s0;
	s9 =	ssub.s32 s20, s13;
	s11 =	sadd.s32 s11, s2  }
0xe: {  	s13 =	smul.u32 $0x2710, s21;
	s0 =	sadd.s32 $0x33A00, s0;
	s18 =	sadd.s32 s7, s25  }
0xf: {  	s7 =	simm.s32 $0x1BA80;
	[dreg:$0x4] =	wrdreg s11;
	s8 =	sadd.s32 $0xCA00, s19  }
0x10: {  	[dreg:$0x7] =	wrdreg s0;
	s19 =	sadd.s32 s16, s10;
	s10 =	simm.s32 $0x10  }
0x11: {  	s11 =	simm.s32 $0x1BB80;
	[dreg:$0x5] =	wrdreg s8;
	s8 =	sor.u32 $0x1C03, s22  }
0x12: {  	s24 =	sshrl.u32 s13, $0x3;
	s22 =	sshrl.u32 s25, $0x3;
	s23 =	sadd.s32 $0x180, s19  }
0x13: {  	s13 =	sadd.s32 s5, s24;
	s26 =	sadd.s32 s1, s24;
	s14 =	sadd.s32 $0x10, s24  }
0x14: {  	s0 =	sadd.s32 $0x4E0, s24;
	s24 =	sadd.s32 s12, s22;
	s25 =	sshrl.u32 s23, $0x3  }
0x15: {  	s22 =	sadd.s32 $0x100, s19;
	s23 =	simm.s32 $0x3;
	[dreg:$0x8] =	wrdreg s13  }
0x16: {  	[dreg:$0x9] =	wrdreg s26;
	s15 =	sadd.s32 s5, s14;
	s13 =	sadd.s32 s1, s14  }
0x17: {  	s17 =	sadd.s32 s5, s0;
	s0 =	sadd.s32 s1, s0;
	[dreg:$0xa] =	wrdreg s15  }
0x18: {  	s26 =	smax.u32 s9, $0x1;
	s20 =	sadd.s32 s25, s1;
	[dreg:$0xb] =	wrdreg s13  }
0x19: {  	s21 =	sadd.s32 s25, s5;
	s25 =	simm.s32 $0x13900;
	[dreg:$0xc] =	wrdreg s17  }
0x1a: {  	s9 =	simm.s32 $0x1BB00;
	[dreg:$0xd] =	wrdreg s0;
	s0 =	sshrl.u32 s18, $0x3  }
0x1b: {  	[dreg:$0x10] =	wrdreg s26;
	s26 =	simm.s32 $0x80;
	s0 =	sadd.s32 s12, s0  }
0x1c: {  	s12 =	simm.s32 $0x0;
	[dreg:$0xe] =	wrdreg s0;
	s0 =	sadd.s32 $0x27000, s24  }
0x1d: {  	s24 =	simm.s32 $0x13880;
	[dreg:$0xf] =	wrdreg s0;
	s0 =	simm.s32 $0x1  }
.LBB2_1:
0x1e: {  	s13 =	rddreg [dreg:$0x4]  }
0x1f: {  	s14 =	rddreg [dreg:$0x5];
	s13 =	sshrl.u32 s13, $0x3  }
0x20: {  	[spmem:s13], [sflag:s8] =	dma.local [hbm:s14], $0x2700  }
0x21: {  	_ =	swait.ge [sflag:s23], $0x2700  }
0x22: {  	[sflag:s23] =	ssyncset.done $0x0;
	s14 =	rddreg [dreg:$0x6]  }
0x23: {  	s15 =	rddreg [dreg:$0x7];
	[sflag:s23] =	ssyncadd.s32 $0xFFFFD900;
	s14 =	sshrl.u32 @!p0 s14, $0x3  }
0x24: {  	[spmem:s14], [sflag:s8] =	dma.local @!p0 [hbm:s15], $0x100  }
0x25: {  	s15 =	simm.s32 @!p0 $0x3  }
0x26: {  	_ =	swait.ge @!p0 [sflag:s15], $0x100  }
0x27: {  	[sflag:s15] =	ssyncset.done @!p0 $0x0  }
0x28: {  	[sflag:s15] =	ssyncadd.s32 @!p0 $0xFFFFFF00  }
0x29: {  	[bflag:$0x0] =	sbarrier.arrive $0xFFFF  }
0x2a: {  	s17 =	rddreg [dreg:$0x8]  }
0x2b: {  	[tilespmem:s24], [sflag:$0x3] =	stream.linear.gather [hbm4b:s17+s3], $0x80, $0x38;
	[tilespmem:$0x1C380] =	vst v63  }
0x2c: {  	_ =	swait.ge [sflag:s23], $0x80  }
0x2d: {  	[sflag:s23] =	ssyncset.done $0x0  }
0x2e: {  	s18 =	rddreg [dreg:$0x9];
	[sflag:s23] =	ssyncadd.s32 $0xFFFFFF80  }
0x2f: {  	[tilespmem:s25], [sflag:$0x3] =	stream.linear.gather [hbm4b:s18+s3], $0x80, $0x38;
	[tilespmem:$0x1C380] =	vst v63  }
0x30: {  	_ =	swait.ge [sflag:s23], $0x80  }
0x31: {  	[sflag:s23] =	ssyncset.done $0x0  }
0x32: {  	[sflag:s23] =	ssyncadd.s32 $0xFFFFFF80  }
0x33: {  	[tilespmem:s28], [sflag:$0x1] =	stream.indirect.gather [hbm4b:s4+s26], $0x80, s24, s26, $0xb8;
	[tilespmem:$0x1C380] =	vst v63  }
0x34: {  	s19 =	rddreg [dreg:$0xa]  }
0x35: {  	[tilespmem:s29], [sflag:$0x3] =	stream.linear.gather [hbm4b:s19+s3], $0x80, $0x38;
	[tilespmem:$0x1C380] =	vst v63  }
0x36: {  	_ =	swait.ge [sflag:s23], $0x80  }
0x37: {  	[sflag:s23] =	ssyncset.done $0x0  }
0x38: {  	s16 =	rddreg [dreg:$0xb];
	[sflag:s23] =	ssyncadd.s32 $0xFFFFFF80  }
0x39: {  	[tilespmem:s30], [sflag:$0x3] =	stream.linear.gather [hbm4b:s16+s3], $0x80, $0x38;
	[tilespmem:$0x1C380] =	vst v63  }
0x3a: {  	_ =	swait.ge [sflag:s23], $0x80  }
0x3b: {  	[sflag:s23] =	ssyncset.done $0x0  }
0x3c: {  	[sflag:s23] =	ssyncadd.s32 $0xFFFFFF80  }
0x3d: {  	[tilespmem:s31], [sflag:$0x2] =	stream.indirect.gather [hbm4b:s4+s26], $0x80, s29, s26, $0xb8;
	[tilespmem:$0x1C380] =	vst v63  }
0x3e: {  	_ =	swait.ge [sflag:s0], $0x4000  }
0x3f: {  	[sflag:s0] =	ssyncset.done $0x0  }
0x40: {  	[sflag:s0] =	ssyncadd.s32 $0xFFFFC000  }
0x41: {  	[spmem:s2] =	stream.indirect.scatter.add.f32 [tilespmem:s28], [sflag:$0x3], $0x80, s25, s26, $0xb8;
	[tilespmem:$0x1C380] =	vst v63  }
0x42: {  	_ =	swait.ge [sflag:s23], $0x4000  }
0x43: {  	s17 =	sshrl.u32 s22, $0x3;
	[sflag:s23] =	ssyncset.done $0x0  }
0x44: {  	s16 =	sadd.s32 s5, s17;
	[sflag:s23] =	ssyncadd.s32 $0xFFFFC000  }
0x45: {  	[tilespmem:s24], [sflag:$0x3] =	stream.linear.gather [hbm4b:s16+s3], $0x80, $0x38;
	[tilespmem:$0x1C380] =	vst v63  }
0x46: {  	_ =	swait.ge [sflag:s23], $0x80  }
0x47: {  	[sflag:s23] =	ssyncset.done $0x0  }
0x48: {  	s15 =	sadd.s32 s1, s17;
	[sflag:s23] =	ssyncadd.s32 $0xFFFFFF80  }
0x49: {  	[tilespmem:s25], [sflag:$0x3] =	stream.linear.gather [hbm4b:s15+s3], $0x80, $0x38;
	[tilespmem:$0x1C380] =	vst v63  }
0x4a: {  	_ =	swait.ge [sflag:s23], $0x80  }
0x4b: {  	[sflag:s23] =	ssyncset.done $0x0  }
0x4c: {  	[sflag:s23] =	ssyncadd.s32 $0xFFFFFF80  }
0x4d: {  	[tilespmem:s28], [sflag:$0x1] =	stream.indirect.gather [hbm4b:s4+s26], $0x80, s24, s26, $0xb8;
	[tilespmem:$0x1C380] =	vst v63  }
0x4e: {  	_ =	swait.ge [sflag:s6], $0x4000  }
0x4f: {  	[sflag:s6] =	ssyncset.done $0x0  }
0x50: {  	[sflag:s6] =	ssyncadd.s32 $0xFFFFC000  }
0x51: {  	[spmem:s2] =	stream.indirect.scatter.add.f32 [tilespmem:s31], [sflag:$0x3], $0x80, s30, s26, $0xb8;
	[tilespmem:$0x1C380] =	vst v63  }
0x52: {  	_ =	swait.ge [sflag:s23], $0x4000  }
0x53: {  	[sflag:s23] =	ssyncset.done $0x0  }
0x54: {  	s18 =	sadd.s32 $0x0, s21;
	[sflag:s23] =	ssyncadd.s32 $0xFFFFC000  }
0x55: {  	[tilespmem:s29], [sflag:$0x3] =	stream.linear.gather [hbm4b:s18+s3], $0x80, $0x38;
	[tilespmem:$0x1C380] =	vst v63  }
0x56: {  	_ =	swait.ge [sflag:s23], $0x80  }
0x57: {  	[sflag:s23] =	ssyncset.done $0x0  }
0x58: {  	s19 =	sadd.s32 $0x0, s20;
	[sflag:s23] =	ssyncadd.s32 $0xFFFFFF80  }
0x59: {  	[tilespmem:s30], [sflag:$0x3] =	stream.linear.gather [hbm4b:s19+s3], $0x80, $0x38;
	[tilespmem:$0x1C380] =	vst v63  }
0x5a: {  	_ =	swait.ge [sflag:s23], $0x80  }
0x5b: {  	[sflag:s23] =	ssyncset.done $0x0  }
0x5c: {  	s16 =	sadd.s32 $0x100, s22;
	s15 =	simm.s32 $0x20;
	[sflag:s23] =	ssyncadd.s32 $0xFFFFFF80  }
.LBB2_2:
0x5d: {  	[tilespmem:s31], [sflag:$0x2] =	stream.indirect.gather [hbm4b:s4+s26], $0x80, s29, s26, $0xb8;
	[tilespmem:$0x1C380] =	vst v63  }
0x5e: {  	s17 =	smov.u32 s15  }
0x5f: {  	p1 =	sne.s32 s15, $0x4A0;
	s15 =	sadd.s32 $0x20, s15;
	_ =	swait.ge [sflag:s0], $0x4000  }
0x60: {  	[sflag:s0] =	ssyncset.done $0x0  }
0x61: {  	[sflag:s0] =	ssyncadd.s32 $0xFFFFC000  }
0x62: {  	[spmem:s2] =	stream.indirect.scatter.add.f32 [tilespmem:s28], [sflag:$0x3], $0x80, s25, s26, $0xb8;
	[tilespmem:$0x1C380] =	vst v63  }
0x63: {  	_ =	swait.ge [sflag:s23], $0x4000  }
0x64: {  	s18 =	sshrl.u32 s16, $0x3;
	[sflag:s23] =	ssyncset.done $0x0  }
0x65: {  	s19 =	sadd.s32 s5, s18;
	[sflag:s23] =	ssyncadd.s32 $0xFFFFC000  }
0x66: {  	[tilespmem:s24], [sflag:$0x3] =	stream.linear.gather [hbm4b:s19+s3], $0x80, $0x38;
	[tilespmem:$0x1C380] =	vst v63  }
0x67: {  	_ =	swait.ge [sflag:s23], $0x80  }
0x68: {  	[sflag:s23] =	ssyncset.done $0x0  }
0x69: {  	s18 =	sadd.s32 s1, s18;
	[sflag:s23] =	ssyncadd.s32 $0xFFFFFF80  }
0x6a: {  	[tilespmem:s25], [sflag:$0x3] =	stream.linear.gather [hbm4b:s18+s3], $0x80, $0x38;
	[tilespmem:$0x1C380] =	vst v63  }
0x6b: {  	_ =	swait.ge [sflag:s23], $0x80  }
0x6c: {  	[sflag:s23] =	ssyncset.done $0x0  }
0x6d: {  	[sflag:s23] =	ssyncadd.s32 $0xFFFFFF80  }
0x6e: {  	[tilespmem:s28], [sflag:$0x1] =	stream.indirect.gather [hbm4b:s4+s26], $0x80, s24, s26, $0xb8;
	[tilespmem:$0x1C380] =	vst v63  }
0x6f: {  	_ =	swait.ge [sflag:s6], $0x4000  }
0x70: {  	[sflag:s6] =	ssyncset.done $0x0  }
0x71: {  	[sflag:s6] =	ssyncadd.s32 $0xFFFFC000  }
0x72: {  	[spmem:s2] =	stream.indirect.scatter.add.f32 [tilespmem:s31], [sflag:$0x3], $0x80, s30, s26, $0xb8;
	[tilespmem:$0x1C380] =	vst v63  }
0x73: {  	_ =	swait.ge [sflag:s23], $0x4000  }
0x74: {  	[sflag:s23] =	ssyncset.done $0x0  }
0x75: {  	s18 =	sadd.s32 s17, s21;
	[sflag:s23] =	ssyncadd.s32 $0xFFFFC000  }
0x76: {  	[tilespmem:s29], [sflag:$0x3] =	stream.linear.gather [hbm4b:s18+s3], $0x80, $0x38;
	[tilespmem:$0x1C380] =	vst v63  }
0x77: {  	_ =	swait.ge [sflag:s23], $0x80  }
0x78: {  	[sflag:s23] =	ssyncset.done $0x0  }
.Ltmp0:
0x79: {  	s17 =	sadd.s32 s17, s20;
	[sflag:s23] =	ssyncadd.s32 $0xFFFFFF80;
	(pc) =	sbr.rel @p1 .LBB2_2-.Ltmp0, $4  }
0x7a: {  	[tilespmem:s30], [sflag:$0x3] =	stream.linear.gather [hbm4b:s17+s3], $0x80, $0x38;
	[tilespmem:$0x1C380] =	vst v63  }
0x7b: {  	_ =	swait.ge [sflag:s23], $0x80  }
0x7c: {  	[sflag:s23] =	ssyncset.done $0x0  }
0x7d: {  	s16 =	sadd.s32 $0x100, s16;
	[sflag:s23] =	ssyncadd.s32 $0xFFFFFF80  }
0x7e: {  	[tilespmem:s31], [sflag:$0x2] =	stream.indirect.gather [hbm4b:s4+s26], $0x80, s29, s26, $0xb8;
	[tilespmem:$0x1C380] =	vst v63  }
0x7f: {  	_ =	swait.ge [sflag:s0], $0x4000  }
0x80: {  	[sflag:s0] =	ssyncset.done $0x0  }
0x81: {  	[sflag:s0] =	ssyncadd.s32 $0xFFFFC000  }
0x82: {  	[spmem:s2] =	stream.indirect.scatter.add.f32 [tilespmem:s28], [sflag:$0x3], $0x80, s25, s26, $0xb8;
	[tilespmem:$0x1C380] =	vst v63  }
0x83: {  	_ =	swait.ge [sflag:s23], $0x4000  }
0x84: {  	[sflag:s23] =	ssyncset.done $0x0  }
0x85: {  	[sflag:s23] =	ssyncadd.s32 $0xFFFFC000  }
0x86: {  	_ =	swait.ge [sflag:s6], $0x4000  }
0x87: {  	[sflag:s6] =	ssyncset.done $0x0  }
0x88: {  	[sflag:s6] =	ssyncadd.s32 $0xFFFFC000  }
0x89: {  	[spmem:s2] =	stream.indirect.scatter.add.f32 [tilespmem:s31], [sflag:$0x3], $0x80, s30, s26, $0xb8;
	[tilespmem:$0x1C380] =	vst v63  }
0x8a: {  	_ =	swait.ge [sflag:s23], $0x4000  }
0x8b: {  	[sflag:s23] =	ssyncset.done $0x0  }
0x8c: {  	s15 =	rddreg [dreg:$0xc];
	[sflag:s23] =	ssyncadd.s32 $0xFFFFC000  }
0x8d: {  	[tilespmem:s7], [sflag:$0x3] =	stream.linear.gather [hbm4b:s15+s3], $0x10, $0x38;
	[tilespmem:$0x1C380] =	vst v63  }
0x8e: {  	_ =	swait.ge [sflag:s23], $0x10  }
0x8f: {  	[sflag:s23] =	ssyncset.done $0x0  }
0x90: {  	s17 =	rddreg [dreg:$0xd];
	[sflag:s23] =	ssyncadd.s32 $0xFFFFFFF0  }
0x91: {  	[tilespmem:s9], [sflag:$0x3] =	stream.linear.gather [hbm4b:s17+s3], $0x10, $0x38;
	[tilespmem:$0x1C380] =	vst v63  }
0x92: {  	_ =	swait.ge [sflag:s23], $0x10  }
0x93: {  	[sflag:s23] =	ssyncset.done $0x0  }
0x94: {  	[sflag:s23] =	ssyncadd.s32 $0xFFFFFFF0  }
0x95: {  	[tilespmem:s11], [sflag:$0x1] =	stream.indirect.gather [hbm4b:s4+s10], $0x80, s7, s10, $0xb8;
	[tilespmem:$0x1C380] =	vst v63  }
0x96: {  	_ =	swait.ge [sflag:s0], $0x800  }
0x97: {  	[sflag:s0] =	ssyncset.done $0x0  }
0x98: {  	[sflag:s0] =	ssyncadd.s32 $0xFFFFF800  }
0x99: {  	[spmem:s2] =	stream.indirect.scatter.add.f32 [tilespmem:s11], [sflag:$0x3], $0x80, s9, s10, $0xb8;
	[tilespmem:$0x1C380] =	vst v63  }
0x9a: {  	_ =	swait.ge [sflag:s23], $0x800  }
0x9b: {  	[sflag:s23] =	ssyncset.done $0x0  }
0x9c: {  	[sflag:s23] =	ssyncadd.s32 $0xFFFFF800  }
0x9d: {  	[bflag:$0x0] =	sbarrier.arrive $0xFFFF  }
0x9e: {  	s18 =	rddreg [dreg:$0xe]  }
0x9f: {  	[hbm:s18], [sflag:s8] =	dma.local [spmem:s13], $0x2700  }
0xa0: {  	_ =	swait.ge [sflag:s23], $0x2700  }
0xa1: {  	[sflag:s23] =	ssyncset.done $0x0  }
0xa2: {  	s13 =	rddreg [dreg:$0xf];
	[sflag:s23] =	ssyncadd.s32 $0xFFFFD900  }
0xa3: {  	[hbm:s13], [sflag:s8] =	dma.local @!p0 [spmem:s14], $0x100  }
0xa4: {  	s13 =	simm.s32 @!p0 $0x3  }
0xa5: {  	_ =	swait.ge @!p0 [sflag:s13], $0x100  }
0xa6: {  	s12 =	sadd.s32 $0x1, s12;
	s19 =	rddreg [dreg:$0x10]  }
0xa7: {  	p1 =	sne.s32 s12, s19  }
.Ltmp1:
0xa8: {  	_ = 	snop;
	(pc) =	sbr.rel @p1 .LBB2_1-.Ltmp1, $3  }
0xa9: {  	_ =	sdelay $0x1  }
0xaa: {  	[sflag:s13] =	ssyncset.done @!p0 $0x0  }
0xab: {  	[sflag:s13] =	ssyncadd.s32 @!p0 $0xFFFFFF00  }
0xac: {  	_ =	sfence.sel $0x180000  }
0xad: {  	[bflag:$0x0] =	sbarrier.arrive $0xFFFF  }
0xae: {  	_ =	strace $0x9000004A  }
0xaf: {  	[bflag:$0x2] =	sbarrier.arrive $0xFFFF  }
0xb0: {  	s0 =	rddreg [dreg:$0x3]  }
0xb1: {  	s0 =	sadd.s32 @!p0 $0x100000, s0  }
0xb2: {  	[sflag:s0] =	ssyncadd.tile.s32 @!p0 $0x1;
	_ =	shalt  }
.Lfunc_end2:
_tile_overlayer_lowered:
.L_overlay_start_2:
0xb3: {  	(tag) =	ssettag $0x2  }
0xb4: {  	s0 =	rddreg [dreg:$0x0];
	s2 =	stileid.u32  }
0xb5: {  	s1 =	rddreg [dreg:$0x1];
	p0 =	sne.s32 s2, $0x0  }
0xb6: {  	s3 =	rddreg [dreg:$0x2];
	[bflag:$0x3] =	sbarrier.arrive $0xFFFF;
	s2 =	simm.s32 @!p0 $0x1C03  }
0xb7: {  	[timem:s3], [sflag:s2] =	dma.local @!p0 [hbm:s0], s1  }
0xb8: {  	s0 =	simm.s32 @!p0 $0x3  }
0xb9: {  	_ =	swait.ge @!p0 [sflag:s0], s1  }
0xba: {  	s1 =	ssub.s32 @!p0 $0x0, s1;
	[sflag:s0] =	ssyncset.done @!p0 $0x0  }
0xbb: {  	[sflag:s0] =	ssyncadd.s32 @!p0 s1  }
0xbc: {  	[bflag:$0x3] =	sbarrier.arrive $0xFFFF  }
0xbd: {  	_ =	shalt  }

// kernel: kernel.16.cloned.1.call-start
scs
__scs_entry_jumppad:
0x0: {  	(pc) =	sbr.rel $0x88, $3  }
0x1: {  	(tag) =	ssettag $0x0;
	lr =	simm.s32 $0x1  }
0x2: {  	[smem:$0x3F96] =	sst lr;
	_ =	strace $0xD0000000  }
0x3: {  	_ = 	snop  }
0x4: {  	_ = 	snop  }
0x5: {  	_ = 	snop  }
0x6: {  	_ = 	snop  }
0x7: {  	_ = 	snop  }
__scs_overlays_trampoline_lowered:
0x8: {  	[smem:$0x3FA5] =	sst s0  }
0x9: {  	[smem:$0x3FA6] =	sst s1  }
0xa: {  	[smem:$0x3FA7] =	sst s2  }
0xb: {  	[smem:$0x3FA8] =	sst s3  }
0xc: {  	[smem:$0x3FA9] =	sst s4  }
0xd: {  	[smem:$0x3FAA] =	sst s5  }
0xe: {  	[smem:$0x3FAB] =	sst s6  }
0xf: {  	[smem:$0x3FAC] =	sst s7  }
0x10: {  	[smem:$0x3FAD] =	sst s8  }
0x11: {  	[smem:$0x3FAE] =	sst s9;
	s0 =	simm.s32 @!p0 $0x0  }
0x12: {  	s1 =	sld [smem:$0x3F94];
	s0 =	simm.s32 @p0 $0x1  }
0x13: {  	[smem:$0x3FAF] =	sst s0;
	s0 =	simm.s32 @!p1 $0x0  }
0x14: {  	s2 =	sld [smem:$0x3F93];
	s0 =	simm.s32 @p1 $0x1  }
0x15: {  	[smem:$0x3FB0] =	sst s0;
	s0 =	simm.s32 @!p2 $0x0  }
0x16: {  	s3 =	sld [smem:$0x3FDB];
	s0 =	simm.s32 @p2 $0x1  }
0x17: {  	s4 =	simm.s32 $0x1BF5;
	[smem:$0x3FB2] =	sst s0  }
0x18: {  	s0 =	sld [smem:$0x3F95];
	_ =	swait.ge [sflag:s4], $0x0  }
0x19: {  	s7 =	sld [smem:$0x3F96]  }
0x1a: {  	s8 =	sadd.s32 $0xFFFFE003, lr  }
0x1b: {  	s9 =	sadd.s32 $0xFFFFFEF7, lr;
	s5 =	simm.s32 $0xFFFFFFFF;
	p2 =	slt.u32 s8, $0xFFFFF086  }
0x1c: {  	p1 =	slt.u32 s9, $0xF7A;
	s5 =	simm.s32 @!p2 $0x0  }
0x1d: {  	s5 =	simm.s32 @p1 $0x1;
	p0 =	seq.s32 s7, s2  }
0x1e: {  	s7 =	smul.u32 @!p0 $0xF7A, s2;
	p2 =	seq.s32 @!p0 s5, $0x0  }
0x1f: {  	s9 =	smul.u32 $0xF7A, s1;
	s8 =	simm.s32 @!p0 $0x1BF5;
	p2 =	por !p2, p0  }
0x20: {  	[sflag:s8] =	ssyncset.s32 @!p0 $0xFFFFF086;
	s6 =	sadd.s32 @!p0 s3, s7;
	s7 =	simm.s32 @!p0 $0x108  }
0x21: {  	s3 =	sadd.s32 s3, s9;
	s6 =	sadd.s32 @!p0 $0x88, s6;
	s7 =	simm.s32 @p2 $0x1082  }
0x22: {  	[simem:s7], [sflag:s8] =	dma.local @!p0 [hbm:s6], $0xF7A  }
0x23: {  	s9 =	sor.u32 $0xD0000000, s2;
	s6 =	simm.s32 $0x108;
	_ =	swait.ge @!p0 [sflag:s8], $0x0  }
0x24: {  	s3 =	sadd.s32 $0x88, s3;
	s6 =	simm.s32 @!p1 $0x1082;
	[sflag:s4] =	ssyncset.s32 $0xFFFFF086  }
0x25: {  	[simem:s6], [sflag:s4] =	dma.local [hbm:s3], $0xF7A  }
0x26: {  	[smem:$0x3F96] =	sst s1;
	(tag) =	ssettag s2;
	_ =	strace s9  }
0x27: {  	s1 =	sld [smem:$0x3FA6]  }
0x28: {  	s2 =	sld [smem:$0x3FA7]  }
0x29: {  	s4 =	sld [smem:$0x3FA9]  }
0x2a: {  	p0 =	seq.s32 s5, $0x0;
	s5 =	sld [smem:$0x3FAA]  }
0x2b: {  	s6 =	sld [smem:$0x3FAB]  }
0x2c: {  	s7 =	sld [smem:$0x3FAC]  }
0x2d: {  	s3 =	simm.s32 $0x108;
	s8 =	sld [smem:$0x3FAD]  }
0x2e: {  	s3 =	simm.s32 @!p0 $0x1082;
	s9 =	sld [smem:$0x3FAE]  }
0x2f: {  	lr =	sadd.s32 s0, s3;
	s0 =	sld [smem:$0x3FA5]  }
0x30: {  	s3 =	sld [smem:$0x3FA8]  }
0x31: {  	[smem:$0x3FB1] =	sst s10  }
0x32: {  	s10 =	sld [smem:$0x3FAF];
	_ =	sdelay $0x3  }
0x33: {  	p0 =	seq.s32 s10, $0x1;
	s10 =	sld [smem:$0x3FB1];
	_ =	sdelay $0x3  }
0x34: {  	[smem:$0x3FB1] =	sst s10  }
0x35: {  	s10 =	sld [smem:$0x3FB0];
	_ =	sdelay $0x3  }
0x36: {  	p1 =	seq.s32 s10, $0x1;
	s10 =	sld [smem:$0x3FB1];
	_ =	sdelay $0x3  }
0x37: {  	[smem:$0x3FB1] =	sst s10  }
0x38: {  	s10 =	sld [smem:$0x3FB2]  }
0x39: {  	_ = 	snop;
	(pc) =	sbr.ind lr, $3  }
0x3a: {  	_ = 	snop  }
0x3b: {  	_ = 	snop  }
0x3c: {  	p2 =	seq.s32 s10, $0x1;
	s10 =	sld [smem:$0x3FB1]  }
0x3d: {  	_ =	shalt  }
0x3e: {  	_ =	shalt  }
0x3f: {  	_ =	shalt  }
0x40: {  	_ =	shalt  }
0x41: {  	_ =	shalt  }
0x42: {  	_ =	shalt  }
0x43: {  	_ =	shalt  }
0x44: {  	_ =	shalt  }
0x45: {  	_ =	shalt  }
0x46: {  	_ =	shalt  }
0x47: {  	_ =	shalt  }
0x48: {  	_ =	shalt  }
0x49: {  	_ =	shalt  }
0x4a: {  	_ =	shalt  }
0x4b: {  	_ =	shalt  }
0x4c: {  	_ =	shalt  }
0x4d: {  	_ =	shalt  }
0x4e: {  	_ =	shalt  }
0x4f: {  	_ =	shalt  }
0x50: {  	_ =	shalt  }
0x51: {  	_ =	shalt  }
0x52: {  	_ =	shalt  }
0x53: {  	_ =	shalt  }
0x54: {  	_ =	shalt  }
0x55: {  	_ =	shalt  }
0x56: {  	_ =	shalt  }
0x57: {  	_ =	shalt  }
0x58: {  	_ =	shalt  }
0x59: {  	_ =	shalt  }
0x5a: {  	_ =	shalt  }
0x5b: {  	_ =	shalt  }
0x5c: {  	_ =	shalt  }
0x5d: {  	_ =	shalt  }
0x5e: {  	_ =	shalt  }
0x5f: {  	_ =	shalt  }
0x60: {  	_ =	shalt  }
0x61: {  	_ =	shalt  }
0x62: {  	_ =	shalt  }
0x63: {  	_ =	shalt  }
0x64: {  	_ =	shalt  }
0x65: {  	_ =	shalt  }
0x66: {  	_ =	shalt  }
0x67: {  	_ =	shalt  }
0x68: {  	_ =	shalt  }
0x69: {  	_ =	shalt  }
0x6a: {  	_ =	shalt  }
0x6b: {  	_ =	shalt  }
0x6c: {  	_ =	shalt  }
0x6d: {  	_ =	shalt  }
0x6e: {  	_ =	shalt  }
0x6f: {  	_ =	shalt  }
0x70: {  	_ =	shalt  }
0x71: {  	_ =	shalt  }
0x72: {  	_ =	shalt  }
0x73: {  	_ =	shalt  }
0x74: {  	_ =	shalt  }
0x75: {  	_ =	shalt  }
0x76: {  	_ =	shalt  }
0x77: {  	_ =	shalt  }
0x78: {  	_ =	shalt  }
0x79: {  	_ =	shalt  }
0x7a: {  	_ =	shalt  }
0x7b: {  	_ =	shalt  }
0x7c: {  	_ =	shalt  }
0x7d: {  	_ =	shalt  }
0x7e: {  	_ =	shalt  }
0x7f: {  	_ =	shalt  }
0x80: {  	_ =	shalt  }
0x81: {  	_ =	shalt  }
0x82: {  	_ =	shalt  }
0x83: {  	_ =	shalt  }
0x84: {  	_ =	shalt  }
0x85: {  	_ =	shalt  }
0x86: {  	_ =	shalt  }
0x87: {  	_ =	shalt  }
.Lfunc_end0:
.L_simem_size_0:
called_computation.2_lowered:
.L_overlay_start_0:
0x88: {  	s2 =	sld [smem:$0x3FD9]  }
0x89: {  	s3 =	sld [smem:$0x3FFE];
	_ =	sdelay $0x1  }
0x8a: {  	s1 =	srdreg.scid  }
0x8b: {  	s0 =	sand.u32 $0x1, s1  }
0x8c: {  	s17 =	sshll.u32 s0, $0xA;
	s2 =	sadd.s32 s3, s2  }
0x8d: {  	s2 =	sadd.s32 s2, s17  }
0x8e: {  	[smem:$0x3FBD] =	sst s2  }
0x8f: {  	_ = 	snop  }
0x90: {  	s2 =	sld [smem:$0x3FD0];
	(tm) =	ssettm $0x1  }
0x91: {  	s18 =	sld [smem:$0x3FFB];
	_ =	sdelay $0x3  }
0x92: {  	_ =	strace s18  }
0x93: {  	s3 =	sld [smem:$0x3FFC];
	_ =	sdelay $0x3  }
0x94: {  	_ =	strace s3  }
0x95: {  	s3 =	sld [smem:$0x3FFD];
	_ =	sdelay $0x3  }
0x96: {  	_ =	strace s3  }
0x97: {  	_ =	strace $0x8FFFFFFF  }
0x98: {  	s19 =	sld [smem:$0x3FDB];
	_ =	sdelay $0x1  }
0x99: {  	s4 =	simm.s32 $_scs_section_size  }
0x9a: {  	s5 =	simm.s32 $_size__tile_overlayer_lowered;
	s6 =	simm.s32 $_tile_overlayer_lowered  }
0x9b: {  	s22 =	simm.s32 $0x1BFF;
	s21 =	sshll.u32 s6, $0x1;
	s3 =	sadd.s32 s4, s19  }
0x9c: {  	s7 =	simm.s32 $0x0;
	s20 =	sshll.u32 s5, $0x1;
	s5 =	sadd.s32 s21, s3  }
0x9d: {  	[timem:s7], [sflag:s22] =	dma.local [hbm:s5], s20  }
0x9e: {  	_ =	swait.ge [sflag:s22], s20  }
0x9f: {  	s4 =	ssub.s32 $0x0, s20;
	[sflag:s22] =	ssyncset.done $0x0  }
0xa0: {  	[sflag:s22] =	ssyncadd.s32 s4;
	_ =	sdelay $0x1  }
0xa1: {  	s23 =	simm.s32 $0x1B8B  }
0xa2: {  	_ =	swait.ge [sflag:s23], $0x1  }
0xa3: {  	[sflag:s23] =	ssyncset.done $0x0  }
0xa4: {  	s25 =	simm.s32 $0x1B8E;
	s24 =	sld [smem:$0x3FFE];
	[sflag:s23] =	ssyncadd.s32 $0xFFFFFFFF  }
0xa5: {  	s26 =	simm.s32 $execute0_lowered;
	[smem:$0x3FD2] =	sst s25  }
0xa6: {  	s5 =	sshll.u32 s26, $0x1;
	_ =	strace $0x8000004C;
	[dreg:$0x1] =	wrdreg $0xFFFFFFFF  }
0xa7: {  	s28 =	simm.s32 $_size_execute0_lowered;
	s3 =	sadd.s32 s3, s5;
	[dreg:$0x0] =	wrdreg $0x0  }
0xa8: {  	s5 =	sshll.u32 s28, $0x1;
	[dreg:$0x2] =	wrdreg s3  }
0xa9: {  	[dreg:$0x3] =	wrdreg s5  }
0xaa: {  	[dreg:$0x4] =	wrdreg $0xC0  }
0xab: {  	_ =	task [dreg:s7], $0x5FFFF  }
0xac: {  	[dreg:$0x1] =	wrdreg $0xFFFFFFFF  }
0xad: {  	[dreg:$0x0] =	wrdreg $0x60  }
0xae: {  	[dreg:$0x2] =	wrdreg s24  }
0xaf: {  	[dreg:$0x3] =	wrdreg s2  }
0xb0: {  	[dreg:$0x4] =	wrdreg $0x0  }
0xb1: {  	[dreg:$0x5] =	wrdreg $0x9  }
0xb2: {  	_ =	task.clear_ibuf [dreg:s7], $0x6FFFF;
	_ =	strace $0x9000004C  }
0xb3: {  	s29 =	simm.s32 $0x9;
	_ =	strace $0x8000004E  }
0xb4: {  	_ =	swait.ge [sflag:s29], $0x1  }
0xb5: {  	[sflag:s29] =	ssyncadd.s32 $0xFFFFFFFF  }
0xb6: {  	_ =	strace $0x9000004E  }
0xb7: {  	_ =	sfence  }
0xb8: {  	s30 =	sld [smem:$0x0];
	_ =	sdelay $0x2  }
0xb9: {  	s31 =	sshll.u32 s1, $0xD;
	s1 =	sshrl.u32 s1, $0x2  }
0xba: {  	s3 =	sand.u32 $0x4000, s31;
	s1 =	sadd.s32 s1, s30  }
0xbb: {  	s0 =	sor.u32 s3, s0;
	s1 =	sshll.u32 s1, $0x11  }
0xbc: {  	s0 =	sor.u32 s1, s0  }
0xbd: {  	s0 =	sadd.s32 $0x8F2B, s0  }
0xbe: {  	[sflag:s0] =	ssyncadd.remote.s32 $0x1  }
0xbf: {  	_ =	sfence.sel $0xFFFF  }
0xc0: {  	[dreg:$0x0] =	wrdreg $0xFFFFFFFF;
	(pc) =	sbr.abs _section_cstart, $3  }
0xc1: {  	[dreg:$0x1] =	wrdreg $0xFFFFFFFF  }
0xc2: {  	_ =	task.clear_ibuf [dreg:s7], $0x2FFFF;
	_ =	strace $0x9FFFFFFF  }
0xc3: {  	(tm) =	ssettm $0x7FFFFFFF  }
tec
execute0_lowered:
.L_overlay_start_1:
0x0: {  	(tag) =	ssettag $0x1  }
0x1: {  	s0 =	rddreg [dreg:$0x0]  }
0x2: {  	s1 =	rddreg [dreg:$0x1]  }
0x3: {  	s2 =	rddreg [dreg:$0x2];
	s3 =	simm.s32 $0x0;
	s6 =	stileid.u32  }
0x4: {  	s8 =	srdreg.scid;
	s28 =	simm.s32 $0x13A80;
	s29 =	simm.s32 $0x13980  }
0x5: {  	s30 =	simm.s32 $0x13A00;
	s31 =	simm.s32 $0x17A80;
	[smem:$0x7FF] =	sst s3  }
0x6: {  	s7 =	smul.u32 $0x13800, s6;
	s4 =	sadd.s32 $0x34200, s0;
	s5 =	sadd.s32 $0x2C00, s0  }
0x7: {  	s10 =	sand.u32 $0x1, s8;
	s11 =	smul.u32 $0x4E000, s6;
	s12 =	sadd.s32 $0x5B400, s0  }
0x8: {  	s22 =	sshll.u32 s6, $0x6;
	s23 =	sadd.s32 $0x138000, s2;
	s16 =	smul.u32 $0x2710, s6  }
0x9: {  	p0 =	sne.s32 s6, $0x0;
	_ =	strace $0x8000004D;
	s20 =	ssub.s32 $0x2, s10  }
0xa: {  	s14 =	sshll.u32 s10, $0x4;
	[dreg:$0x6] =	wrdreg s23;
	s25 =	smul.u32 $0x138800, s10  }
0xb: {  	s10 =	smul.u32 $0x27100, s10;
	s9 =	sshrl.u32 s7, $0x3;
	s13 =	sshrl.u32 s20, $0x1  }
0xc: {  	s11 =	sshrl.u32 s11, $0x2;
	s21 =	sor.u32 s6, s14;
	s6 =	simm.s32 $0x2  }
0xd: {  	s19 =	sadd.s32 s9, s0;
	s9 =	ssub.s32 s20, s13;
	s11 =	sadd.s32 s11, s2  }
0xe: {  	s13 =	smul.u32 $0x2710, s21;
	s0 =	sadd.s32 $0x33A00, s0;
	s18 =	sadd.s32 s7, s25  }
0xf: {  	s7 =	simm.s32 $0x1BA80;
	[dreg:$0x4] =	wrdreg s11;
	s8 =	sadd.s32 $0xCA00, s19  }
0x10: {  	[dreg:$0x7] =	wrdreg s0;
	s19 =	sadd.s32 s16, s10;
	s10 =	simm.s32 $0x10  }
0x11: {  	s11 =	simm.s32 $0x1BB80;
	[dreg:$0x5] =	wrdreg s8;
	s8 =	sor.u32 $0x1C03, s22  }
0x12: {  	s24 =	sshrl.u32 s13, $0x3;
	s22 =	sshrl.u32 s25, $0x3;
	s23 =	sadd.s32 $0x180, s19  }
0x13: {  	s13 =	sadd.s32 s5, s24;
	s26 =	sadd.s32 s1, s24;
	s14 =	sadd.s32 $0x10, s24  }
0x14: {  	s0 =	sadd.s32 $0x4E0, s24;
	s24 =	sadd.s32 s12, s22;
	s25 =	sshrl.u32 s23, $0x3  }
0x15: {  	s22 =	sadd.s32 $0x100, s19;
	s23 =	simm.s32 $0x3;
	[dreg:$0x8] =	wrdreg s13  }
0x16: {  	[dreg:$0x9] =	wrdreg s26;
	s15 =	sadd.s32 s5, s14;
	s13 =	sadd.s32 s1, s14  }
0x17: {  	s17 =	sadd.s32 s5, s0;
	s0 =	sadd.s32 s1, s0;
	[dreg:$0xa] =	wrdreg s15  }
0x18: {  	s26 =	smax.u32 s9, $0x1;
	s20 =	sadd.s32 s25, s1;
	[dreg:$0xb] =	wrdreg s13  }
0x19: {  	s21 =	sadd.s32 s25, s5;
	s25 =	simm.s32 $0x13900;
	[dreg:$0xc] =	wrdreg s17  }
0x1a: {  	s9 =	simm.s32 $0x1BB00;
	[dreg:$0xd] =	wrdreg s0;
	s0 =	sshrl.u32 s18, $0x3  }
0x1b: {  	[dreg:$0x10] =	wrdreg s26;
	s26 =	simm.s32 $0x80;
	s0 =	sadd.s32 s12, s0  }
0x1c: {  	s12 =	simm.s32 $0x0;
	[dreg:$0xe] =	wrdreg s0;
	s0 =	sadd.s32 $0x27000, s24  }
0x1d: {  	s24 =	simm.s32 $0x13880;
	[dreg:$0xf] =	wrdreg s0;
	s0 =	simm.s32 $0x1  }
.LBB2_1:
0x1e: {  	s13 =	rddreg [dreg:$0x4]  }
0x1f: {  	s14 =	rddreg [dreg:$0x5];
	s13 =	sshrl.u32 s13, $0x3  }
0x20: {  	[spmem:s13], [sflag:s8] =	dma.local [hbm:s14], $0x2700  }
0x21: {  	_ =	swait.ge [sflag:s23], $0x2700  }
0x22: {  	[sflag:s23] =	ssyncset.done $0x0;
	s14 =	rddreg [dreg:$0x6]  }
0x23: {  	s15 =	rddreg [dreg:$0x7];
	[sflag:s23] =	ssyncadd.s32 $0xFFFFD900;
	s14 =	sshrl.u32 @!p0 s14, $0x3  }
0x24: {  	[spmem:s14], [sflag:s8] =	dma.local @!p0 [hbm:s15], $0x100  }
0x25: {  	s15 =	simm.s32 @!p0 $0x3  }
0x26: {  	_ =	swait.ge @!p0 [sflag:s15], $0x100  }
0x27: {  	[sflag:s15] =	ssyncset.done @!p0 $0x0  }
0x28: {  	[sflag:s15] =	ssyncadd.s32 @!p0 $0xFFFFFF00  }
0x29: {  	[bflag:$0x0] =	sbarrier.arrive $0xFFFF  }
0x2a: {  	s17 =	rddreg [dreg:$0x8]  }
0x2b: {  	[tilespmem:s24], [sflag:$0x3] =	stream.linear.gather [hbm4b:s17+s3], $0x80, $0x38;
	[tilespmem:$0x1C380] =	vst v63  }
0x2c: {  	_ =	swait.ge [sflag:s23], $0x80  }
0x2d: {  	[sflag:s23] =	ssyncset.done $0x0  }
0x2e: {  	s18 =	rddreg [dreg:$0x9];
	[sflag:s23] =	ssyncadd.s32 $0xFFFFFF80  }
0x2f: {  	[tilespmem:s25], [sflag:$0x3] =	stream.linear.gather [hbm4b:s18+s3], $0x80, $0x38;
	[tilespmem:$0x1C380] =	vst v63  }
0x30: {  	_ =	swait.ge [sflag:s23], $0x80  }
0x31: {  	[sflag:s23] =	ssyncset.done $0x0  }
0x32: {  	[sflag:s23] =	ssyncadd.s32 $0xFFFFFF80  }
0x33: {  	[tilespmem:s28], [sflag:$0x1] =	stream.indirect.gather [hbm4b:s4+s26], $0x80, s24, s26, $0xb8;
	[tilespmem:$0x1C380] =	vst v63  }
0x34: {  	s19 =	rddreg [dreg:$0xa]  }
0x35: {  	[tilespmem:s29], [sflag:$0x3] =	stream.linear.gather [hbm4b:s19+s3], $0x80, $0x38;
	[tilespmem:$0x1C380] =	vst v63  }
0x36: {  	_ =	swait.ge [sflag:s23], $0x80  }
0x37: {  	[sflag:s23] =	ssyncset.done $0x0  }
0x38: {  	s16 =	rddreg [dreg:$0xb];
	[sflag:s23] =	ssyncadd.s32 $0xFFFFFF80  }
0x39: {  	[tilespmem:s30], [sflag:$0x3] =	stream.linear.gather [hbm4b:s16+s3], $0x80, $0x38;
	[tilespmem:$0x1C380] =	vst v63  }
0x3a: {  	_ =	swait.ge [sflag:s23], $0x80  }
0x3b: {  	[sflag:s23] =	ssyncset.done $0x0  }
0x3c: {  	[sflag:s23] =	ssyncadd.s32 $0xFFFFFF80  }
0x3d: {  	[tilespmem:s31], [sflag:$0x2] =	stream.indirect.gather [hbm4b:s4+s26], $0x80, s29, s26, $0xb8;
	[tilespmem:$0x1C380] =	vst v63  }
0x3e: {  	_ =	swait.ge [sflag:s0], $0x4000  }
0x3f: {  	[sflag:s0] =	ssyncset.done $0x0  }
0x40: {  	[sflag:s0] =	ssyncadd.s32 $0xFFFFC000  }
0x41: {  	[spmem:s2] =	stream.indirect.scatter.add.f32 [tilespmem:s28], [sflag:$0x3], $0x80, s25, s26, $0xb8;
	[tilespmem:$0x1C380] =	vst v63  }
0x42: {  	_ =	swait.ge [sflag:s23], $0x4000  }
0x43: {  	s17 =	sshrl.u32 s22, $0x3;
	[sflag:s23] =	ssyncset.done $0x0  }
0x44: {  	s16 =	sadd.s32 s5, s17;
	[sflag:s23] =	ssyncadd.s32 $0xFFFFC000  }
0x45: {  	[tilespmem:s24], [sflag:$0x3] =	stream.linear.gather [hbm4b:s16+s3], $0x80, $0x38;
	[tilespmem:$0x1C380] =	vst v63  }
0x46: {  	_ =	swait.ge [sflag:s23], $0x80  }
0x47: {  	[sflag:s23] =	ssyncset.done $0x0  }
0x48: {  	s15 =	sadd.s32 s1, s17;
	[sflag:s23] =	ssyncadd.s32 $0xFFFFFF80  }
0x49: {  	[tilespmem:s25], [sflag:$0x3] =	stream.linear.gather [hbm4b:s15+s3], $0x80, $0x38;
	[tilespmem:$0x1C380] =	vst v63  }
0x4a: {  	_ =	swait.ge [sflag:s23], $0x80  }
0x4b: {  	[sflag:s23] =	ssyncset.done $0x0  }
0x4c: {  	[sflag:s23] =	ssyncadd.s32 $0xFFFFFF80  }
0x4d: {  	[tilespmem:s28], [sflag:$0x1] =	stream.indirect.gather [hbm4b:s4+s26], $0x80, s24, s26, $0xb8;
	[tilespmem:$0x1C380] =	vst v63  }
0x4e: {  	_ =	swait.ge [sflag:s6], $0x4000  }
0x4f: {  	[sflag:s6] =	ssyncset.done $0x0  }
0x50: {  	[sflag:s6] =	ssyncadd.s32 $0xFFFFC000  }
0x51: {  	[spmem:s2] =	stream.indirect.scatter.add.f32 [tilespmem:s31], [sflag:$0x3], $0x80, s30, s26, $0xb8;
	[tilespmem:$0x1C380] =	vst v63  }
0x52: {  	_ =	swait.ge [sflag:s23], $0x4000  }
0x53: {  	[sflag:s23] =	ssyncset.done $0x0  }
0x54: {  	s18 =	sadd.s32 $0x0, s21;
	[sflag:s23] =	ssyncadd.s32 $0xFFFFC000  }
0x55: {  	[tilespmem:s29], [sflag:$0x3] =	stream.linear.gather [hbm4b:s18+s3], $0x80, $0x38;
	[tilespmem:$0x1C380] =	vst v63  }
0x56: {  	_ =	swait.ge [sflag:s23], $0x80  }
0x57: {  	[sflag:s23] =	ssyncset.done $0x0  }
0x58: {  	s19 =	sadd.s32 $0x0, s20;
	[sflag:s23] =	ssyncadd.s32 $0xFFFFFF80  }
0x59: {  	[tilespmem:s30], [sflag:$0x3] =	stream.linear.gather [hbm4b:s19+s3], $0x80, $0x38;
	[tilespmem:$0x1C380] =	vst v63  }
0x5a: {  	_ =	swait.ge [sflag:s23], $0x80  }
0x5b: {  	[sflag:s23] =	ssyncset.done $0x0  }
0x5c: {  	s16 =	sadd.s32 $0x100, s22;
	s15 =	simm.s32 $0x20;
	[sflag:s23] =	ssyncadd.s32 $0xFFFFFF80  }
.LBB2_2:
0x5d: {  	[tilespmem:s31], [sflag:$0x2] =	stream.indirect.gather [hbm4b:s4+s26], $0x80, s29, s26, $0xb8;
	[tilespmem:$0x1C380] =	vst v63  }
0x5e: {  	s17 =	smov.u32 s15  }
0x5f: {  	p1 =	sne.s32 s15, $0x4A0;
	s15 =	sadd.s32 $0x20, s15;
	_ =	swait.ge [sflag:s0], $0x4000  }
0x60: {  	[sflag:s0] =	ssyncset.done $0x0  }
0x61: {  	[sflag:s0] =	ssyncadd.s32 $0xFFFFC000  }
0x62: {  	[spmem:s2] =	stream.indirect.scatter.add.f32 [tilespmem:s28], [sflag:$0x3], $0x80, s25, s26, $0xb8;
	[tilespmem:$0x1C380] =	vst v63  }
0x63: {  	_ =	swait.ge [sflag:s23], $0x4000  }
0x64: {  	s18 =	sshrl.u32 s16, $0x3;
	[sflag:s23] =	ssyncset.done $0x0  }
0x65: {  	s19 =	sadd.s32 s5, s18;
	[sflag:s23] =	ssyncadd.s32 $0xFFFFC000  }
0x66: {  	[tilespmem:s24], [sflag:$0x3] =	stream.linear.gather [hbm4b:s19+s3], $0x80, $0x38;
	[tilespmem:$0x1C380] =	vst v63  }
0x67: {  	_ =	swait.ge [sflag:s23], $0x80  }
0x68: {  	[sflag:s23] =	ssyncset.done $0x0  }
0x69: {  	s18 =	sadd.s32 s1, s18;
	[sflag:s23] =	ssyncadd.s32 $0xFFFFFF80  }
0x6a: {  	[tilespmem:s25], [sflag:$0x3] =	stream.linear.gather [hbm4b:s18+s3], $0x80, $0x38;
	[tilespmem:$0x1C380] =	vst v63  }
0x6b: {  	_ =	swait.ge [sflag:s23], $0x80  }
0x6c: {  	[sflag:s23] =	ssyncset.done $0x0  }
0x6d: {  	[sflag:s23] =	ssyncadd.s32 $0xFFFFFF80  }
0x6e: {  	[tilespmem:s28], [sflag:$0x1] =	stream.indirect.gather [hbm4b:s4+s26], $0x80, s24, s26, $0xb8;
	[tilespmem:$0x1C380] =	vst v63  }
0x6f: {  	_ =	swait.ge [sflag:s6], $0x4000  }
0x70: {  	[sflag:s6] =	ssyncset.done $0x0  }
0x71: {  	[sflag:s6] =	ssyncadd.s32 $0xFFFFC000  }
0x72: {  	[spmem:s2] =	stream.indirect.scatter.add.f32 [tilespmem:s31], [sflag:$0x3], $0x80, s30, s26, $0xb8;
	[tilespmem:$0x1C380] =	vst v63  }
0x73: {  	_ =	swait.ge [sflag:s23], $0x4000  }
0x74: {  	[sflag:s23] =	ssyncset.done $0x0  }
0x75: {  	s18 =	sadd.s32 s17, s21;
	[sflag:s23] =	ssyncadd.s32 $0xFFFFC000  }
0x76: {  	[tilespmem:s29], [sflag:$0x3] =	stream.linear.gather [hbm4b:s18+s3], $0x80, $0x38;
	[tilespmem:$0x1C380] =	vst v63  }
0x77: {  	_ =	swait.ge [sflag:s23], $0x80  }
0x78: {  	[sflag:s23] =	ssyncset.done $0x0  }
.Ltmp0:
0x79: {  	s17 =	sadd.s32 s17, s20;
	[sflag:s23] =	ssyncadd.s32 $0xFFFFFF80;
	(pc) =	sbr.rel @p1 .LBB2_2-.Ltmp0, $4  }
0x7a: {  	[tilespmem:s30], [sflag:$0x3] =	stream.linear.gather [hbm4b:s17+s3], $0x80, $0x38;
	[tilespmem:$0x1C380] =	vst v63  }
0x7b: {  	_ =	swait.ge [sflag:s23], $0x80  }
0x7c: {  	[sflag:s23] =	ssyncset.done $0x0  }
0x7d: {  	s16 =	sadd.s32 $0x100, s16;
	[sflag:s23] =	ssyncadd.s32 $0xFFFFFF80  }
0x7e: {  	[tilespmem:s31], [sflag:$0x2] =	stream.indirect.gather [hbm4b:s4+s26], $0x80, s29, s26, $0xb8;
	[tilespmem:$0x1C380] =	vst v63  }
0x7f: {  	_ =	swait.ge [sflag:s0], $0x4000  }
0x80: {  	[sflag:s0] =	ssyncset.done $0x0  }
0x81: {  	[sflag:s0] =	ssyncadd.s32 $0xFFFFC000  }
0x82: {  	[spmem:s2] =	stream.indirect.scatter.add.f32 [tilespmem:s28], [sflag:$0x3], $0x80, s25, s26, $0xb8;
	[tilespmem:$0x1C380] =	vst v63  }
0x83: {  	_ =	swait.ge [sflag:s23], $0x4000  }
0x84: {  	[sflag:s23] =	ssyncset.done $0x0  }
0x85: {  	[sflag:s23] =	ssyncadd.s32 $0xFFFFC000  }
0x86: {  	_ =	swait.ge [sflag:s6], $0x4000  }
0x87: {  	[sflag:s6] =	ssyncset.done $0x0  }
0x88: {  	[sflag:s6] =	ssyncadd.s32 $0xFFFFC000  }
0x89: {  	[spmem:s2] =	stream.indirect.scatter.add.f32 [tilespmem:s31], [sflag:$0x3], $0x80, s30, s26, $0xb8;
	[tilespmem:$0x1C380] =	vst v63  }
0x8a: {  	_ =	swait.ge [sflag:s23], $0x4000  }
0x8b: {  	[sflag:s23] =	ssyncset.done $0x0  }
0x8c: {  	s15 =	rddreg [dreg:$0xc];
	[sflag:s23] =	ssyncadd.s32 $0xFFFFC000  }
0x8d: {  	[tilespmem:s7], [sflag:$0x3] =	stream.linear.gather [hbm4b:s15+s3], $0x10, $0x38;
	[tilespmem:$0x1C380] =	vst v63  }
0x8e: {  	_ =	swait.ge [sflag:s23], $0x10  }
0x8f: {  	[sflag:s23] =	ssyncset.done $0x0  }
0x90: {  	s17 =	rddreg [dreg:$0xd];
	[sflag:s23] =	ssyncadd.s32 $0xFFFFFFF0  }
0x91: {  	[tilespmem:s9], [sflag:$0x3] =	stream.linear.gather [hbm4b:s17+s3], $0x10, $0x38;
	[tilespmem:$0x1C380] =	vst v63  }
0x92: {  	_ =	swait.ge [sflag:s23], $0x10  }
0x93: {  	[sflag:s23] =	ssyncset.done $0x0  }
0x94: {  	[sflag:s23] =	ssyncadd.s32 $0xFFFFFFF0  }
0x95: {  	[tilespmem:s11], [sflag:$0x1] =	stream.indirect.gather [hbm4b:s4+s10], $0x80, s7, s10, $0xb8;
	[tilespmem:$0x1C380] =	vst v63  }
0x96: {  	_ =	swait.ge [sflag:s0], $0x800  }
0x97: {  	[sflag:s0] =	ssyncset.done $0x0  }
0x98: {  	[sflag:s0] =	ssyncadd.s32 $0xFFFFF800  }
0x99: {  	[spmem:s2] =	stream.indirect.scatter.add.f32 [tilespmem:s11], [sflag:$0x3], $0x80, s9, s10, $0xb8;
	[tilespmem:$0x1C380] =	vst v63  }
0x9a: {  	_ =	swait.ge [sflag:s23], $0x800  }
0x9b: {  	[sflag:s23] =	ssyncset.done $0x0  }
0x9c: {  	[sflag:s23] =	ssyncadd.s32 $0xFFFFF800  }
0x9d: {  	[bflag:$0x0] =	sbarrier.arrive $0xFFFF  }
0x9e: {  	s18 =	rddreg [dreg:$0xe]  }
0x9f: {  	[hbm:s18], [sflag:s8] =	dma.local [spmem:s13], $0x2700  }
0xa0: {  	_ =	swait.ge [sflag:s23], $0x2700  }
0xa1: {  	[sflag:s23] =	ssyncset.done $0x0  }
0xa2: {  	s13 =	rddreg [dreg:$0xf];
	[sflag:s23] =	ssyncadd.s32 $0xFFFFD900  }
0xa3: {  	[hbm:s13], [sflag:s8] =	dma.local @!p0 [spmem:s14], $0x100  }
0xa4: {  	s13 =	simm.s32 @!p0 $0x3  }
0xa5: {  	_ =	swait.ge @!p0 [sflag:s13], $0x100  }
0xa6: {  	s12 =	sadd.s32 $0x1, s12;
	s19 =	rddreg [dreg:$0x10]  }
0xa7: {  	p1 =	sne.s32 s12, s19  }
.Ltmp1:
0xa8: {  	_ = 	snop;
	(pc) =	sbr.rel @p1 .LBB2_1-.Ltmp1, $3  }
0xa9: {  	_ =	sdelay $0x1  }
0xaa: {  	[sflag:s13] =	ssyncset.done @!p0 $0x0  }
0xab: {  	[sflag:s13] =	ssyncadd.s32 @!p0 $0xFFFFFF00  }
0xac: {  	_ =	sfence.sel $0x180000  }
0xad: {  	[bflag:$0x0] =	sbarrier.arrive $0xFFFF  }
0xae: {  	_ =	strace $0x9000004D  }
0xaf: {  	[bflag:$0x2] =	sbarrier.arrive $0xFFFF  }
0xb0: {  	s0 =	rddreg [dreg:$0x3]  }
0xb1: {  	s0 =	sadd.s32 @!p0 $0x100000, s0  }
0xb2: {  	[sflag:s0] =	ssyncadd.tile.s32 @!p0 $0x1;
	_ =	shalt  }
.Lfunc_end2:
_tile_overlayer_lowered:
.L_overlay_start_2:
0xb3: {  	(tag) =	ssettag $0x2  }
0xb4: {  	s0 =	rddreg [dreg:$0x0];
	s2 =	stileid.u32  }
0xb5: {  	s1 =	rddreg [dreg:$0x1];
	p0 =	sne.s32 s2, $0x0  }
0xb6: {  	s3 =	rddreg [dreg:$0x2];
	[bflag:$0x3] =	sbarrier.arrive $0xFFFF;
	s2 =	simm.s32 @!p0 $0x1C03  }
0xb7: {  	[timem:s3], [sflag:s2] =	dma.local @!p0 [hbm:s0], s1  }
0xb8: {  	s0 =	simm.s32 @!p0 $0x3  }
0xb9: {  	_ =	swait.ge @!p0 [sflag:s0], s1  }
0xba: {  	s1 =	ssub.s32 @!p0 $0x0, s1;
	[sflag:s0] =	ssyncset.done @!p0 $0x0  }
0xbb: {  	[sflag:s0] =	ssyncadd.s32 @!p0 s1  }
0xbc: {  	[bflag:$0x3] =	sbarrier.arrive $0xFFFF  }
0xbd: {  	_ =	shalt  }

// kernel: kernel.19.cloned.1.call-start
scs
__scs_entry_jumppad:
0x0: {  	(pc) =	sbr.rel $0x88, $3  }
0x1: {  	(tag) =	ssettag $0x0;
	lr =	simm.s32 $0x1  }
0x2: {  	[smem:$0x3F96] =	sst lr;
	_ =	strace $0xD0000000  }
0x3: {  	_ = 	snop  }
0x4: {  	_ = 	snop  }
0x5: {  	_ = 	snop  }
0x6: {  	_ = 	snop  }
0x7: {  	_ = 	snop  }
__scs_overlays_trampoline_lowered:
0x8: {  	[smem:$0x3FA5] =	sst s0  }
0x9: {  	[smem:$0x3FA6] =	sst s1  }
0xa: {  	[smem:$0x3FA7] =	sst s2  }
0xb: {  	[smem:$0x3FA8] =	sst s3  }
0xc: {  	[smem:$0x3FA9] =	sst s4  }
0xd: {  	[smem:$0x3FAA] =	sst s5  }
0xe: {  	[smem:$0x3FAB] =	sst s6  }
0xf: {  	[smem:$0x3FAC] =	sst s7  }
0x10: {  	[smem:$0x3FAD] =	sst s8  }
0x11: {  	[smem:$0x3FAE] =	sst s9;
	s0 =	simm.s32 @!p0 $0x0  }
0x12: {  	s1 =	sld [smem:$0x3F94];
	s0 =	simm.s32 @p0 $0x1  }
0x13: {  	[smem:$0x3FAF] =	sst s0;
	s0 =	simm.s32 @!p1 $0x0  }
0x14: {  	s2 =	sld [smem:$0x3F93];
	s0 =	simm.s32 @p1 $0x1  }
0x15: {  	[smem:$0x3FB0] =	sst s0;
	s0 =	simm.s32 @!p2 $0x0  }
0x16: {  	s3 =	sld [smem:$0x3FDB];
	s0 =	simm.s32 @p2 $0x1  }
0x17: {  	s4 =	simm.s32 $0x1BF5;
	[smem:$0x3FB2] =	sst s0  }
0x18: {  	s0 =	sld [smem:$0x3F95];
	_ =	swait.ge [sflag:s4], $0x0  }
0x19: {  	s7 =	sld [smem:$0x3F96]  }
0x1a: {  	s8 =	sadd.s32 $0xFFFFE003, lr  }
0x1b: {  	s9 =	sadd.s32 $0xFFFFFEF7, lr;
	s5 =	simm.s32 $0xFFFFFFFF;
	p2 =	slt.u32 s8, $0xFFFFF086  }
0x1c: {  	p1 =	slt.u32 s9, $0xF7A;
	s5 =	simm.s32 @!p2 $0x0  }
0x1d: {  	s5 =	simm.s32 @p1 $0x1;
	p0 =	seq.s32 s7, s2  }
0x1e: {  	s7 =	smul.u32 @!p0 $0xF7A, s2;
	p2 =	seq.s32 @!p0 s5, $0x0  }
0x1f: {  	s9 =	smul.u32 $0xF7A, s1;
	s8 =	simm.s32 @!p0 $0x1BF5;
	p2 =	por !p2, p0  }
0x20: {  	[sflag:s8] =	ssyncset.s32 @!p0 $0xFFFFF086;
	s6 =	sadd.s32 @!p0 s3, s7;
	s7 =	simm.s32 @!p0 $0x108  }
0x21: {  	s3 =	sadd.s32 s3, s9;
	s6 =	sadd.s32 @!p0 $0x88, s6;
	s7 =	simm.s32 @p2 $0x1082  }
0x22: {  	[simem:s7], [sflag:s8] =	dma.local @!p0 [hbm:s6], $0xF7A  }
0x23: {  	s9 =	sor.u32 $0xD0000000, s2;
	s6 =	simm.s32 $0x108;
	_ =	swait.ge @!p0 [sflag:s8], $0x0  }
0x24: {  	s3 =	sadd.s32 $0x88, s3;
	s6 =	simm.s32 @!p1 $0x1082;
	[sflag:s4] =	ssyncset.s32 $0xFFFFF086  }
0x25: {  	[simem:s6], [sflag:s4] =	dma.local [hbm:s3], $0xF7A  }
0x26: {  	[smem:$0x3F96] =	sst s1;
	(tag) =	ssettag s2;
	_ =	strace s9  }
0x27: {  	s1 =	sld [smem:$0x3FA6]  }
0x28: {  	s2 =	sld [smem:$0x3FA7]  }
0x29: {  	s4 =	sld [smem:$0x3FA9]  }
0x2a: {  	p0 =	seq.s32 s5, $0x0;
	s5 =	sld [smem:$0x3FAA]  }
0x2b: {  	s6 =	sld [smem:$0x3FAB]  }
0x2c: {  	s7 =	sld [smem:$0x3FAC]  }
0x2d: {  	s3 =	simm.s32 $0x108;
	s8 =	sld [smem:$0x3FAD]  }
0x2e: {  	s3 =	simm.s32 @!p0 $0x1082;
	s9 =	sld [smem:$0x3FAE]  }
0x2f: {  	lr =	sadd.s32 s0, s3;
	s0 =	sld [smem:$0x3FA5]  }
0x30: {  	s3 =	sld [smem:$0x3FA8]  }
0x31: {  	[smem:$0x3FB1] =	sst s10  }
0x32: {  	s10 =	sld [smem:$0x3FAF];
	_ =	sdelay $0x3  }
0x33: {  	p0 =	seq.s32 s10, $0x1;
	s10 =	sld [smem:$0x3FB1];
	_ =	sdelay $0x3  }
0x34: {  	[smem:$0x3FB1] =	sst s10  }
0x35: {  	s10 =	sld [smem:$0x3FB0];
	_ =	sdelay $0x3  }
0x36: {  	p1 =	seq.s32 s10, $0x1;
	s10 =	sld [smem:$0x3FB1];
	_ =	sdelay $0x3  }
0x37: {  	[smem:$0x3FB1] =	sst s10  }
0x38: {  	s10 =	sld [smem:$0x3FB2]  }
0x39: {  	_ = 	snop;
	(pc) =	sbr.ind lr, $3  }
0x3a: {  	_ = 	snop  }
0x3b: {  	_ = 	snop  }
0x3c: {  	p2 =	seq.s32 s10, $0x1;
	s10 =	sld [smem:$0x3FB1]  }
0x3d: {  	_ =	shalt  }
0x3e: {  	_ =	shalt  }
0x3f: {  	_ =	shalt  }
0x40: {  	_ =	shalt  }
0x41: {  	_ =	shalt  }
0x42: {  	_ =	shalt  }
0x43: {  	_ =	shalt  }
0x44: {  	_ =	shalt  }
0x45: {  	_ =	shalt  }
0x46: {  	_ =	shalt  }
0x47: {  	_ =	shalt  }
0x48: {  	_ =	shalt  }
0x49: {  	_ =	shalt  }
0x4a: {  	_ =	shalt  }
0x4b: {  	_ =	shalt  }
0x4c: {  	_ =	shalt  }
0x4d: {  	_ =	shalt  }
0x4e: {  	_ =	shalt  }
0x4f: {  	_ =	shalt  }
0x50: {  	_ =	shalt  }
0x51: {  	_ =	shalt  }
0x52: {  	_ =	shalt  }
0x53: {  	_ =	shalt  }
0x54: {  	_ =	shalt  }
0x55: {  	_ =	shalt  }
0x56: {  	_ =	shalt  }
0x57: {  	_ =	shalt  }
0x58: {  	_ =	shalt  }
0x59: {  	_ =	shalt  }
0x5a: {  	_ =	shalt  }
0x5b: {  	_ =	shalt  }
0x5c: {  	_ =	shalt  }
0x5d: {  	_ =	shalt  }
0x5e: {  	_ =	shalt  }
0x5f: {  	_ =	shalt  }
0x60: {  	_ =	shalt  }
0x61: {  	_ =	shalt  }
0x62: {  	_ =	shalt  }
0x63: {  	_ =	shalt  }
0x64: {  	_ =	shalt  }
0x65: {  	_ =	shalt  }
0x66: {  	_ =	shalt  }
0x67: {  	_ =	shalt  }
0x68: {  	_ =	shalt  }
0x69: {  	_ =	shalt  }
0x6a: {  	_ =	shalt  }
0x6b: {  	_ =	shalt  }
0x6c: {  	_ =	shalt  }
0x6d: {  	_ =	shalt  }
0x6e: {  	_ =	shalt  }
0x6f: {  	_ =	shalt  }
0x70: {  	_ =	shalt  }
0x71: {  	_ =	shalt  }
0x72: {  	_ =	shalt  }
0x73: {  	_ =	shalt  }
0x74: {  	_ =	shalt  }
0x75: {  	_ =	shalt  }
0x76: {  	_ =	shalt  }
0x77: {  	_ =	shalt  }
0x78: {  	_ =	shalt  }
0x79: {  	_ =	shalt  }
0x7a: {  	_ =	shalt  }
0x7b: {  	_ =	shalt  }
0x7c: {  	_ =	shalt  }
0x7d: {  	_ =	shalt  }
0x7e: {  	_ =	shalt  }
0x7f: {  	_ =	shalt  }
0x80: {  	_ =	shalt  }
0x81: {  	_ =	shalt  }
0x82: {  	_ =	shalt  }
0x83: {  	_ =	shalt  }
0x84: {  	_ =	shalt  }
0x85: {  	_ =	shalt  }
0x86: {  	_ =	shalt  }
0x87: {  	_ =	shalt  }
.Lfunc_end0:
.L_simem_size_0:
called_computation.3_lowered:
.L_overlay_start_0:
0x88: {  	s2 =	sld [smem:$0x3FD9]  }
0x89: {  	s3 =	sld [smem:$0x3FFE];
	_ =	sdelay $0x1  }
0x8a: {  	s1 =	srdreg.scid  }
0x8b: {  	s0 =	sand.u32 $0x1, s1  }
0x8c: {  	s17 =	sshll.u32 s0, $0xA;
	s2 =	sadd.s32 s3, s2  }
0x8d: {  	s2 =	sadd.s32 s2, s17  }
0x8e: {  	[smem:$0x3FBD] =	sst s2  }
0x8f: {  	_ = 	snop  }
0x90: {  	s2 =	sld [smem:$0x3FD0];
	(tm) =	ssettm $0x1  }
0x91: {  	s18 =	sld [smem:$0x3FFB];
	_ =	sdelay $0x3  }
0x92: {  	_ =	strace s18  }
0x93: {  	s3 =	sld [smem:$0x3FFC];
	_ =	sdelay $0x3  }
0x94: {  	_ =	strace s3  }
0x95: {  	s3 =	sld [smem:$0x3FFD];
	_ =	sdelay $0x3  }
0x96: {  	_ =	strace s3  }
0x97: {  	_ =	strace $0x8FFFFFFF  }
0x98: {  	s19 =	sld [smem:$0x3FDB];
	_ =	sdelay $0x1  }
0x99: {  	s4 =	simm.s32 $_scs_section_size  }
0x9a: {  	s5 =	simm.s32 $_size__tile_overlayer_lowered;
	s6 =	simm.s32 $_tile_overlayer_lowered  }
0x9b: {  	s22 =	simm.s32 $0x1BFF;
	s21 =	sshll.u32 s6, $0x1;
	s3 =	sadd.s32 s4, s19  }
0x9c: {  	s7 =	simm.s32 $0x0;
	s20 =	sshll.u32 s5, $0x1;
	s5 =	sadd.s32 s21, s3  }
0x9d: {  	[timem:s7], [sflag:s22] =	dma.local [hbm:s5], s20  }
0x9e: {  	_ =	swait.ge [sflag:s22], s20  }
0x9f: {  	s4 =	ssub.s32 $0x0, s20;
	[sflag:s22] =	ssyncset.done $0x0  }
0xa0: {  	[sflag:s22] =	ssyncadd.s32 s4;
	_ =	sdelay $0x1  }
0xa1: {  	s23 =	simm.s32 $0x1B8B  }
0xa2: {  	_ =	swait.ge [sflag:s23], $0x1  }
0xa3: {  	[sflag:s23] =	ssyncset.done $0x0  }
0xa4: {  	s25 =	simm.s32 $0x1B8E;
	s24 =	sld [smem:$0x3FFE];
	[sflag:s23] =	ssyncadd.s32 $0xFFFFFFFF  }
0xa5: {  	s26 =	simm.s32 $execute0_lowered;
	[smem:$0x3FD2] =	sst s25  }
0xa6: {  	s5 =	sshll.u32 s26, $0x1;
	_ =	strace $0x8000004F;
	[dreg:$0x1] =	wrdreg $0xFFFFFFFF  }
0xa7: {  	s28 =	simm.s32 $_size_execute0_lowered;
	s3 =	sadd.s32 s3, s5;
	[dreg:$0x0] =	wrdreg $0x0  }
0xa8: {  	s5 =	sshll.u32 s28, $0x1;
	[dreg:$0x2] =	wrdreg s3  }
0xa9: {  	[dreg:$0x3] =	wrdreg s5  }
0xaa: {  	[dreg:$0x4] =	wrdreg $0xC0  }
0xab: {  	_ =	task [dreg:s7], $0x5FFFF  }
0xac: {  	[dreg:$0x1] =	wrdreg $0xFFFFFFFF  }
0xad: {  	[dreg:$0x0] =	wrdreg $0x60  }
0xae: {  	[dreg:$0x2] =	wrdreg s24  }
0xaf: {  	[dreg:$0x3] =	wrdreg s2  }
0xb0: {  	[dreg:$0x4] =	wrdreg $0x0  }
0xb1: {  	[dreg:$0x5] =	wrdreg $0x9  }
0xb2: {  	_ =	task.clear_ibuf [dreg:s7], $0x6FFFF;
	_ =	strace $0x9000004F  }
0xb3: {  	s29 =	simm.s32 $0x9;
	_ =	strace $0x80000051  }
0xb4: {  	_ =	swait.ge [sflag:s29], $0x1  }
0xb5: {  	[sflag:s29] =	ssyncadd.s32 $0xFFFFFFFF  }
0xb6: {  	_ =	strace $0x90000051  }
0xb7: {  	_ =	sfence  }
0xb8: {  	s30 =	sld [smem:$0x0];
	_ =	sdelay $0x2  }
0xb9: {  	s31 =	sshll.u32 s1, $0xD;
	s1 =	sshrl.u32 s1, $0x2  }
0xba: {  	s3 =	sand.u32 $0x4000, s31;
	s1 =	sadd.s32 s1, s30  }
0xbb: {  	s0 =	sor.u32 s3, s0;
	s1 =	sshll.u32 s1, $0x11  }
0xbc: {  	s0 =	sor.u32 s1, s0  }
0xbd: {  	s0 =	sadd.s32 $0x8F2B, s0  }
0xbe: {  	[sflag:s0] =	ssyncadd.remote.s32 $0x1  }
0xbf: {  	_ =	sfence.sel $0xFFFF  }
0xc0: {  	[dreg:$0x0] =	wrdreg $0xFFFFFFFF;
	(pc) =	sbr.abs _section_cstart, $3  }
0xc1: {  	[dreg:$0x1] =	wrdreg $0xFFFFFFFF  }
0xc2: {  	_ =	task.clear_ibuf [dreg:s7], $0x2FFFF;
	_ =	strace $0x9FFFFFFF  }
0xc3: {  	(tm) =	ssettm $0x7FFFFFFF  }
tec
execute0_lowered:
.L_overlay_start_1:
0x0: {  	(tag) =	ssettag $0x1  }
0x1: {  	s0 =	rddreg [dreg:$0x0]  }
0x2: {  	s1 =	rddreg [dreg:$0x1]  }
0x3: {  	s2 =	rddreg [dreg:$0x2];
	s3 =	simm.s32 $0x0;
	s6 =	stileid.u32  }
0x4: {  	s8 =	srdreg.scid;
	s28 =	simm.s32 $0x13A80;
	s29 =	simm.s32 $0x13980  }
0x5: {  	s30 =	simm.s32 $0x13A00;
	s31 =	simm.s32 $0x17A80;
	[smem:$0x7FF] =	sst s3  }
0x6: {  	s7 =	smul.u32 $0x13800, s6;
	s4 =	sadd.s32 $0x34200, s0;
	s5 =	sadd.s32 $0x2C00, s0  }
0x7: {  	s10 =	sand.u32 $0x1, s8;
	s11 =	smul.u32 $0x4E000, s6;
	s12 =	sadd.s32 $0x5B400, s0  }
0x8: {  	s22 =	sshll.u32 s6, $0x6;
	s23 =	sadd.s32 $0x138000, s2;
	s16 =	smul.u32 $0x2710, s6  }
0x9: {  	p0 =	sne.s32 s6, $0x0;
	_ =	strace $0x80000050;
	s20 =	ssub.s32 $0x2, s10  }
0xa: {  	s14 =	sshll.u32 s10, $0x4;
	[dreg:$0x6] =	wrdreg s23;
	s25 =	smul.u32 $0x138800, s10  }
0xb: {  	s10 =	smul.u32 $0x27100, s10;
	s9 =	sshrl.u32 s7, $0x3;
	s13 =	sshrl.u32 s20, $0x1  }
0xc: {  	s11 =	sshrl.u32 s11, $0x2;
	s21 =	sor.u32 s6, s14;
	s6 =	simm.s32 $0x2  }
0xd: {  	s19 =	sadd.s32 s9, s0;
	s9 =	ssub.s32 s20, s13;
	s11 =	sadd.s32 s11, s2  }
0xe: {  	s13 =	smul.u32 $0x2710, s21;
	s0 =	sadd.s32 $0x33A00, s0;
	s18 =	sadd.s32 s7, s25  }
0xf: {  	s7 =	simm.s32 $0x1BA80;
	[dreg:$0x4] =	wrdreg s11;
	s8 =	sadd.s32 $0xCA00, s19  }
0x10: {  	[dreg:$0x7] =	wrdreg s0;
	s19 =	sadd.s32 s16, s10;
	s10 =	simm.s32 $0x10  }
0x11: {  	s11 =	simm.s32 $0x1BB80;
	[dreg:$0x5] =	wrdreg s8;
	s8 =	sor.u32 $0x1C03, s22  }
0x12: {  	s24 =	sshrl.u32 s13, $0x3;
	s22 =	sshrl.u32 s25, $0x3;
	s23 =	sadd.s32 $0x180, s19  }
0x13: {  	s13 =	sadd.s32 s5, s24;
	s26 =	sadd.s32 s1, s24;
	s14 =	sadd.s32 $0x10, s24  }
0x14: {  	s0 =	sadd.s32 $0x4E0, s24;
	s24 =	sadd.s32 s12, s22;
	s25 =	sshrl.u32 s23, $0x3  }
0x15: {  	s22 =	sadd.s32 $0x100, s19;
	s23 =	simm.s32 $0x3;
	[dreg:$0x8] =	wrdreg s13  }
0x16: {  	[dreg:$0x9] =	wrdreg s26;
	s15 =	sadd.s32 s5, s14;
	s13 =	sadd.s32 s1, s14  }
0x17: {  	s17 =	sadd.s32 s5, s0;
	s0 =	sadd.s32 s1, s0;
	[dreg:$0xa] =	wrdreg s15  }
0x18: {  	s26 =	smax.u32 s9, $0x1;
	s20 =	sadd.s32 s25, s1;
	[dreg:$0xb] =	wrdreg s13  }
0x19: {  	s21 =	sadd.s32 s25, s5;
	s25 =	simm.s32 $0x13900;
	[dreg:$0xc] =	wrdreg s17  }
0x1a: {  	s9 =	simm.s32 $0x1BB00;
	[dreg:$0xd] =	wrdreg s0;
	s0 =	sshrl.u32 s18, $0x3  }
0x1b: {  	[dreg:$0x10] =	wrdreg s26;
	s26 =	simm.s32 $0x80;
	s0 =	sadd.s32 s12, s0  }
0x1c: {  	s12 =	simm.s32 $0x0;
	[dreg:$0xe] =	wrdreg s0;
	s0 =	sadd.s32 $0x27000, s24  }
0x1d: {  	s24 =	simm.s32 $0x13880;
	[dreg:$0xf] =	wrdreg s0;
	s0 =	simm.s32 $0x1  }
.LBB2_1:
0x1e: {  	s13 =	rddreg [dreg:$0x4]  }
0x1f: {  	s14 =	rddreg [dreg:$0x5];
	s13 =	sshrl.u32 s13, $0x3  }
0x20: {  	[spmem:s13], [sflag:s8] =	dma.local [hbm:s14], $0x2700  }
0x21: {  	_ =	swait.ge [sflag:s23], $0x2700  }
0x22: {  	[sflag:s23] =	ssyncset.done $0x0;
	s14 =	rddreg [dreg:$0x6]  }
0x23: {  	s15 =	rddreg [dreg:$0x7];
	[sflag:s23] =	ssyncadd.s32 $0xFFFFD900;
	s14 =	sshrl.u32 @!p0 s14, $0x3  }
0x24: {  	[spmem:s14], [sflag:s8] =	dma.local @!p0 [hbm:s15], $0x100  }
0x25: {  	s15 =	simm.s32 @!p0 $0x3  }
0x26: {  	_ =	swait.ge @!p0 [sflag:s15], $0x100  }
0x27: {  	[sflag:s15] =	ssyncset.done @!p0 $0x0  }
0x28: {  	[sflag:s15] =	ssyncadd.s32 @!p0 $0xFFFFFF00  }
0x29: {  	[bflag:$0x0] =	sbarrier.arrive $0xFFFF  }
0x2a: {  	s17 =	rddreg [dreg:$0x8]  }
0x2b: {  	[tilespmem:s24], [sflag:$0x3] =	stream.linear.gather [hbm4b:s17+s3], $0x80, $0x38;
	[tilespmem:$0x1C380] =	vst v63  }
0x2c: {  	_ =	swait.ge [sflag:s23], $0x80  }
0x2d: {  	[sflag:s23] =	ssyncset.done $0x0  }
0x2e: {  	s18 =	rddreg [dreg:$0x9];
	[sflag:s23] =	ssyncadd.s32 $0xFFFFFF80  }
0x2f: {  	[tilespmem:s25], [sflag:$0x3] =	stream.linear.gather [hbm4b:s18+s3], $0x80, $0x38;
	[tilespmem:$0x1C380] =	vst v63  }
0x30: {  	_ =	swait.ge [sflag:s23], $0x80  }
0x31: {  	[sflag:s23] =	ssyncset.done $0x0  }
0x32: {  	[sflag:s23] =	ssyncadd.s32 $0xFFFFFF80  }
0x33: {  	[tilespmem:s28], [sflag:$0x1] =	stream.indirect.gather [hbm4b:s4+s26], $0x80, s24, s26, $0xb8;
	[tilespmem:$0x1C380] =	vst v63  }
0x34: {  	s19 =	rddreg [dreg:$0xa]  }
0x35: {  	[tilespmem:s29], [sflag:$0x3] =	stream.linear.gather [hbm4b:s19+s3], $0x80, $0x38;
	[tilespmem:$0x1C380] =	vst v63  }
0x36: {  	_ =	swait.ge [sflag:s23], $0x80  }
0x37: {  	[sflag:s23] =	ssyncset.done $0x0  }
0x38: {  	s16 =	rddreg [dreg:$0xb];
	[sflag:s23] =	ssyncadd.s32 $0xFFFFFF80  }
0x39: {  	[tilespmem:s30], [sflag:$0x3] =	stream.linear.gather [hbm4b:s16+s3], $0x80, $0x38;
	[tilespmem:$0x1C380] =	vst v63  }
0x3a: {  	_ =	swait.ge [sflag:s23], $0x80  }
0x3b: {  	[sflag:s23] =	ssyncset.done $0x0  }
0x3c: {  	[sflag:s23] =	ssyncadd.s32 $0xFFFFFF80  }
0x3d: {  	[tilespmem:s31], [sflag:$0x2] =	stream.indirect.gather [hbm4b:s4+s26], $0x80, s29, s26, $0xb8;
	[tilespmem:$0x1C380] =	vst v63  }
0x3e: {  	_ =	swait.ge [sflag:s0], $0x4000  }
0x3f: {  	[sflag:s0] =	ssyncset.done $0x0  }
0x40: {  	[sflag:s0] =	ssyncadd.s32 $0xFFFFC000  }
0x41: {  	[spmem:s2] =	stream.indirect.scatter.add.f32 [tilespmem:s28], [sflag:$0x3], $0x80, s25, s26, $0xb8;
	[tilespmem:$0x1C380] =	vst v63  }
0x42: {  	_ =	swait.ge [sflag:s23], $0x4000  }
0x43: {  	s17 =	sshrl.u32 s22, $0x3;
	[sflag:s23] =	ssyncset.done $0x0  }
0x44: {  	s16 =	sadd.s32 s5, s17;
	[sflag:s23] =	ssyncadd.s32 $0xFFFFC000  }
0x45: {  	[tilespmem:s24], [sflag:$0x3] =	stream.linear.gather [hbm4b:s16+s3], $0x80, $0x38;
	[tilespmem:$0x1C380] =	vst v63  }
0x46: {  	_ =	swait.ge [sflag:s23], $0x80  }
0x47: {  	[sflag:s23] =	ssyncset.done $0x0  }
0x48: {  	s15 =	sadd.s32 s1, s17;
	[sflag:s23] =	ssyncadd.s32 $0xFFFFFF80  }
0x49: {  	[tilespmem:s25], [sflag:$0x3] =	stream.linear.gather [hbm4b:s15+s3], $0x80, $0x38;
	[tilespmem:$0x1C380] =	vst v63  }
0x4a: {  	_ =	swait.ge [sflag:s23], $0x80  }
0x4b: {  	[sflag:s23] =	ssyncset.done $0x0  }
0x4c: {  	[sflag:s23] =	ssyncadd.s32 $0xFFFFFF80  }
0x4d: {  	[tilespmem:s28], [sflag:$0x1] =	stream.indirect.gather [hbm4b:s4+s26], $0x80, s24, s26, $0xb8;
	[tilespmem:$0x1C380] =	vst v63  }
0x4e: {  	_ =	swait.ge [sflag:s6], $0x4000  }
0x4f: {  	[sflag:s6] =	ssyncset.done $0x0  }
0x50: {  	[sflag:s6] =	ssyncadd.s32 $0xFFFFC000  }
0x51: {  	[spmem:s2] =	stream.indirect.scatter.add.f32 [tilespmem:s31], [sflag:$0x3], $0x80, s30, s26, $0xb8;
	[tilespmem:$0x1C380] =	vst v63  }
0x52: {  	_ =	swait.ge [sflag:s23], $0x4000  }
0x53: {  	[sflag:s23] =	ssyncset.done $0x0  }
0x54: {  	s18 =	sadd.s32 $0x0, s21;
	[sflag:s23] =	ssyncadd.s32 $0xFFFFC000  }
0x55: {  	[tilespmem:s29], [sflag:$0x3] =	stream.linear.gather [hbm4b:s18+s3], $0x80, $0x38;
	[tilespmem:$0x1C380] =	vst v63  }
0x56: {  	_ =	swait.ge [sflag:s23], $0x80  }
0x57: {  	[sflag:s23] =	ssyncset.done $0x0  }
0x58: {  	s19 =	sadd.s32 $0x0, s20;
	[sflag:s23] =	ssyncadd.s32 $0xFFFFFF80  }
0x59: {  	[tilespmem:s30], [sflag:$0x3] =	stream.linear.gather [hbm4b:s19+s3], $0x80, $0x38;
	[tilespmem:$0x1C380] =	vst v63  }
0x5a: {  	_ =	swait.ge [sflag:s23], $0x80  }
0x5b: {  	[sflag:s23] =	ssyncset.done $0x0  }
0x5c: {  	s16 =	sadd.s32 $0x100, s22;
	s15 =	simm.s32 $0x20;
	[sflag:s23] =	ssyncadd.s32 $0xFFFFFF80  }
.LBB2_2:
0x5d: {  	[tilespmem:s31], [sflag:$0x2] =	stream.indirect.gather [hbm4b:s4+s26], $0x80, s29, s26, $0xb8;
	[tilespmem:$0x1C380] =	vst v63  }
0x5e: {  	s17 =	smov.u32 s15  }
0x5f: {  	p1 =	sne.s32 s15, $0x4A0;
	s15 =	sadd.s32 $0x20, s15;
	_ =	swait.ge [sflag:s0], $0x4000  }
0x60: {  	[sflag:s0] =	ssyncset.done $0x0  }
0x61: {  	[sflag:s0] =	ssyncadd.s32 $0xFFFFC000  }
0x62: {  	[spmem:s2] =	stream.indirect.scatter.add.f32 [tilespmem:s28], [sflag:$0x3], $0x80, s25, s26, $0xb8;
	[tilespmem:$0x1C380] =	vst v63  }
0x63: {  	_ =	swait.ge [sflag:s23], $0x4000  }
0x64: {  	s18 =	sshrl.u32 s16, $0x3;
	[sflag:s23] =	ssyncset.done $0x0  }
0x65: {  	s19 =	sadd.s32 s5, s18;
	[sflag:s23] =	ssyncadd.s32 $0xFFFFC000  }
0x66: {  	[tilespmem:s24], [sflag:$0x3] =	stream.linear.gather [hbm4b:s19+s3], $0x80, $0x38;
	[tilespmem:$0x1C380] =	vst v63  }
0x67: {  	_ =	swait.ge [sflag:s23], $0x80  }
0x68: {  	[sflag:s23] =	ssyncset.done $0x0  }
0x69: {  	s18 =	sadd.s32 s1, s18;
	[sflag:s23] =	ssyncadd.s32 $0xFFFFFF80  }
0x6a: {  	[tilespmem:s25], [sflag:$0x3] =	stream.linear.gather [hbm4b:s18+s3], $0x80, $0x38;
	[tilespmem:$0x1C380] =	vst v63  }
0x6b: {  	_ =	swait.ge [sflag:s23], $0x80  }
0x6c: {  	[sflag:s23] =	ssyncset.done $0x0  }
0x6d: {  	[sflag:s23] =	ssyncadd.s32 $0xFFFFFF80  }
0x6e: {  	[tilespmem:s28], [sflag:$0x1] =	stream.indirect.gather [hbm4b:s4+s26], $0x80, s24, s26, $0xb8;
	[tilespmem:$0x1C380] =	vst v63  }
0x6f: {  	_ =	swait.ge [sflag:s6], $0x4000  }
0x70: {  	[sflag:s6] =	ssyncset.done $0x0  }
0x71: {  	[sflag:s6] =	ssyncadd.s32 $0xFFFFC000  }
0x72: {  	[spmem:s2] =	stream.indirect.scatter.add.f32 [tilespmem:s31], [sflag:$0x3], $0x80, s30, s26, $0xb8;
	[tilespmem:$0x1C380] =	vst v63  }
0x73: {  	_ =	swait.ge [sflag:s23], $0x4000  }
0x74: {  	[sflag:s23] =	ssyncset.done $0x0  }
0x75: {  	s18 =	sadd.s32 s17, s21;
	[sflag:s23] =	ssyncadd.s32 $0xFFFFC000  }
0x76: {  	[tilespmem:s29], [sflag:$0x3] =	stream.linear.gather [hbm4b:s18+s3], $0x80, $0x38;
	[tilespmem:$0x1C380] =	vst v63  }
0x77: {  	_ =	swait.ge [sflag:s23], $0x80  }
0x78: {  	[sflag:s23] =	ssyncset.done $0x0  }
.Ltmp0:
0x79: {  	s17 =	sadd.s32 s17, s20;
	[sflag:s23] =	ssyncadd.s32 $0xFFFFFF80;
	(pc) =	sbr.rel @p1 .LBB2_2-.Ltmp0, $4  }
0x7a: {  	[tilespmem:s30], [sflag:$0x3] =	stream.linear.gather [hbm4b:s17+s3], $0x80, $0x38;
	[tilespmem:$0x1C380] =	vst v63  }
0x7b: {  	_ =	swait.ge [sflag:s23], $0x80  }
0x7c: {  	[sflag:s23] =	ssyncset.done $0x0  }
0x7d: {  	s16 =	sadd.s32 $0x100, s16;
	[sflag:s23] =	ssyncadd.s32 $0xFFFFFF80  }
0x7e: {  	[tilespmem:s31], [sflag:$0x2] =	stream.indirect.gather [hbm4b:s4+s26], $0x80, s29, s26, $0xb8;
	[tilespmem:$0x1C380] =	vst v63  }
0x7f: {  	_ =	swait.ge [sflag:s0], $0x4000  }
0x80: {  	[sflag:s0] =	ssyncset.done $0x0  }
0x81: {  	[sflag:s0] =	ssyncadd.s32 $0xFFFFC000  }
0x82: {  	[spmem:s2] =	stream.indirect.scatter.add.f32 [tilespmem:s28], [sflag:$0x3], $0x80, s25, s26, $0xb8;
	[tilespmem:$0x1C380] =	vst v63  }
0x83: {  	_ =	swait.ge [sflag:s23], $0x4000  }
0x84: {  	[sflag:s23] =	ssyncset.done $0x0  }
0x85: {  	[sflag:s23] =	ssyncadd.s32 $0xFFFFC000  }
0x86: {  	_ =	swait.ge [sflag:s6], $0x4000  }
0x87: {  	[sflag:s6] =	ssyncset.done $0x0  }
0x88: {  	[sflag:s6] =	ssyncadd.s32 $0xFFFFC000  }
0x89: {  	[spmem:s2] =	stream.indirect.scatter.add.f32 [tilespmem:s31], [sflag:$0x3], $0x80, s30, s26, $0xb8;
	[tilespmem:$0x1C380] =	vst v63  }
0x8a: {  	_ =	swait.ge [sflag:s23], $0x4000  }
0x8b: {  	[sflag:s23] =	ssyncset.done $0x0  }
0x8c: {  	s15 =	rddreg [dreg:$0xc];
	[sflag:s23] =	ssyncadd.s32 $0xFFFFC000  }
0x8d: {  	[tilespmem:s7], [sflag:$0x3] =	stream.linear.gather [hbm4b:s15+s3], $0x10, $0x38;
	[tilespmem:$0x1C380] =	vst v63  }
0x8e: {  	_ =	swait.ge [sflag:s23], $0x10  }
0x8f: {  	[sflag:s23] =	ssyncset.done $0x0  }
0x90: {  	s17 =	rddreg [dreg:$0xd];
	[sflag:s23] =	ssyncadd.s32 $0xFFFFFFF0  }
0x91: {  	[tilespmem:s9], [sflag:$0x3] =	stream.linear.gather [hbm4b:s17+s3], $0x10, $0x38;
	[tilespmem:$0x1C380] =	vst v63  }
0x92: {  	_ =	swait.ge [sflag:s23], $0x10  }
0x93: {  	[sflag:s23] =	ssyncset.done $0x0  }
0x94: {  	[sflag:s23] =	ssyncadd.s32 $0xFFFFFFF0  }
0x95: {  	[tilespmem:s11], [sflag:$0x1] =	stream.indirect.gather [hbm4b:s4+s10], $0x80, s7, s10, $0xb8;
	[tilespmem:$0x1C380] =	vst v63  }
0x96: {  	_ =	swait.ge [sflag:s0], $0x800  }
0x97: {  	[sflag:s0] =	ssyncset.done $0x0  }
0x98: {  	[sflag:s0] =	ssyncadd.s32 $0xFFFFF800  }
0x99: {  	[spmem:s2] =	stream.indirect.scatter.add.f32 [tilespmem:s11], [sflag:$0x3], $0x80, s9, s10, $0xb8;
	[tilespmem:$0x1C380] =	vst v63  }
0x9a: {  	_ =	swait.ge [sflag:s23], $0x800  }
0x9b: {  	[sflag:s23] =	ssyncset.done $0x0  }
0x9c: {  	[sflag:s23] =	ssyncadd.s32 $0xFFFFF800  }
0x9d: {  	[bflag:$0x0] =	sbarrier.arrive $0xFFFF  }
0x9e: {  	s18 =	rddreg [dreg:$0xe]  }
0x9f: {  	[hbm:s18], [sflag:s8] =	dma.local [spmem:s13], $0x2700  }
0xa0: {  	_ =	swait.ge [sflag:s23], $0x2700  }
0xa1: {  	[sflag:s23] =	ssyncset.done $0x0  }
0xa2: {  	s13 =	rddreg [dreg:$0xf];
	[sflag:s23] =	ssyncadd.s32 $0xFFFFD900  }
0xa3: {  	[hbm:s13], [sflag:s8] =	dma.local @!p0 [spmem:s14], $0x100  }
0xa4: {  	s13 =	simm.s32 @!p0 $0x3  }
0xa5: {  	_ =	swait.ge @!p0 [sflag:s13], $0x100  }
0xa6: {  	s12 =	sadd.s32 $0x1, s12;
	s19 =	rddreg [dreg:$0x10]  }
0xa7: {  	p1 =	sne.s32 s12, s19  }
.Ltmp1:
0xa8: {  	_ = 	snop;
	(pc) =	sbr.rel @p1 .LBB2_1-.Ltmp1, $3  }
0xa9: {  	_ =	sdelay $0x1  }
0xaa: {  	[sflag:s13] =	ssyncset.done @!p0 $0x0  }
0xab: {  	[sflag:s13] =	ssyncadd.s32 @!p0 $0xFFFFFF00  }
0xac: {  	_ =	sfence.sel $0x180000  }
0xad: {  	[bflag:$0x0] =	sbarrier.arrive $0xFFFF  }
0xae: {  	_ =	strace $0x90000050  }
0xaf: {  	[bflag:$0x2] =	sbarrier.arrive $0xFFFF  }
0xb0: {  	s0 =	rddreg [dreg:$0x3]  }
0xb1: {  	s0 =	sadd.s32 @!p0 $0x100000, s0  }
0xb2: {  	[sflag:s0] =	ssyncadd.tile.s32 @!p0 $0x1;
	_ =	shalt  }
.Lfunc_end2:
_tile_overlayer_lowered:
.L_overlay_start_2:
0xb3: {  	(tag) =	ssettag $0x2  }
0xb4: {  	s0 =	rddreg [dreg:$0x0];
	s2 =	stileid.u32  }
0xb5: {  	s1 =	rddreg [dreg:$0x1];
	p0 =	sne.s32 s2, $0x0  }
0xb6: {  	s3 =	rddreg [dreg:$0x2];
	[bflag:$0x3] =	sbarrier.arrive $0xFFFF;
	s2 =	simm.s32 @!p0 $0x1C03  }
0xb7: {  	[timem:s3], [sflag:s2] =	dma.local @!p0 [hbm:s0], s1  }
0xb8: {  	s0 =	simm.s32 @!p0 $0x3  }
0xb9: {  	_ =	swait.ge @!p0 [sflag:s0], s1  }
0xba: {  	s1 =	ssub.s32 @!p0 $0x0, s1;
	[sflag:s0] =	ssyncset.done @!p0 $0x0  }
0xbb: {  	[sflag:s0] =	ssyncadd.s32 @!p0 s1  }
0xbc: {  	[bflag:$0x3] =	sbarrier.arrive $0xFFFF  }
0xbd: {  	_ =	shalt  }

</sc_bundles>
